<compile_context>
chip_gen: v7x
topology: tpu7x:2x2x1
jax: 0.10.2.dev20260603
libtpu: 0.0.44.dev20260713+nightly
codegen_flags: <defaults>
</compile_context>

<pallas_src>
import functools

import jax
import jax.numpy as jnp
from jax import lax
from jax.experimental import pallas as pl
from jax.experimental.pallas import tpu as pltpu
from jax.experimental.pallas import tpu_sc as plsc

_N, _F, _H, _C = 10000, 128, 128, 10
_E = 320000
_NC, _NS = 2, 16
_NW = _NC * _NS
_EPT = _E // _NW
_CHUNK = 80
_NCH = _EPT // _CHUNK
_NPAD = 10112
_RPT = _NPAD // _NS
_NRING = 4
_NQ = _NCH // _NRING


def _agg_body(feat, src, dst, out,
              si0, si1, si2, si3, di0, di1, di2, di3,
              rows0, rows1, rows2, rows3,
              acc, gsem, ssem, isem):
    c = lax.axis_index("c")
    s = lax.axis_index("s")
    base = (c * _NS + s) * _EPT
    sis = (si0, si1, si2, si3)
    dis = (di0, di1, di2, di3)
    rows = (rows0, rows1, rows2, rows3)

    def sslice(k):
        return src.at[pl.ds(base + k * _CHUNK, _CHUNK)]

    def dslice(k):
        return dst.at[pl.ds(base + k * _CHUNK, _CHUNK)]

    for b in range(_NRING):
        pltpu.async_copy(sslice(b), sis[b], isem)
    for b in range(_NRING):
        pltpu.async_copy(dslice(b), dis[b], isem)
    for b in range(_NRING - 1):
        pltpu.make_async_copy(sslice(b), sis[b], isem).wait()
        pltpu.async_copy(feat.at[sis[b]], rows[b], gsem)

    zv = jnp.zeros((16,), jnp.float32)
    zbuf = rows[_NRING - 1]

    def zrow(r, carry):
        for k in range(8):
            zbuf[r, pl.ds(k * 16, 16)] = zv
        return carry

    lax.fori_loop(0, _CHUNK, zrow, 0)
    for t in range(_RPT // _CHUNK):
        pltpu.async_copy(zbuf, acc.at[pl.ds(s * _RPT + t * _CHUNK, _CHUNK)],
                         ssem)
    _nz = _RPT - (_RPT // _CHUNK) * _CHUNK
    pltpu.async_copy(zbuf.at[pl.ds(0, _nz)],
                     acc.at[pl.ds(s * _RPT + _RPT - _nz, _nz)], ssem)
    for t in range(_RPT // _CHUNK):
        pltpu.make_async_copy(
            zbuf, acc.at[pl.ds(s * _RPT + t * _CHUNK, _CHUNK)], ssem).wait()
    pltpu.make_async_copy(
        zbuf.at[pl.ds(0, _nz)],
        acc.at[pl.ds(s * _RPT + _RPT - _nz, _nz)], ssem).wait()
    plsc.subcore_barrier()

    pltpu.make_async_copy(sslice(_NRING - 1), sis[_NRING - 1], isem).wait()
    pltpu.async_copy(feat.at[sis[_NRING - 1]], rows[_NRING - 1], gsem)

    def round_(i, carry):
        j0 = _NRING * i
        for b in range(_NRING):
            k = j0 + b
            pltpu.make_async_copy(dslice(k), dis[b], isem).wait()
            pltpu.make_async_copy(feat.at[sis[b]], rows[b], gsem).wait()
            pltpu.async_copy(rows[b], acc.at[dis[b]], ssem, add=True)

            @pl.when(k + _NRING < _NCH)
            def _load_src(b=b, k=k):
                pltpu.async_copy(sslice(k + _NRING), sis[b], isem)

        for b in range(_NRING):
            k = j0 + b
            pltpu.make_async_copy(rows[b], acc.at[dis[b]], ssem).wait()

            @pl.when(k + _NRING < _NCH)
            def _issue(b=b, k=k):
                pltpu.async_copy(dslice(k + _NRING), dis[b], isem)
                pltpu.make_async_copy(sslice(k + _NRING), sis[b],
                                      isem).wait()
                pltpu.async_copy(feat.at[sis[b]], rows[b], gsem)

        return carry

    lax.fori_loop(0, _NQ, round_, 0)

    kl = _NQ * _NRING
    bl = kl % _NRING
    pltpu.make_async_copy(dslice(kl), dis[bl], isem).wait()
    pltpu.make_async_copy(feat.at[sis[bl]], rows[bl], gsem).wait()
    pltpu.async_copy(rows[bl], acc.at[dis[bl]], ssem, add=True)
    pltpu.make_async_copy(rows[bl], acc.at[dis[bl]], ssem).wait()

    plsc.subcore_barrier()
    pltpu.sync_copy(acc.at[pl.ds(s * _RPT, _RPT)],
                    out.at[c, pl.ds(s * _RPT, _RPT)])


@functools.cache
def _make_sc_agg():
    return pl.kernel(
        _agg_body,
        out_type=jax.ShapeDtypeStruct((_NC, _NPAD, _F), jnp.float32),
        mesh=plsc.VectorSubcoreMesh(core_axis_name="c", subcore_axis_name="s",
                                    num_cores=_NC, num_subcores=_NS),
        scratch_types=[
            pltpu.VMEM((_CHUNK,), jnp.int32),
            pltpu.VMEM((_CHUNK,), jnp.int32),
            pltpu.VMEM((_CHUNK,), jnp.int32),
            pltpu.VMEM((_CHUNK,), jnp.int32),
            pltpu.VMEM((_CHUNK,), jnp.int32),
            pltpu.VMEM((_CHUNK,), jnp.int32),
            pltpu.VMEM((_CHUNK,), jnp.int32),
            pltpu.VMEM((_CHUNK,), jnp.int32),
            pltpu.VMEM((_CHUNK, _F), jnp.float32),
            pltpu.VMEM((_CHUNK, _F), jnp.float32),
            pltpu.VMEM((_CHUNK, _F), jnp.float32),
            pltpu.VMEM((_CHUNK, _F), jnp.float32),
            pltpu.VMEM_SHARED((_NPAD, _F), jnp.float32),
            pltpu.SemaphoreType.DMA,
            pltpu.SemaphoreType.DMA,
            pltpu.SemaphoreType.DMA,
        ],
    )


def _sc_agg(feat, src, dst):
    return _make_sc_agg()(feat, src, dst)

_R = 2000
_NB = _N // _R


_ROW = lambda i: (i, 0)
_FIX = lambda i: (0, 0)


def _gin1_body(eps_s, x, p0, p1, w1, b1, w2, b2, g, be,
               h_out, slab, s_scr, q_scr):
    i = pl.program_id(0)

    @pl.when(i < _NB)
    def _compute():
        hin = (1.0 + eps_s[0]) * x[:] + p0[:] + p1[:]
        t = jnp.maximum(
            jnp.dot(hin, w1[:], preferred_element_type=jnp.float32)
            + b1[:], 0.0)
        u = jnp.maximum(
            jnp.dot(t, w2[:], preferred_element_type=jnp.float32)
            + b2[:], 0.0)
        slab[pl.ds(i * _R, _R), :] = u

        @pl.when(i == 0)
        def _init():
            s_scr[:] = jnp.zeros_like(s_scr)
            q_scr[:] = jnp.zeros_like(q_scr)

        s_scr[:] += jnp.sum(u, axis=0, keepdims=True)
        q_scr[:] += jnp.sum(u * u, axis=0, keepdims=True)

    @pl.when(i >= _NB)
    def _affine():
        m = s_scr[:] * (1.0 / _N)
        v = q_scr[:] * (1.0 / _N) - m * m
        a = g[:] * lax.rsqrt(v + 1e-5)
        j = i - _NB
        h_out[:] = slab[pl.ds(j * _R, _R), :] * a + (be[:] - m * a)


def _gin1(eps, xx, p0, p1, w1, b1, w2, b2, g, be):
    pin = lambda i: (jnp.minimum(i, _NB - 1), 0)
    out_map = lambda i: (jnp.maximum(i - _NB, 0), 0)
    return pl.pallas_call(
        _gin1_body,
        grid=(2 * _NB,),
        in_specs=[
            pl.BlockSpec(memory_space=pltpu.SMEM),
            pl.BlockSpec((_R, _F), pin),
            pl.BlockSpec((_R, _F), pin),
            pl.BlockSpec((_R, _F), pin),
            pl.BlockSpec((_F, _H), _FIX),
            pl.BlockSpec((1, _H), _FIX),
            pl.BlockSpec((_H, _H), _FIX),
            pl.BlockSpec((1, _H), _FIX),
            pl.BlockSpec((1, _H), _FIX),
            pl.BlockSpec((1, _H), _FIX),
        ],
        out_specs=pl.BlockSpec((_R, _H), out_map),
        out_shape=jax.ShapeDtypeStruct((_N, _H), jnp.float32),
        scratch_shapes=[pltpu.VMEM((_N, _H), jnp.float32),
                        pltpu.VMEM((1, _H), jnp.float32),
                        pltpu.VMEM((1, _H), jnp.float32)],
    )(eps, xx, p0, p1, w1, b1, w2, b2, g, be)


def _gin2_head_body(eps_s, h, p0, p1, w1, b1, w2, b2, g, be,
                    l1w, l1b, l2w, l2b, o, s_scr, q_scr):
    i = pl.program_id(0)
    hin = (1.0 + eps_s[0]) * h[:] + p0[:] + p1[:]
    t = jnp.maximum(
        jnp.dot(hin, w1[:], preferred_element_type=jnp.float32) + b1[:], 0.0)
    u = jnp.maximum(
        jnp.dot(t, w2[:], preferred_element_type=jnp.float32) + b2[:], 0.0)

    @pl.when(i == 0)
    def _init():
        s_scr[:] = jnp.zeros_like(s_scr)
        q_scr[:] = jnp.zeros_like(q_scr)

    s_scr[:] += jnp.sum(u, axis=0, keepdims=True)
    q_scr[:] += jnp.sum(u * u, axis=0, keepdims=True)

    @pl.when(i == _NB - 1)
    def _fin():
        m = s_scr[:] * (1.0 / _N)
        v = q_scr[:] * (1.0 / _N) - m * m
        a = g[:] * lax.rsqrt(v + 1e-5)
        pooled = m * a + (be[:] - m * a)
        tt = jnp.maximum(
            jnp.dot(pooled, l1w[:], preferred_element_type=jnp.float32)
            + l1b[:], 0.0)
        z = jnp.dot(tt, l2w[:], preferred_element_type=jnp.float32) + l2b[:]
        zm = jnp.max(z, axis=-1, keepdims=True)
        e = z - zm
        o[:] = e - jnp.log(jnp.sum(jnp.exp(e), axis=-1, keepdims=True))


def _gin2_head(eps, h, p0, p1, w1, b1, w2, b2, g, be, l1w, l1b, l2w, l2b):
    return pl.pallas_call(
        _gin2_head_body,
        grid=(_NB,),
        in_specs=[
            pl.BlockSpec(memory_space=pltpu.SMEM),
            pl.BlockSpec((_R, _F), _ROW),
            pl.BlockSpec((_R, _F), _ROW),
            pl.BlockSpec((_R, _F), _ROW),
            pl.BlockSpec((_F, _H), _FIX),
            pl.BlockSpec((1, _H), _FIX),
            pl.BlockSpec((_H, _H), _FIX),
            pl.BlockSpec((1, _H), _FIX),
            pl.BlockSpec((1, _H), _FIX),
            pl.BlockSpec((1, _H), _FIX),
            pl.BlockSpec((_H, _H), _FIX),
            pl.BlockSpec((1, _H), _FIX),
            pl.BlockSpec((_H, _C), _FIX),
            pl.BlockSpec((1, _C), _FIX),
        ],
        out_specs=pl.BlockSpec((1, _C), _FIX),
        out_shape=jax.ShapeDtypeStruct((1, _C), jnp.float32),
        scratch_shapes=[pltpu.VMEM((1, _H), jnp.float32),
                        pltpu.VMEM((1, _H), jnp.float32)],
    )(eps, h, p0, p1, w1, b1, w2, b2, g, be, l1w, l1b, l2w, l2b)


def kernel(x, edge_index, batch, c1_w1, c1_b1, c1_w2, c1_b2, c1_g, c1_be,
           c1_eps, c2_w1, c2_b1, c2_w2, c2_b2, c2_g, c2_be, c2_eps,
           lin1_w, lin1_b, lin2_w, lin2_b):
    src = edge_index[0]
    dst = edge_index[1]

    p1 = _sc_agg(x, src, dst)
    h1 = _gin1(c1_eps.reshape(1), x, p1[0], p1[1],
               c1_w1, c1_b1.reshape(1, -1),
               c1_w2, c1_b2.reshape(1, -1),
               c1_g.reshape(1, -1), c1_be.reshape(1, -1))

    p2 = _sc_agg(h1, src, dst)
    return _gin2_head(c2_eps.reshape(1), h1, p2[0], p2[1],
                      c2_w1, c2_b1.reshape(1, -1),
                      c2_w2, c2_b2.reshape(1, -1),
                      c2_g.reshape(1, -1), c2_be.reshape(1, -1),
                      lin1_w, lin1_b.reshape(1, -1),
                      lin2_w, lin2_b.reshape(1, -1))

# --- scband reference (transcript-rebuilt; emitter-appended) ---
"""Pipeline reference for scband-gin3-57071525429597 (READ-ONLY COPY).

The authoritative reference and input builder live on the scoring server;
editing this copy changes nothing except your own understanding.
"""

import jax, jax.numpy as jnp
import numpy as np

N, F, H, C = 10000, 128, 128, 10
E = 320000

def _bn(h, g, b):
    m = jnp.mean(h, axis=0)
    v = jnp.var(h, axis=0)
    return (h - m) / jnp.sqrt(v + 1e-5) * g + b

def _gin(x, src, dst, eps, w1, b1, w2, b2, g, be):
    agg = jax.ops.segment_sum(x[src], dst, num_segments=x.shape[0])
    h = (1.0 + eps) * x + agg
    h = jax.nn.relu(h @ w1 + b1)
    h = jax.nn.relu(h @ w2 + b2)
    return _bn(h, g, be)

def setup_inputs(seed: int = 0):
    key = jax.random.key(seed)
    ks = jax.random.split(key, 12)
    s = 0.05
    inp = {
        "x": jax.random.normal(ks[0], (N, F), dtype=jnp.float32),
        "edge_index": jax.random.randint(ks[1], (2, E), 0, N),
        "batch": jnp.zeros((N,), dtype=jnp.int32),
        "c1_w1": jax.random.normal(ks[2], (F, H), dtype=jnp.float32) * s,
        "c1_b1": jnp.zeros((H,), dtype=jnp.float32),
        "c1_w2": jax.random.normal(ks[3], (H, H), dtype=jnp.float32) * s,
        "c1_b2": jnp.zeros((H,), dtype=jnp.float32),
        "c1_g": jnp.ones((H,), dtype=jnp.float32),
        "c1_be": jnp.zeros((H,), dtype=jnp.float32),
        "c1_eps": jnp.zeros((), dtype=jnp.float32),
        "c2_w1": jax.random.normal(ks[4], (H, H), dtype=jnp.float32) * s,
        "c2_b1": jnp.zeros((H,), dtype=jnp.float32),
        "c2_w2": jax.random.normal(ks[5], (H, H), dtype=jnp.float32) * s,
        "c2_b2": jnp.zeros((H,), dtype=jnp.float32),
        "c2_g": jnp.ones((H,), dtype=jnp.float32),
        "c2_be": jnp.zeros((H,), dtype=jnp.float32),
        "c2_eps": jnp.zeros((), dtype=jnp.float32),
        "lin1_w": jax.random.normal(ks[6], (H, H), dtype=jnp.float32) * s,
        "lin1_b": jnp.zeros((H,), dtype=jnp.float32),
        "lin2_w": jax.random.normal(ks[7], (H, C), dtype=jnp.float32) * s,
        "lin2_b": jnp.zeros((C,), dtype=jnp.float32),
    }
    return inp

def reference(x, edge_index, batch, c1_w1, c1_b1, c1_w2, c1_b2, c1_g, c1_be, c1_eps, c2_w1, c2_b1, c2_w2, c2_b2, c2_g, c2_be, c2_eps, lin1_w, lin1_b, lin2_w, lin2_b):
    src, dst = edge_index[0], edge_index[1]
    h = _gin(x, src, dst, c1_eps, c1_w1, c1_b1, c1_w2, c1_b2, c1_g, c1_be)
    h = _gin(h, src, dst, c2_eps, c2_w1, c2_b1, c2_w2, c2_b2, c2_g, c2_be)
    num_graphs = 1
    sums = jax.ops.segment_sum(h, batch, num_segments=num_graphs)
    cnts = jax.ops.segment_sum(jnp.ones((h.shape[0], 1), h.dtype), batch, num_segments=num_graphs)
    pooled = sums / jnp.maximum(cnts, 1.0)
    o = jax.nn.relu(pooled @ lin1_w + lin1_b)
    # dropout is identity in eval/deterministic reference
    o = o @ lin2_w + lin2_b
    return jax.nn.log_softmax(o, axis=-1)

if __name__ == "__main__":
    import jax
    _d = setup_inputs()
    print(jax.jit(kernel)(*tuple(_d.values())))

</pallas_src>

<mosaic_0001>
#map = affine_map<(d0, d1) -> (0, 0)>
#map1 = affine_map<(d0, d1) -> (0)>
#map2 = affine_map<(d0, d1) -> (0, 0, 0)>
module attributes {stable_mosaic.version = 14 : i64} {
  func.func @_agg_body(%arg0: i32, %arg1: i32, %arg2: memref<10000x128xf32, #tpu.memory_space<hbm>>, %arg3: memref<320000xi32, #tpu.memory_space<hbm>>, %arg4: memref<320000xi32, #tpu.memory_space<hbm>>, %arg5: memref<2x10112x128xf32, #tpu.memory_space<hbm>>, %arg6: memref<80xi32, #tpu.memory_space<vmem>>, %arg7: memref<80xi32, #tpu.memory_space<vmem>>, %arg8: memref<80xi32, #tpu.memory_space<vmem>>, %arg9: memref<80xi32, #tpu.memory_space<vmem>>, %arg10: memref<80xi32, #tpu.memory_space<vmem>>, %arg11: memref<80xi32, #tpu.memory_space<vmem>>, %arg12: memref<80xi32, #tpu.memory_space<vmem>>, %arg13: memref<80xi32, #tpu.memory_space<vmem>>, %arg14: memref<80x128xf32, #tpu.memory_space<vmem>>, %arg15: memref<80x128xf32, #tpu.memory_space<vmem>>, %arg16: memref<80x128xf32, #tpu.memory_space<vmem>>, %arg17: memref<80x128xf32, #tpu.memory_space<vmem>>, %arg18: memref<10112x128xf32, #tpu.memory_space<vmem_shared>>, %arg19: memref<!tpu.dma_semaphore, #tpu.memory_space<semaphore_mem>>, %arg20: memref<!tpu.dma_semaphore, #tpu.memory_space<semaphore_mem>>, %arg21: memref<!tpu.dma_semaphore, #tpu.memory_space<semaphore_mem>>) attributes {dimension_semantics = [#tpu.dimension_semantics<core_parallel>, #tpu.dimension_semantics<subcore_parallel>], iteration_bounds = array<i64: 2, 16>, scalar_prefetch = 0 : i64, scratch_operands = 16 : i64, tpu.core_type = #tpu.core_type<sc_vector_subcore>, window_params = [{transform_indices = #map}, {transform_indices = #map1}, {transform_indices = #map1}, {transform_indices = #map2}]} {
    %mul3A = arith.constant 16 : i32
    %mul3A_0 = arith.muli %arg0, %mul3A : i32
    %add3A = arith.addi %mul3A_0, %arg1 : i32
    %mul3A_1 = arith.constant 10000 : i32
    %mul3A_2 = arith.muli %add3A, %mul3A_1 : i32
    %add3A_3 = arith.constant 0 : i32
    %add3A_4 = arith.addi %mul3A_2, %add3A_3 : i32
    %dma_start3A = tpu.memref_slice %arg3[%add3A_4] : memref<320000xi32, #tpu.memory_space<hbm>> -> memref<80xi32, #tpu.memory_space<hbm>>
    %dma_start3A_5 = tpu.memref_slice %arg3[%add3A_4] : memref<320000xi32, #tpu.memory_space<hbm>> -> memref<80xi32, #tpu.memory_space<hbm>>
    tpu.enqueue_dma source(%dma_start3A_5 : memref<80xi32, #tpu.memory_space<hbm>>) target(%arg6 : memref<80xi32, #tpu.memory_space<vmem>>) target_semaphore(%arg21 : memref<!tpu.dma_semaphore, #tpu.memory_space<semaphore_mem>>)
    %add3A_6 = arith.constant 80 : i32
    %add3A_7 = arith.addi %mul3A_2, %add3A_6 : i32
    %dma_start3A_8 = tpu.memref_slice %arg3[%add3A_7] : memref<320000xi32, #tpu.memory_space<hbm>> -> memref<80xi32, #tpu.memory_space<hbm>>
    %dma_start3A_9 = tpu.memref_slice %arg3[%add3A_7] : memref<320000xi32, #tpu.memory_space<hbm>> -> memref<80xi32, #tpu.memory_space<hbm>>
    tpu.enqueue_dma source(%dma_start3A_9 : memref<80xi32, #tpu.memory_space<hbm>>) target(%arg7 : memref<80xi32, #tpu.memory_space<vmem>>) target_semaphore(%arg21 : memref<!tpu.dma_semaphore, #tpu.memory_space<semaphore_mem>>)
    %add3A_10 = arith.constant 160 : i32
    %add3A_11 = arith.addi %mul3A_2, %add3A_10 : i32
    %dma_start3A_12 = tpu.memref_slice %arg3[%add3A_11] : memref<320000xi32, #tpu.memory_space<hbm>> -> memref<80xi32, #tpu.memory_space<hbm>>
    %dma_start3A_13 = tpu.memref_slice %arg3[%add3A_11] : memref<320000xi32, #tpu.memory_space<hbm>> -> memref<80xi32, #tpu.memory_space<hbm>>
    tpu.enqueue_dma source(%dma_start3A_13 : memref<80xi32, #tpu.memory_space<hbm>>) target(%arg8 : memref<80xi32, #tpu.memory_space<vmem>>) target_semaphore(%arg21 : memref<!tpu.dma_semaphore, #tpu.memory_space<semaphore_mem>>)
    %add3A_14 = arith.constant 240 : i32
    %add3A_15 = arith.addi %mul3A_2, %add3A_14 : i32
    %dma_start3A_16 = tpu.memref_slice %arg3[%add3A_15] : memref<320000xi32, #tpu.memory_space<hbm>> -> memref<80xi32, #tpu.memory_space<hbm>>
    %dma_start3A_17 = tpu.memref_slice %arg3[%add3A_15] : memref<320000xi32, #tpu.memory_space<hbm>> -> memref<80xi32, #tpu.memory_space<hbm>>
    tpu.enqueue_dma source(%dma_start3A_17 : memref<80xi32, #tpu.memory_space<hbm>>) target(%arg9 : memref<80xi32, #tpu.memory_space<vmem>>) target_semaphore(%arg21 : memref<!tpu.dma_semaphore, #tpu.memory_space<semaphore_mem>>)
    %add3A_18 = arith.constant 0 : i32
    %add3A_19 = arith.addi %mul3A_2, %add3A_18 : i32
    %dma_start3A_20 = tpu.memref_slice %arg4[%add3A_19] : memref<320000xi32, #tpu.memory_space<hbm>> -> memref<80xi32, #tpu.memory_space<hbm>>
    %dma_start3A_21 = tpu.memref_slice %arg4[%add3A_19] : memref<320000xi32, #tpu.memory_space<hbm>> -> memref<80xi32, #tpu.memory_space<hbm>>
    tpu.enqueue_dma source(%dma_start3A_21 : memref<80xi32, #tpu.memory_space<hbm>>) target(%arg10 : memref<80xi32, #tpu.memory_space<vmem>>) target_semaphore(%arg21 : memref<!tpu.dma_semaphore, #tpu.memory_space<semaphore_mem>>)
    %add3A_22 = arith.constant 80 : i32
    %add3A_23 = arith.addi %mul3A_2, %add3A_22 : i32
    %dma_start3A_24 = tpu.memref_slice %arg4[%add3A_23] : memref<320000xi32, #tpu.memory_space<hbm>> -> memref<80xi32, #tpu.memory_space<hbm>>
    %dma_start3A_25 = tpu.memref_slice %arg4[%add3A_23] : memref<320000xi32, #tpu.memory_space<hbm>> -> memref<80xi32, #tpu.memory_space<hbm>>
    tpu.enqueue_dma source(%dma_start3A_25 : memref<80xi32, #tpu.memory_space<hbm>>) target(%arg11 : memref<80xi32, #tpu.memory_space<vmem>>) target_semaphore(%arg21 : memref<!tpu.dma_semaphore, #tpu.memory_space<semaphore_mem>>)
    %add3A_26 = arith.constant 160 : i32
    %add3A_27 = arith.addi %mul3A_2, %add3A_26 : i32
    %dma_start3A_28 = tpu.memref_slice %arg4[%add3A_27] : memref<320000xi32, #tpu.memory_space<hbm>> -> memref<80xi32, #tpu.memory_space<hbm>>
    %dma_start3A_29 = tpu.memref_slice %arg4[%add3A_27] : memref<320000xi32, #tpu.memory_space<hbm>> -> memref<80xi32, #tpu.memory_space<hbm>>
    tpu.enqueue_dma source(%dma_start3A_29 : memref<80xi32, #tpu.memory_space<hbm>>) target(%arg12 : memref<80xi32, #tpu.memory_space<vmem>>) target_semaphore(%arg21 : memref<!tpu.dma_semaphore, #tpu.memory_space<semaphore_mem>>)
    %add3A_30 = arith.constant 240 : i32
    %add3A_31 = arith.addi %mul3A_2, %add3A_30 : i32
    %dma_start3A_32 = tpu.memref_slice %arg4[%add3A_31] : memref<320000xi32, #tpu.memory_space<hbm>> -> memref<80xi32, #tpu.memory_space<hbm>>
    %dma_start3A_33 = tpu.memref_slice %arg4[%add3A_31] : memref<320000xi32, #tpu.memory_space<hbm>> -> memref<80xi32, #tpu.memory_space<hbm>>
    tpu.enqueue_dma source(%dma_start3A_33 : memref<80xi32, #tpu.memory_space<hbm>>) target(%arg13 : memref<80xi32, #tpu.memory_space<vmem>>) target_semaphore(%arg21 : memref<!tpu.dma_semaphore, #tpu.memory_space<semaphore_mem>>)
    %add3A_34 = arith.constant 0 : i32
    %add3A_35 = arith.addi %mul3A_2, %add3A_34 : i32
    %dma_wait3A = tpu.memref_slice %arg3[%add3A_35] : memref<320000xi32, #tpu.memory_space<hbm>> -> memref<80xi32, #tpu.memory_space<hbm>>
    %dma_wait3A_36 = tpu.memref_slice %arg3[%add3A_35] : memref<320000xi32, #tpu.memory_space<hbm>> -> memref<80xi32, #tpu.memory_space<hbm>>
    tpu.wait_dma2 semaphore(%arg21 : memref<!tpu.dma_semaphore, #tpu.memory_space<semaphore_mem>>) src(%dma_wait3A_36 : memref<80xi32, #tpu.memory_space<hbm>>) dst(%arg6 : memref<80xi32, #tpu.memory_space<vmem>>)
    %dma_start3A_37 = arith.constant 0 : i32
    %dma_start3A_38 = arith.constant 0 : i32
    %dma_start3A_39 = tpu.memref_slice %arg2[%dma_start3A_37, %dma_start3A_38] : memref<10000x128xf32, #tpu.memory_space<hbm>> -> memref<10000x128xf32, #tpu.memory_space<hbm>>
    tpu.enqueue_indirect_dma source(%dma_start3A_39 : memref<10000x128xf32, #tpu.memory_space<hbm>>) target(%arg14 : memref<80x128xf32, #tpu.memory_space<vmem>>) offsets(%arg6 : memref<80xi32, #tpu.memory_space<vmem>>) semaphore(%arg19 : memref<!tpu.dma_semaphore, #tpu.memory_space<semaphore_mem>>)
    %add3A_40 = arith.constant 80 : i32
    %add3A_41 = arith.addi %mul3A_2, %add3A_40 : i32
    %dma_wait3A_42 = tpu.memref_slice %arg3[%add3A_41] : memref<320000xi32, #tpu.memory_space<hbm>> -> memref<80xi32, #tpu.memory_space<hbm>>
    %dma_wait3A_43 = tpu.memref_slice %arg3[%add3A_41] : memref<320000xi32, #tpu.memory_space<hbm>> -> memref<80xi32, #tpu.memory_space<hbm>>
    tpu.wait_dma2 semaphore(%arg21 : memref<!tpu.dma_semaphore, #tpu.memory_space<semaphore_mem>>) src(%dma_wait3A_43 : memref<80xi32, #tpu.memory_space<hbm>>) dst(%arg7 : memref<80xi32, #tpu.memory_space<vmem>>)
    %dma_start3A_44 = arith.constant 0 : i32
    %dma_start3A_45 = arith.constant 0 : i32
    %dma_start3A_46 = tpu.memref_slice %arg2[%dma_start3A_44, %dma_start3A_45] : memref<10000x128xf32, #tpu.memory_space<hbm>> -> memref<10000x128xf32, #tpu.memory_space<hbm>>
    tpu.enqueue_indirect_dma source(%dma_start3A_46 : memref<10000x128xf32, #tpu.memory_space<hbm>>) target(%arg15 : memref<80x128xf32, #tpu.memory_space<vmem>>) offsets(%arg7 : memref<80xi32, #tpu.memory_space<vmem>>) semaphore(%arg19 : memref<!tpu.dma_semaphore, #tpu.memory_space<semaphore_mem>>)
    %add3A_47 = arith.constant 160 : i32
    %add3A_48 = arith.addi %mul3A_2, %add3A_47 : i32
    %dma_wait3A_49 = tpu.memref_slice %arg3[%add3A_48] : memref<320000xi32, #tpu.memory_space<hbm>> -> memref<80xi32, #tpu.memory_space<hbm>>
    %dma_wait3A_50 = tpu.memref_slice %arg3[%add3A_48] : memref<320000xi32, #tpu.memory_space<hbm>> -> memref<80xi32, #tpu.memory_space<hbm>>
    tpu.wait_dma2 semaphore(%arg21 : memref<!tpu.dma_semaphore, #tpu.memory_space<semaphore_mem>>) src(%dma_wait3A_50 : memref<80xi32, #tpu.memory_space<hbm>>) dst(%arg8 : memref<80xi32, #tpu.memory_space<vmem>>)
    %dma_start3A_51 = arith.constant 0 : i32
    %dma_start3A_52 = arith.constant 0 : i32
    %dma_start3A_53 = tpu.memref_slice %arg2[%dma_start3A_51, %dma_start3A_52] : memref<10000x128xf32, #tpu.memory_space<hbm>> -> memref<10000x128xf32, #tpu.memory_space<hbm>>
    tpu.enqueue_indirect_dma source(%dma_start3A_53 : memref<10000x128xf32, #tpu.memory_space<hbm>>) target(%arg16 : memref<80x128xf32, #tpu.memory_space<vmem>>) offsets(%arg8 : memref<80xi32, #tpu.memory_space<vmem>>) semaphore(%arg19 : memref<!tpu.dma_semaphore, #tpu.memory_space<semaphore_mem>>)
    %broadcast_in_dim3A = arith.constant 0.000000e+00 : f32
    %broadcast_in_dim3A_54 = vector.broadcast %broadcast_in_dim3A : f32 to vector<16xf32>
    %scan3A = arith.constant 0 : i32
    %scan3A_55 = arith.constant 0 : i32
    %scan3A_56 = arith.constant 80 : i32
    %scan3A_57 = arith.addi %scan3A_55, %scan3A_56 : i32
    %scan3A_58 = arith.constant 1 : i32
    scf.for %scan3A_234 = %scan3A_55 to %scan3A_57 step %scan3A_58  : i32 {
      %swap3A = arith.index_cast %scan3A_234 : i32 to index
      %swap3A_235 = arith.constant 0 : index
      %swap3A_236 = tpu.vector_load %arg17[%swap3A, %swap3A_235] {strides = array<i32>} : memref<80x128xf32, #tpu.memory_space<vmem>>, vector<1x16xf32>,
      %swap3A_237 = vector.shape_cast %swap3A_236 : vector<1x16xf32> to vector<16xf32>
      %swap3A_238 = vector.shape_cast %broadcast_in_dim3A_54 : vector<16xf32> to vector<1x16xf32>
      tpu.vector_store %arg17[%swap3A, %swap3A_235], %swap3A_238 {strides = array<i32>} : memref<80x128xf32, #tpu.memory_space<vmem>>, vector<1x16xf32>,
      %swap3A_239 = arith.index_cast %scan3A_234 : i32 to index
      %swap3A_240 = arith.constant 16 : index
      %swap3A_241 = tpu.vector_load %arg17[%swap3A_239, %swap3A_240] {strides = array<i32>} : memref<80x128xf32, #tpu.memory_space<vmem>>, vector<1x16xf32>,
      %swap3A_242 = vector.shape_cast %swap3A_241 : vector<1x16xf32> to vector<16xf32>
      %swap3A_243 = vector.shape_cast %broadcast_in_dim3A_54 : vector<16xf32> to vector<1x16xf32>
      tpu.vector_store %arg17[%swap3A_239, %swap3A_240], %swap3A_243 {strides = array<i32>} : memref<80x128xf32, #tpu.memory_space<vmem>>, vector<1x16xf32>,
      %swap3A_244 = arith.index_cast %scan3A_234 : i32 to index
      %swap3A_245 = arith.constant 32 : index
      %swap3A_246 = tpu.vector_load %arg17[%swap3A_244, %swap3A_245] {strides = array<i32>} : memref<80x128xf32, #tpu.memory_space<vmem>>, vector<1x16xf32>,
      %swap3A_247 = vector.shape_cast %swap3A_246 : vector<1x16xf32> to vector<16xf32>
      %swap3A_248 = vector.shape_cast %broadcast_in_dim3A_54 : vector<16xf32> to vector<1x16xf32>
      tpu.vector_store %arg17[%swap3A_244, %swap3A_245], %swap3A_248 {strides = array<i32>} : memref<80x128xf32, #tpu.memory_space<vmem>>, vector<1x16xf32>,
      %swap3A_249 = arith.index_cast %scan3A_234 : i32 to index
      %swap3A_250 = arith.constant 48 : index
      %swap3A_251 = tpu.vector_load %arg17[%swap3A_249, %swap3A_250] {strides = array<i32>} : memref<80x128xf32, #tpu.memory_space<vmem>>, vector<1x16xf32>,
      %swap3A_252 = vector.shape_cast %swap3A_251 : vector<1x16xf32> to vector<16xf32>
      %swap3A_253 = vector.shape_cast %broadcast_in_dim3A_54 : vector<16xf32> to vector<1x16xf32>
      tpu.vector_store %arg17[%swap3A_249, %swap3A_250], %swap3A_253 {strides = array<i32>} : memref<80x128xf32, #tpu.memory_space<vmem>>, vector<1x16xf32>,
      %swap3A_254 = arith.index_cast %scan3A_234 : i32 to index
      %swap3A_255 = arith.constant 64 : index
      %swap3A_256 = tpu.vector_load %arg17[%swap3A_254, %swap3A_255] {strides = array<i32>} : memref<80x128xf32, #tpu.memory_space<vmem>>, vector<1x16xf32>,
      %swap3A_257 = vector.shape_cast %swap3A_256 : vector<1x16xf32> to vector<16xf32>
      %swap3A_258 = vector.shape_cast %broadcast_in_dim3A_54 : vector<16xf32> to vector<1x16xf32>
      tpu.vector_store %arg17[%swap3A_254, %swap3A_255], %swap3A_258 {strides = array<i32>} : memref<80x128xf32, #tpu.memory_space<vmem>>, vector<1x16xf32>,
      %swap3A_259 = arith.index_cast %scan3A_234 : i32 to index
      %swap3A_260 = arith.constant 80 : index
      %swap3A_261 = tpu.vector_load %arg17[%swap3A_259, %swap3A_260] {strides = array<i32>} : memref<80x128xf32, #tpu.memory_space<vmem>>, vector<1x16xf32>,
      %swap3A_262 = vector.shape_cast %swap3A_261 : vector<1x16xf32> to vector<16xf32>
      %swap3A_263 = vector.shape_cast %broadcast_in_dim3A_54 : vector<16xf32> to vector<1x16xf32>
      tpu.vector_store %arg17[%swap3A_259, %swap3A_260], %swap3A_263 {strides = array<i32>} : memref<80x128xf32, #tpu.memory_space<vmem>>, vector<1x16xf32>,
      %swap3A_264 = arith.index_cast %scan3A_234 : i32 to index
      %swap3A_265 = arith.constant 96 : index
      %swap3A_266 = tpu.vector_load %arg17[%swap3A_264, %swap3A_265] {strides = array<i32>} : memref<80x128xf32, #tpu.memory_space<vmem>>, vector<1x16xf32>,
      %swap3A_267 = vector.shape_cast %swap3A_266 : vector<1x16xf32> to vector<16xf32>
      %swap3A_268 = vector.shape_cast %broadcast_in_dim3A_54 : vector<16xf32> to vector<1x16xf32>
      tpu.vector_store %arg17[%swap3A_264, %swap3A_265], %swap3A_268 {strides = array<i32>} : memref<80x128xf32, #tpu.memory_space<vmem>>, vector<1x16xf32>,
      %swap3A_269 = arith.index_cast %scan3A_234 : i32 to index
      %swap3A_270 = arith.constant 112 : index
      %swap3A_271 = tpu.vector_load %arg17[%swap3A_269, %swap3A_270] {strides = array<i32>} : memref<80x128xf32, #tpu.memory_space<vmem>>, vector<1x16xf32>,
      %swap3A_272 = vector.shape_cast %swap3A_271 : vector<1x16xf32> to vector<16xf32>
      %swap3A_273 = vector.shape_cast %broadcast_in_dim3A_54 : vector<16xf32> to vector<1x16xf32>
      tpu.vector_store %arg17[%swap3A_269, %swap3A_270], %swap3A_273 {strides = array<i32>} : memref<80x128xf32, #tpu.memory_space<vmem>>, vector<1x16xf32>,
    }
    %scan3A_59 = arith.constant 80 : i32
    %mul3A_60 = arith.constant 632 : i32
    %mul3A_61 = arith.muli %arg1, %mul3A_60 : i32
    %add3A_62 = arith.constant 0 : i32
    %add3A_63 = arith.addi %mul3A_61, %add3A_62 : i32
    %dma_start3A_64 = arith.constant 0 : i32
    %dma_start3A_65 = tpu.memref_slice %arg18[%add3A_63, %dma_start3A_64] : memref<10112x128xf32, #tpu.memory_space<vmem_shared>> -> memref<80x128xf32, #tpu.memory_space<vmem_shared>>
    %dma_start3A_66 = arith.constant 0 : i32
    %dma_start3A_67 = tpu.memref_slice %arg18[%add3A_63, %dma_start3A_66] : memref<10112x128xf32, #tpu.memory_space<vmem_shared>> -> memref<80x128xf32, #tpu.memory_space<vmem_shared>>
    tpu.enqueue_dma source(%arg17 : memref<80x128xf32, #tpu.memory_space<vmem>>) target(%dma_start3A_67 : memref<80x128xf32, #tpu.memory_space<vmem_shared>>) target_semaphore(%arg20 : memref<!tpu.dma_semaphore, #tpu.memory_space<semaphore_mem>>)
    %mul3A_68 = arith.constant 632 : i32
    %mul3A_69 = arith.muli %arg1, %mul3A_68 : i32
    %add3A_70 = arith.constant 80 : i32
    %add3A_71 = arith.addi %mul3A_69, %add3A_70 : i32
    %dma_start3A_72 = arith.constant 0 : i32
    %dma_start3A_73 = tpu.memref_slice %arg18[%add3A_71, %dma_start3A_72] : memref<10112x128xf32, #tpu.memory_space<vmem_shared>> -> memref<80x128xf32, #tpu.memory_space<vmem_shared>>
    %dma_start3A_74 = arith.constant 0 : i32
    %dma_start3A_75 = tpu.memref_slice %arg18[%add3A_71, %dma_start3A_74] : memref<10112x128xf32, #tpu.memory_space<vmem_shared>> -> memref<80x128xf32, #tpu.memory_space<vmem_shared>>
    tpu.enqueue_dma source(%arg17 : memref<80x128xf32, #tpu.memory_space<vmem>>) target(%dma_start3A_75 : memref<80x128xf32, #tpu.memory_space<vmem_shared>>) target_semaphore(%arg20 : memref<!tpu.dma_semaphore, #tpu.memory_space<semaphore_mem>>)
    %mul3A_76 = arith.constant 632 : i32
    %mul3A_77 = arith.muli %arg1, %mul3A_76 : i32
    %add3A_78 = arith.constant 160 : i32
    %add3A_79 = arith.addi %mul3A_77, %add3A_78 : i32
    %dma_start3A_80 = arith.constant 0 : i32
    %dma_start3A_81 = tpu.memref_slice %arg18[%add3A_79, %dma_start3A_80] : memref<10112x128xf32, #tpu.memory_space<vmem_shared>> -> memref<80x128xf32, #tpu.memory_space<vmem_shared>>
    %dma_start3A_82 = arith.constant 0 : i32
    %dma_start3A_83 = tpu.memref_slice %arg18[%add3A_79, %dma_start3A_82] : memref<10112x128xf32, #tpu.memory_space<vmem_shared>> -> memref<80x128xf32, #tpu.memory_space<vmem_shared>>
    tpu.enqueue_dma source(%arg17 : memref<80x128xf32, #tpu.memory_space<vmem>>) target(%dma_start3A_83 : memref<80x128xf32, #tpu.memory_space<vmem_shared>>) target_semaphore(%arg20 : memref<!tpu.dma_semaphore, #tpu.memory_space<semaphore_mem>>)
    %mul3A_84 = arith.constant 632 : i32
    %mul3A_85 = arith.muli %arg1, %mul3A_84 : i32
    %add3A_86 = arith.constant 240 : i32
    %add3A_87 = arith.addi %mul3A_85, %add3A_86 : i32
    %dma_start3A_88 = arith.constant 0 : i32
    %dma_start3A_89 = tpu.memref_slice %arg18[%add3A_87, %dma_start3A_88] : memref<10112x128xf32, #tpu.memory_space<vmem_shared>> -> memref<80x128xf32, #tpu.memory_space<vmem_shared>>
    %dma_start3A_90 = arith.constant 0 : i32
    %dma_start3A_91 = tpu.memref_slice %arg18[%add3A_87, %dma_start3A_90] : memref<10112x128xf32, #tpu.memory_space<vmem_shared>> -> memref<80x128xf32, #tpu.memory_space<vmem_shared>>
    tpu.enqueue_dma source(%arg17 : memref<80x128xf32, #tpu.memory_space<vmem>>) target(%dma_start3A_91 : memref<80x128xf32, #tpu.memory_space<vmem_shared>>) target_semaphore(%arg20 : memref<!tpu.dma_semaphore, #tpu.memory_space<semaphore_mem>>)
    %mul3A_92 = arith.constant 632 : i32
    %mul3A_93 = arith.muli %arg1, %mul3A_92 : i32
    %add3A_94 = arith.constant 320 : i32
    %add3A_95 = arith.addi %mul3A_93, %add3A_94 : i32
    %dma_start3A_96 = arith.constant 0 : i32
    %dma_start3A_97 = tpu.memref_slice %arg18[%add3A_95, %dma_start3A_96] : memref<10112x128xf32, #tpu.memory_space<vmem_shared>> -> memref<80x128xf32, #tpu.memory_space<vmem_shared>>
    %dma_start3A_98 = arith.constant 0 : i32
    %dma_start3A_99 = tpu.memref_slice %arg18[%add3A_95, %dma_start3A_98] : memref<10112x128xf32, #tpu.memory_space<vmem_shared>> -> memref<80x128xf32, #tpu.memory_space<vmem_shared>>
    tpu.enqueue_dma source(%arg17 : memref<80x128xf32, #tpu.memory_space<vmem>>) target(%dma_start3A_99 : memref<80x128xf32, #tpu.memory_space<vmem_shared>>) target_semaphore(%arg20 : memref<!tpu.dma_semaphore, #tpu.memory_space<semaphore_mem>>)
    %mul3A_100 = arith.constant 632 : i32
    %mul3A_101 = arith.muli %arg1, %mul3A_100 : i32
    %add3A_102 = arith.constant 400 : i32
    %add3A_103 = arith.addi %mul3A_101, %add3A_102 : i32
    %dma_start3A_104 = arith.constant 0 : i32
    %dma_start3A_105 = tpu.memref_slice %arg18[%add3A_103, %dma_start3A_104] : memref<10112x128xf32, #tpu.memory_space<vmem_shared>> -> memref<80x128xf32, #tpu.memory_space<vmem_shared>>
    %dma_start3A_106 = arith.constant 0 : i32
    %dma_start3A_107 = tpu.memref_slice %arg18[%add3A_103, %dma_start3A_106] : memref<10112x128xf32, #tpu.memory_space<vmem_shared>> -> memref<80x128xf32, #tpu.memory_space<vmem_shared>>
    tpu.enqueue_dma source(%arg17 : memref<80x128xf32, #tpu.memory_space<vmem>>) target(%dma_start3A_107 : memref<80x128xf32, #tpu.memory_space<vmem_shared>>) target_semaphore(%arg20 : memref<!tpu.dma_semaphore, #tpu.memory_space<semaphore_mem>>)
    %mul3A_108 = arith.constant 632 : i32
    %mul3A_109 = arith.muli %arg1, %mul3A_108 : i32
    %add3A_110 = arith.constant 480 : i32
    %add3A_111 = arith.addi %mul3A_109, %add3A_110 : i32
    %dma_start3A_112 = arith.constant 0 : i32
    %dma_start3A_113 = tpu.memref_slice %arg18[%add3A_111, %dma_start3A_112] : memref<10112x128xf32, #tpu.memory_space<vmem_shared>> -> memref<80x128xf32, #tpu.memory_space<vmem_shared>>
    %dma_start3A_114 = arith.constant 0 : i32
    %dma_start3A_115 = tpu.memref_slice %arg18[%add3A_111, %dma_start3A_114] : memref<10112x128xf32, #tpu.memory_space<vmem_shared>> -> memref<80x128xf32, #tpu.memory_space<vmem_shared>>
    tpu.enqueue_dma source(%arg17 : memref<80x128xf32, #tpu.memory_space<vmem>>) target(%dma_start3A_115 : memref<80x128xf32, #tpu.memory_space<vmem_shared>>) target_semaphore(%arg20 : memref<!tpu.dma_semaphore, #tpu.memory_space<semaphore_mem>>)
    %mul3A_116 = arith.constant 632 : i32
    %mul3A_117 = arith.muli %arg1, %mul3A_116 : i32
    %add3A_118 = arith.constant 632 : i32
    %add3A_119 = arith.addi %mul3A_117, %add3A_118 : i32
    %sub3A = arith.constant 72 : i32
    %sub3A_120 = arith.subi %add3A_119, %sub3A : i32
    %dma_start3A_121 = arith.constant 0 : i32
    %dma_start3A_122 = arith.constant 0 : i32
    %dma_start3A_123 = tpu.memref_slice %arg17[%dma_start3A_121, %dma_start3A_122] : memref<80x128xf32, #tpu.memory_space<vmem>> -> memref<72x128xf32, #tpu.memory_space<vmem>>
    %dma_start3A_124 = arith.constant 0 : i32
    %dma_start3A_125 = tpu.memref_slice %arg18[%sub3A_120, %dma_start3A_124] : memref<10112x128xf32, #tpu.memory_space<vmem_shared>> -> memref<72x128xf32, #tpu.memory_space<vmem_shared>>
    %dma_start3A_126 = arith.constant 0 : i32
    %dma_start3A_127 = tpu.memref_slice %arg18[%sub3A_120, %dma_start3A_126] : memref<10112x128xf32, #tpu.memory_space<vmem_shared>> -> memref<72x128xf32, #tpu.memory_space<vmem_shared>>
    %dma_start3A_128 = arith.constant 0 : i32
    %dma_start3A_129 = arith.constant 0 : i32
    %dma_start3A_130 = tpu.memref_slice %arg17[%dma_start3A_128, %dma_start3A_129] : memref<80x128xf32, #tpu.memory_space<vmem>> -> memref<72x128xf32, #tpu.memory_space<vmem>>
    tpu.enqueue_dma source(%dma_start3A_130 : memref<72x128xf32, #tpu.memory_space<vmem>>) target(%dma_start3A_127 : memref<72x128xf32, #tpu.memory_space<vmem_shared>>) target_semaphore(%arg20 : memref<!tpu.dma_semaphore, #tpu.memory_space<semaphore_mem>>)
    %mul3A_131 = arith.constant 632 : i32
    %mul3A_132 = arith.muli %arg1, %mul3A_131 : i32
    %add3A_133 = arith.constant 0 : i32
    %add3A_134 = arith.addi %mul3A_132, %add3A_133 : i32
    %dma_wait3A_135 = arith.constant 0 : i32
    %dma_wait3A_136 = tpu.memref_slice %arg18[%add3A_134, %dma_wait3A_135] : memref<10112x128xf32, #tpu.memory_space<vmem_shared>> -> memref<80x128xf32, #tpu.memory_space<vmem_shared>>
    %dma_wait3A_137 = arith.constant 0 : i32
    %dma_wait3A_138 = tpu.memref_slice %arg18[%add3A_134, %dma_wait3A_137] : memref<10112x128xf32, #tpu.memory_space<vmem_shared>> -> memref<80x128xf32, #tpu.memory_space<vmem_shared>>
    tpu.wait_dma2 semaphore(%arg20 : memref<!tpu.dma_semaphore, #tpu.memory_space<semaphore_mem>>) src(%arg17 : memref<80x128xf32, #tpu.memory_space<vmem>>) dst(%dma_wait3A_138 : memref<80x128xf32, #tpu.memory_space<vmem_shared>>)
    %mul3A_139 = arith.constant 632 : i32
    %mul3A_140 = arith.muli %arg1, %mul3A_139 : i32
    %add3A_141 = arith.constant 80 : i32
    %add3A_142 = arith.addi %mul3A_140, %add3A_141 : i32
    %dma_wait3A_143 = arith.constant 0 : i32
    %dma_wait3A_144 = tpu.memref_slice %arg18[%add3A_142, %dma_wait3A_143] : memref<10112x128xf32, #tpu.memory_space<vmem_shared>> -> memref<80x128xf32, #tpu.memory_space<vmem_shared>>
    %dma_wait3A_145 = arith.constant 0 : i32
    %dma_wait3A_146 = tpu.memref_slice %arg18[%add3A_142, %dma_wait3A_145] : memref<10112x128xf32, #tpu.memory_space<vmem_shared>> -> memref<80x128xf32, #tpu.memory_space<vmem_shared>>
    tpu.wait_dma2 semaphore(%arg20 : memref<!tpu.dma_semaphore, #tpu.memory_space<semaphore_mem>>) src(%arg17 : memref<80x128xf32, #tpu.memory_space<vmem>>) dst(%dma_wait3A_146 : memref<80x128xf32, #tpu.memory_space<vmem_shared>>)
    %mul3A_147 = arith.constant 632 : i32
    %mul3A_148 = arith.muli %arg1, %mul3A_147 : i32
    %add3A_149 = arith.constant 160 : i32
    %add3A_150 = arith.addi %mul3A_148, %add3A_149 : i32
    %dma_wait3A_151 = arith.constant 0 : i32
    %dma_wait3A_152 = tpu.memref_slice %arg18[%add3A_150, %dma_wait3A_151] : memref<10112x128xf32, #tpu.memory_space<vmem_shared>> -> memref<80x128xf32, #tpu.memory_space<vmem_shared>>
    %dma_wait3A_153 = arith.constant 0 : i32
    %dma_wait3A_154 = tpu.memref_slice %arg18[%add3A_150, %dma_wait3A_153] : memref<10112x128xf32, #tpu.memory_space<vmem_shared>> -> memref<80x128xf32, #tpu.memory_space<vmem_shared>>
    tpu.wait_dma2 semaphore(%arg20 : memref<!tpu.dma_semaphore, #tpu.memory_space<semaphore_mem>>) src(%arg17 : memref<80x128xf32, #tpu.memory_space<vmem>>) dst(%dma_wait3A_154 : memref<80x128xf32, #tpu.memory_space<vmem_shared>>)
    %mul3A_155 = arith.constant 632 : i32
    %mul3A_156 = arith.muli %arg1, %mul3A_155 : i32
    %add3A_157 = arith.constant 240 : i32
    %add3A_158 = arith.addi %mul3A_156, %add3A_157 : i32
    %dma_wait3A_159 = arith.constant 0 : i32
    %dma_wait3A_160 = tpu.memref_slice %arg18[%add3A_158, %dma_wait3A_159] : memref<10112x128xf32, #tpu.memory_space<vmem_shared>> -> memref<80x128xf32, #tpu.memory_space<vmem_shared>>
    %dma_wait3A_161 = arith.constant 0 : i32
    %dma_wait3A_162 = tpu.memref_slice %arg18[%add3A_158, %dma_wait3A_161] : memref<10112x128xf32, #tpu.memory_space<vmem_shared>> -> memref<80x128xf32, #tpu.memory_space<vmem_shared>>
    tpu.wait_dma2 semaphore(%arg20 : memref<!tpu.dma_semaphore, #tpu.memory_space<semaphore_mem>>) src(%arg17 : memref<80x128xf32, #tpu.memory_space<vmem>>) dst(%dma_wait3A_162 : memref<80x128xf32, #tpu.memory_space<vmem_shared>>)
    %mul3A_163 = arith.constant 632 : i32
    %mul3A_164 = arith.muli %arg1, %mul3A_163 : i32
    %add3A_165 = arith.constant 320 : i32
    %add3A_166 = arith.addi %mul3A_164, %add3A_165 : i32
    %dma_wait3A_167 = arith.constant 0 : i32
    %dma_wait3A_168 = tpu.memref_slice %arg18[%add3A_166, %dma_wait3A_167] : memref<10112x128xf32, #tpu.memory_space<vmem_shared>> -> memref<80x128xf32, #tpu.memory_space<vmem_shared>>
    %dma_wait3A_169 = arith.constant 0 : i32
    %dma_wait3A_170 = tpu.memref_slice %arg18[%add3A_166, %dma_wait3A_169] : memref<10112x128xf32, #tpu.memory_space<vmem_shared>> -> memref<80x128xf32, #tpu.memory_space<vmem_shared>>
    tpu.wait_dma2 semaphore(%arg20 : memref<!tpu.dma_semaphore, #tpu.memory_space<semaphore_mem>>) src(%arg17 : memref<80x128xf32, #tpu.memory_space<vmem>>) dst(%dma_wait3A_170 : memref<80x128xf32, #tpu.memory_space<vmem_shared>>)
    %mul3A_171 = arith.constant 632 : i32
    %mul3A_172 = arith.muli %arg1, %mul3A_171 : i32
    %add3A_173 = arith.constant 400 : i32
    %add3A_174 = arith.addi %mul3A_172, %add3A_173 : i32
    %dma_wait3A_175 = arith.constant 0 : i32
    %dma_wait3A_176 = tpu.memref_slice %arg18[%add3A_174, %dma_wait3A_175] : memref<10112x128xf32, #tpu.memory_space<vmem_shared>> -> memref<80x128xf32, #tpu.memory_space<vmem_shared>>
    %dma_wait3A_177 = arith.constant 0 : i32
    %dma_wait3A_178 = tpu.memref_slice %arg18[%add3A_174, %dma_wait3A_177] : memref<10112x128xf32, #tpu.memory_space<vmem_shared>> -> memref<80x128xf32, #tpu.memory_space<vmem_shared>>
    tpu.wait_dma2 semaphore(%arg20 : memref<!tpu.dma_semaphore, #tpu.memory_space<semaphore_mem>>) src(%arg17 : memref<80x128xf32, #tpu.memory_space<vmem>>) dst(%dma_wait3A_178 : memref<80x128xf32, #tpu.memory_space<vmem_shared>>)
    %mul3A_179 = arith.constant 632 : i32
    %mul3A_180 = arith.muli %arg1, %mul3A_179 : i32
    %add3A_181 = arith.constant 480 : i32
    %add3A_182 = arith.addi %mul3A_180, %add3A_181 : i32
    %dma_wait3A_183 = arith.constant 0 : i32
    %dma_wait3A_184 = tpu.memref_slice %arg18[%add3A_182, %dma_wait3A_183] : memref<10112x128xf32, #tpu.memory_space<vmem_shared>> -> memref<80x128xf32, #tpu.memory_space<vmem_shared>>
    %dma_wait3A_185 = arith.constant 0 : i32
    %dma_wait3A_186 = tpu.memref_slice %arg18[%add3A_182, %dma_wait3A_185] : memref<10112x128xf32, #tpu.memory_space<vmem_shared>> -> memref<80x128xf32, #tpu.memory_space<vmem_shared>>
    tpu.wait_dma2 semaphore(%arg20 : memref<!tpu.dma_semaphore, #tpu.memory_space<semaphore_mem>>) src(%arg17 : memref<80x128xf32, #tpu.memory_space<vmem>>) dst(%dma_wait3A_186 : memref<80x128xf32, #tpu.memory_space<vmem_shared>>)
    %mul3A_187 = arith.constant 632 : i32
    %mul3A_188 = arith.muli %arg1, %mul3A_187 : i32
    %add3A_189 = arith.constant 632 : i32
    %add3A_190 = arith.addi %mul3A_188, %add3A_189 : i32
    %sub3A_191 = arith.constant 72 : i32
    %sub3A_192 = arith.subi %add3A_190, %sub3A_191 : i32
    %dma_wait3A_193 = arith.constant 0 : i32
    %dma_wait3A_194 = arith.constant 0 : i32
    %dma_wait3A_195 = tpu.memref_slice %arg17[%dma_wait3A_193, %dma_wait3A_194] : memref<80x128xf32, #tpu.memory_space<vmem>> -> memref<72x128xf32, #tpu.memory_space<vmem>>
    %dma_wait3A_196 = arith.constant 0 : i32
    %dma_wait3A_197 = tpu.memref_slice %arg18[%sub3A_192, %dma_wait3A_196] : memref<10112x128xf32, #tpu.memory_space<vmem_shared>> -> memref<72x128xf32, #tpu.memory_space<vmem_shared>>
    %dma_wait3A_198 = arith.constant 0 : i32
    %dma_wait3A_199 = tpu.memref_slice %arg18[%sub3A_192, %dma_wait3A_198] : memref<10112x128xf32, #tpu.memory_space<vmem_shared>> -> memref<72x128xf32, #tpu.memory_space<vmem_shared>>
    %dma_wait3A_200 = arith.constant 0 : i32
    %dma_wait3A_201 = arith.constant 0 : i32
    %dma_wait3A_202 = tpu.memref_slice %arg17[%dma_wait3A_200, %dma_wait3A_201] : memref<80x128xf32, #tpu.memory_space<vmem>> -> memref<72x128xf32, #tpu.memory_space<vmem>>
    tpu.wait_dma2 semaphore(%arg20 : memref<!tpu.dma_semaphore, #tpu.memory_space<semaphore_mem>>) src(%dma_wait3A_202 : memref<72x128xf32, #tpu.memory_space<vmem>>) dst(%dma_wait3A_199 : memref<72x128xf32, #tpu.memory_space<vmem_shared>>)
    %barrier3A = arith.constant 0 : index
    tpu.barrier barrier_id(%barrier3A)
    %add3A_203 = arith.constant 240 : i32
    %add3A_204 = arith.addi %mul3A_2, %add3A_203 : i32
    %dma_wait3A_205 = tpu.memref_slice %arg3[%add3A_204] : memref<320000xi32, #tpu.memory_space<hbm>> -> memref<80xi32, #tpu.memory_space<hbm>>
    %dma_wait3A_206 = tpu.memref_slice %arg3[%add3A_204] : memref<320000xi32, #tpu.memory_space<hbm>> -> memref<80xi32, #tpu.memory_space<hbm>>
    tpu.wait_dma2 semaphore(%arg21 : memref<!tpu.dma_semaphore, #tpu.memory_space<semaphore_mem>>) src(%dma_wait3A_206 : memref<80xi32, #tpu.memory_space<hbm>>) dst(%arg9 : memref<80xi32, #tpu.memory_space<vmem>>)
    %dma_start3A_207 = arith.constant 0 : i32
    %dma_start3A_208 = arith.constant 0 : i32
    %dma_start3A_209 = tpu.memref_slice %arg2[%dma_start3A_207, %dma_start3A_208] : memref<10000x128xf32, #tpu.memory_space<hbm>> -> memref<10000x128xf32, #tpu.memory_space<hbm>>
    tpu.enqueue_indirect_dma source(%dma_start3A_209 : memref<10000x128xf32, #tpu.memory_space<hbm>>) target(%arg17 : memref<80x128xf32, #tpu.memory_space<vmem>>) offsets(%arg9 : memref<80xi32, #tpu.memory_space<vmem>>) semaphore(%arg19 : memref<!tpu.dma_semaphore, #tpu.memory_space<semaphore_mem>>)
    %scan3A_210 = arith.constant 0 : i32
    %scan3A_211 = arith.constant 0 : i32
    %scan3A_212 = arith.constant 31 : i32
    %scan3A_213 = arith.addi %scan3A_211, %scan3A_212 : i32
    %scan3A_214 = arith.constant 1 : i32
    scf.for %scan3A_234 = %scan3A_211 to %scan3A_213 step %scan3A_214  : i32 {
      %mul3A_235 = arith.constant 4 : i32
      %mul3A_236 = arith.muli %mul3A_235, %scan3A_234 : i32
      %add3A_237 = arith.constant 0 : i32
      %add3A_238 = arith.addi %mul3A_236, %add3A_237 : i32
      %mul3A_239 = arith.constant 80 : i32
      %mul3A_240 = arith.muli %add3A_238, %mul3A_239 : i32
      %add3A_241 = arith.addi %mul3A_2, %mul3A_240 : i32
      %dma_wait3A_242 = tpu.memref_slice %arg4[%add3A_241] : memref<320000xi32, #tpu.memory_space<hbm>> -> memref<80xi32, #tpu.memory_space<hbm>>
      %dma_wait3A_243 = tpu.memref_slice %arg4[%add3A_241] : memref<320000xi32, #tpu.memory_space<hbm>> -> memref<80xi32, #tpu.memory_space<hbm>>
      tpu.wait_dma2 semaphore(%arg21 : memref<!tpu.dma_semaphore, #tpu.memory_space<semaphore_mem>>) src(%dma_wait3A_243 : memref<80xi32, #tpu.memory_space<hbm>>) dst(%arg10 : memref<80xi32, #tpu.memory_space<vmem>>)
      %dma_wait3A_244 = arith.constant 0 : i32
      %dma_wait3A_245 = arith.constant 0 : i32
      %dma_wait3A_246 = tpu.memref_slice %arg2[%dma_wait3A_244, %dma_wait3A_245] : memref<10000x128xf32, #tpu.memory_space<hbm>> -> memref<10000x128xf32, #tpu.memory_space<hbm>>
      tpu.wait_indirect_dma semaphore(%arg19 : memref<!tpu.dma_semaphore, #tpu.memory_space<semaphore_mem>>) src(%dma_wait3A_246 : memref<10000x128xf32, #tpu.memory_space<hbm>>) dst(%arg14 : memref<80x128xf32, #tpu.memory_space<vmem>>)
      %dma_start3A_247 = arith.constant 0 : i32
      %dma_start3A_248 = arith.constant 0 : i32
      %dma_start3A_249 = tpu.memref_slice %arg18[%dma_start3A_247, %dma_start3A_248] : memref<10112x128xf32, #tpu.memory_space<vmem_shared>> -> memref<10112x128xf32, #tpu.memory_space<vmem_shared>>
      tpu.enqueue_indirect_dma source(%arg14 : memref<80x128xf32, #tpu.memory_space<vmem>>) target(%dma_start3A_249 : memref<10112x128xf32, #tpu.memory_space<vmem_shared>>) offsets(%arg10 : memref<80xi32, #tpu.memory_space<vmem>>) semaphore(%arg20 : memref<!tpu.dma_semaphore, #tpu.memory_space<semaphore_mem>>) {add = true}
      %add3A_250 = arith.constant 4 : i32
      %add3A_251 = arith.addi %add3A_238, %add3A_250 : i32
      %lt3A = arith.constant 125 : i32
      %lt3A_252 = arith.cmpi slt, %add3A_251, %lt3A : i32
      %convert_element_type3A = arith.extui %lt3A_252 : i1 to i32
      %cond3A = arith.constant 0 : i32
      %cond3A_253 = arith.cmpi ne, %convert_element_type3A, %cond3A : i32
      scf.if %cond3A_253 {
        %add3A_362 = arith.constant 4 : i32
        %add3A_363 = arith.addi %add3A_238, %add3A_362 : i32
        %mul3A_364 = arith.constant 80 : i32
        %mul3A_365 = arith.muli %add3A_363, %mul3A_364 : i32
        %add3A_366 = arith.addi %mul3A_2, %mul3A_365 : i32
        %dma_start3A_367 = tpu.memref_slice %arg3[%add3A_366] : memref<320000xi32, #tpu.memory_space<hbm>> -> memref<80xi32, #tpu.memory_space<hbm>>
        %dma_start3A_368 = tpu.memref_slice %arg3[%add3A_366] : memref<320000xi32, #tpu.memory_space<hbm>> -> memref<80xi32, #tpu.memory_space<hbm>>
        tpu.enqueue_dma source(%dma_start3A_368 : memref<80xi32, #tpu.memory_space<hbm>>) target(%arg6 : memref<80xi32, #tpu.memory_space<vmem>>) target_semaphore(%arg21 : memref<!tpu.dma_semaphore, #tpu.memory_space<semaphore_mem>>)
      } else {
      }
      %add3A_254 = arith.constant 1 : i32
      %add3A_255 = arith.addi %mul3A_236, %add3A_254 : i32
      %mul3A_256 = arith.constant 80 : i32
      %mul3A_257 = arith.muli %add3A_255, %mul3A_256 : i32
      %add3A_258 = arith.addi %mul3A_2, %mul3A_257 : i32
      %dma_wait3A_259 = tpu.memref_slice %arg4[%add3A_258] : memref<320000xi32, #tpu.memory_space<hbm>> -> memref<80xi32, #tpu.memory_space<hbm>>
      %dma_wait3A_260 = tpu.memref_slice %arg4[%add3A_258] : memref<320000xi32, #tpu.memory_space<hbm>> -> memref<80xi32, #tpu.memory_space<hbm>>
      tpu.wait_dma2 semaphore(%arg21 : memref<!tpu.dma_semaphore, #tpu.memory_space<semaphore_mem>>) src(%dma_wait3A_260 : memref<80xi32, #tpu.memory_space<hbm>>) dst(%arg11 : memref<80xi32, #tpu.memory_space<vmem>>)
      %dma_wait3A_261 = arith.constant 0 : i32
      %dma_wait3A_262 = arith.constant 0 : i32
      %dma_wait3A_263 = tpu.memref_slice %arg2[%dma_wait3A_261, %dma_wait3A_262] : memref<10000x128xf32, #tpu.memory_space<hbm>> -> memref<10000x128xf32, #tpu.memory_space<hbm>>
      tpu.wait_indirect_dma semaphore(%arg19 : memref<!tpu.dma_semaphore, #tpu.memory_space<semaphore_mem>>) src(%dma_wait3A_263 : memref<10000x128xf32, #tpu.memory_space<hbm>>) dst(%arg15 : memref<80x128xf32, #tpu.memory_space<vmem>>)
      %dma_start3A_264 = arith.constant 0 : i32
      %dma_start3A_265 = arith.constant 0 : i32
      %dma_start3A_266 = tpu.memref_slice %arg18[%dma_start3A_264, %dma_start3A_265] : memref<10112x128xf32, #tpu.memory_space<vmem_shared>> -> memref<10112x128xf32, #tpu.memory_space<vmem_shared>>
      tpu.enqueue_indirect_dma source(%arg15 : memref<80x128xf32, #tpu.memory_space<vmem>>) target(%dma_start3A_266 : memref<10112x128xf32, #tpu.memory_space<vmem_shared>>) offsets(%arg11 : memref<80xi32, #tpu.memory_space<vmem>>) semaphore(%arg20 : memref<!tpu.dma_semaphore, #tpu.memory_space<semaphore_mem>>) {add = true}
      %add3A_267 = arith.constant 4 : i32
      %add3A_268 = arith.addi %add3A_255, %add3A_267 : i32
      %lt3A_269 = arith.constant 125 : i32
      %lt3A_270 = arith.cmpi slt, %add3A_268, %lt3A_269 : i32
      %convert_element_type3A_271 = arith.extui %lt3A_270 : i1 to i32
      %cond3A_272 = arith.constant 0 : i32
      %cond3A_273 = arith.cmpi ne, %convert_element_type3A_271, %cond3A_272 : i32
      scf.if %cond3A_273 {
        %add3A_362 = arith.constant 4 : i32
        %add3A_363 = arith.addi %add3A_255, %add3A_362 : i32
        %mul3A_364 = arith.constant 80 : i32
        %mul3A_365 = arith.muli %add3A_363, %mul3A_364 : i32
        %add3A_366 = arith.addi %mul3A_2, %mul3A_365 : i32
        %dma_start3A_367 = tpu.memref_slice %arg3[%add3A_366] : memref<320000xi32, #tpu.memory_space<hbm>> -> memref<80xi32, #tpu.memory_space<hbm>>
        %dma_start3A_368 = tpu.memref_slice %arg3[%add3A_366] : memref<320000xi32, #tpu.memory_space<hbm>> -> memref<80xi32, #tpu.memory_space<hbm>>
        tpu.enqueue_dma source(%dma_start3A_368 : memref<80xi32, #tpu.memory_space<hbm>>) target(%arg7 : memref<80xi32, #tpu.memory_space<vmem>>) target_semaphore(%arg21 : memref<!tpu.dma_semaphore, #tpu.memory_space<semaphore_mem>>)
      } else {
      }
      %add3A_274 = arith.constant 2 : i32
      %add3A_275 = arith.addi %mul3A_236, %add3A_274 : i32
      %mul3A_276 = arith.constant 80 : i32
      %mul3A_277 = arith.muli %add3A_275, %mul3A_276 : i32
      %add3A_278 = arith.addi %mul3A_2, %mul3A_277 : i32
      %dma_wait3A_279 = tpu.memref_slice %arg4[%add3A_278] : memref<320000xi32, #tpu.memory_space<hbm>> -> memref<80xi32, #tpu.memory_space<hbm>>
      %dma_wait3A_280 = tpu.memref_slice %arg4[%add3A_278] : memref<320000xi32, #tpu.memory_space<hbm>> -> memref<80xi32, #tpu.memory_space<hbm>>
      tpu.wait_dma2 semaphore(%arg21 : memref<!tpu.dma_semaphore, #tpu.memory_space<semaphore_mem>>) src(%dma_wait3A_280 : memref<80xi32, #tpu.memory_space<hbm>>) dst(%arg12 : memref<80xi32, #tpu.memory_space<vmem>>)
      %dma_wait3A_281 = arith.constant 0 : i32
      %dma_wait3A_282 = arith.constant 0 : i32
      %dma_wait3A_283 = tpu.memref_slice %arg2[%dma_wait3A_281, %dma_wait3A_282] : memref<10000x128xf32, #tpu.memory_space<hbm>> -> memref<10000x128xf32, #tpu.memory_space<hbm>>
      tpu.wait_indirect_dma semaphore(%arg19 : memref<!tpu.dma_semaphore, #tpu.memory_space<semaphore_mem>>) src(%dma_wait3A_283 : memref<10000x128xf32, #tpu.memory_space<hbm>>) dst(%arg16 : memref<80x128xf32, #tpu.memory_space<vmem>>)
      %dma_start3A_284 = arith.constant 0 : i32
      %dma_start3A_285 = arith.constant 0 : i32
      %dma_start3A_286 = tpu.memref_slice %arg18[%dma_start3A_284, %dma_start3A_285] : memref<10112x128xf32, #tpu.memory_space<vmem_shared>> -> memref<10112x128xf32, #tpu.memory_space<vmem_shared>>
      tpu.enqueue_indirect_dma source(%arg16 : memref<80x128xf32, #tpu.memory_space<vmem>>) target(%dma_start3A_286 : memref<10112x128xf32, #tpu.memory_space<vmem_shared>>) offsets(%arg12 : memref<80xi32, #tpu.memory_space<vmem>>) semaphore(%arg20 : memref<!tpu.dma_semaphore, #tpu.memory_space<semaphore_mem>>) {add = true}
      %add3A_287 = arith.constant 4 : i32
      %add3A_288 = arith.addi %add3A_275, %add3A_287 : i32
      %lt3A_289 = arith.constant 125 : i32
      %lt3A_290 = arith.cmpi slt, %add3A_288, %lt3A_289 : i32
      %convert_element_type3A_291 = arith.extui %lt3A_290 : i1 to i32
      %cond3A_292 = arith.constant 0 : i32
      %cond3A_293 = arith.cmpi ne, %convert_element_type3A_291, %cond3A_292 : i32
      scf.if %cond3A_293 {
        %add3A_362 = arith.constant 4 : i32
        %add3A_363 = arith.addi %add3A_275, %add3A_362 : i32
        %mul3A_364 = arith.constant 80 : i32
        %mul3A_365 = arith.muli %add3A_363, %mul3A_364 : i32
        %add3A_366 = arith.addi %mul3A_2, %mul3A_365 : i32
        %dma_start3A_367 = tpu.memref_slice %arg3[%add3A_366] : memref<320000xi32, #tpu.memory_space<hbm>> -> memref<80xi32, #tpu.memory_space<hbm>>
        %dma_start3A_368 = tpu.memref_slice %arg3[%add3A_366] : memref<320000xi32, #tpu.memory_space<hbm>> -> memref<80xi32, #tpu.memory_space<hbm>>
        tpu.enqueue_dma source(%dma_start3A_368 : memref<80xi32, #tpu.memory_space<hbm>>) target(%arg8 : memref<80xi32, #tpu.memory_space<vmem>>) target_semaphore(%arg21 : memref<!tpu.dma_semaphore, #tpu.memory_space<semaphore_mem>>)
      } else {
      }
      %add3A_294 = arith.constant 3 : i32
      %add3A_295 = arith.addi %mul3A_236, %add3A_294 : i32
      %mul3A_296 = arith.constant 80 : i32
      %mul3A_297 = arith.muli %add3A_295, %mul3A_296 : i32
      %add3A_298 = arith.addi %mul3A_2, %mul3A_297 : i32
      %dma_wait3A_299 = tpu.memref_slice %arg4[%add3A_298] : memref<320000xi32, #tpu.memory_space<hbm>> -> memref<80xi32, #tpu.memory_space<hbm>>
      %dma_wait3A_300 = tpu.memref_slice %arg4[%add3A_298] : memref<320000xi32, #tpu.memory_space<hbm>> -> memref<80xi32, #tpu.memory_space<hbm>>
      tpu.wait_dma2 semaphore(%arg21 : memref<!tpu.dma_semaphore, #tpu.memory_space<semaphore_mem>>) src(%dma_wait3A_300 : memref<80xi32, #tpu.memory_space<hbm>>) dst(%arg13 : memref<80xi32, #tpu.memory_space<vmem>>)
      %dma_wait3A_301 = arith.constant 0 : i32
      %dma_wait3A_302 = arith.constant 0 : i32
      %dma_wait3A_303 = tpu.memref_slice %arg2[%dma_wait3A_301, %dma_wait3A_302] : memref<10000x128xf32, #tpu.memory_space<hbm>> -> memref<10000x128xf32, #tpu.memory_space<hbm>>
      tpu.wait_indirect_dma semaphore(%arg19 : memref<!tpu.dma_semaphore, #tpu.memory_space<semaphore_mem>>) src(%dma_wait3A_303 : memref<10000x128xf32, #tpu.memory_space<hbm>>) dst(%arg17 : memref<80x128xf32, #tpu.memory_space<vmem>>)
      %dma_start3A_304 = arith.constant 0 : i32
      %dma_start3A_305 = arith.constant 0 : i32
      %dma_start3A_306 = tpu.memref_slice %arg18[%dma_start3A_304, %dma_start3A_305] : memref<10112x128xf32, #tpu.memory_space<vmem_shared>> -> memref<10112x128xf32, #tpu.memory_space<vmem_shared>>
      tpu.enqueue_indirect_dma source(%arg17 : memref<80x128xf32, #tpu.memory_space<vmem>>) target(%dma_start3A_306 : memref<10112x128xf32, #tpu.memory_space<vmem_shared>>) offsets(%arg13 : memref<80xi32, #tpu.memory_space<vmem>>) semaphore(%arg20 : memref<!tpu.dma_semaphore, #tpu.memory_space<semaphore_mem>>) {add = true}
      %add3A_307 = arith.constant 4 : i32
      %add3A_308 = arith.addi %add3A_295, %add3A_307 : i32
      %lt3A_309 = arith.constant 125 : i32
      %lt3A_310 = arith.cmpi slt, %add3A_308, %lt3A_309 : i32
      %convert_element_type3A_311 = arith.extui %lt3A_310 : i1 to i32
      %cond3A_312 = arith.constant 0 : i32
      %cond3A_313 = arith.cmpi ne, %convert_element_type3A_311, %cond3A_312 : i32
      scf.if %cond3A_313 {
        %add3A_362 = arith.constant 4 : i32
        %add3A_363 = arith.addi %add3A_295, %add3A_362 : i32
        %mul3A_364 = arith.constant 80 : i32
        %mul3A_365 = arith.muli %add3A_363, %mul3A_364 : i32
        %add3A_366 = arith.addi %mul3A_2, %mul3A_365 : i32
        %dma_start3A_367 = tpu.memref_slice %arg3[%add3A_366] : memref<320000xi32, #tpu.memory_space<hbm>> -> memref<80xi32, #tpu.memory_space<hbm>>
        %dma_start3A_368 = tpu.memref_slice %arg3[%add3A_366] : memref<320000xi32, #tpu.memory_space<hbm>> -> memref<80xi32, #tpu.memory_space<hbm>>
        tpu.enqueue_dma source(%dma_start3A_368 : memref<80xi32, #tpu.memory_space<hbm>>) target(%arg9 : memref<80xi32, #tpu.memory_space<vmem>>) target_semaphore(%arg21 : memref<!tpu.dma_semaphore, #tpu.memory_space<semaphore_mem>>)
      } else {
      }
      %add3A_314 = arith.constant 0 : i32
      %add3A_315 = arith.addi %mul3A_236, %add3A_314 : i32
      %dma_wait3A_316 = arith.constant 0 : i32
      %dma_wait3A_317 = arith.constant 0 : i32
      %dma_wait3A_318 = tpu.memref_slice %arg18[%dma_wait3A_316, %dma_wait3A_317] : memref<10112x128xf32, #tpu.memory_space<vmem_shared>> -> memref<10112x128xf32, #tpu.memory_space<vmem_shared>>
      tpu.wait_indirect_dma semaphore(%arg20 : memref<!tpu.dma_semaphore, #tpu.memory_space<semaphore_mem>>) src(%arg14 : memref<80x128xf32, #tpu.memory_space<vmem>>) dst(%dma_wait3A_318 : memref<10112x128xf32, #tpu.memory_space<vmem_shared>>)
      %add3A_319 = arith.constant 4 : i32
      %add3A_320 = arith.addi %add3A_315, %add3A_319 : i32
      %lt3A_321 = arith.constant 125 : i32
      %lt3A_322 = arith.cmpi slt, %add3A_320, %lt3A_321 : i32
      %convert_element_type3A_323 = arith.extui %lt3A_322 : i1 to i32
      %cond3A_324 = arith.constant 0 : i32
      %cond3A_325 = arith.cmpi ne, %convert_element_type3A_323, %cond3A_324 : i32
      scf.if %cond3A_325 {
        %add3A_362 = arith.constant 4 : i32
        %add3A_363 = arith.addi %add3A_315, %add3A_362 : i32
        %mul3A_364 = arith.constant 80 : i32
        %mul3A_365 = arith.muli %add3A_363, %mul3A_364 : i32
        %add3A_366 = arith.addi %mul3A_2, %mul3A_365 : i32
        %dma_start3A_367 = tpu.memref_slice %arg4[%add3A_366] : memref<320000xi32, #tpu.memory_space<hbm>> -> memref<80xi32, #tpu.memory_space<hbm>>
        %dma_start3A_368 = tpu.memref_slice %arg4[%add3A_366] : memref<320000xi32, #tpu.memory_space<hbm>> -> memref<80xi32, #tpu.memory_space<hbm>>
        tpu.enqueue_dma source(%dma_start3A_368 : memref<80xi32, #tpu.memory_space<hbm>>) target(%arg10 : memref<80xi32, #tpu.memory_space<vmem>>) target_semaphore(%arg21 : memref<!tpu.dma_semaphore, #tpu.memory_space<semaphore_mem>>)
        %add3A_369 = arith.constant 4 : i32
        %add3A_370 = arith.addi %add3A_315, %add3A_369 : i32
        %mul3A_371 = arith.constant 80 : i32
        %mul3A_372 = arith.muli %add3A_370, %mul3A_371 : i32
        %add3A_373 = arith.addi %mul3A_2, %mul3A_372 : i32
        %dma_wait3A_374 = tpu.memref_slice %arg3[%add3A_373] : memref<320000xi32, #tpu.memory_space<hbm>> -> memref<80xi32, #tpu.memory_space<hbm>>
        %dma_wait3A_375 = tpu.memref_slice %arg3[%add3A_373] : memref<320000xi32, #tpu.memory_space<hbm>> -> memref<80xi32, #tpu.memory_space<hbm>>
        tpu.wait_dma2 semaphore(%arg21 : memref<!tpu.dma_semaphore, #tpu.memory_space<semaphore_mem>>) src(%dma_wait3A_375 : memref<80xi32, #tpu.memory_space<hbm>>) dst(%arg6 : memref<80xi32, #tpu.memory_space<vmem>>)
        %dma_start3A_376 = arith.constant 0 : i32
        %dma_start3A_377 = arith.constant 0 : i32
        %dma_start3A_378 = tpu.memref_slice %arg2[%dma_start3A_376, %dma_start3A_377] : memref<10000x128xf32, #tpu.memory_space<hbm>> -> memref<10000x128xf32, #tpu.memory_space<hbm>>
        tpu.enqueue_indirect_dma source(%dma_start3A_378 : memref<10000x128xf32, #tpu.memory_space<hbm>>) target(%arg14 : memref<80x128xf32, #tpu.memory_space<vmem>>) offsets(%arg6 : memref<80xi32, #tpu.memory_space<vmem>>) semaphore(%arg19 : memref<!tpu.dma_semaphore, #tpu.memory_space<semaphore_mem>>)
      } else {
      }
      %add3A_326 = arith.constant 1 : i32
      %add3A_327 = arith.addi %mul3A_236, %add3A_326 : i32
      %dma_wait3A_328 = arith.constant 0 : i32
      %dma_wait3A_329 = arith.constant 0 : i32
      %dma_wait3A_330 = tpu.memref_slice %arg18[%dma_wait3A_328, %dma_wait3A_329] : memref<10112x128xf32, #tpu.memory_space<vmem_shared>> -> memref<10112x128xf32, #tpu.memory_space<vmem_shared>>
      tpu.wait_indirect_dma semaphore(%arg20 : memref<!tpu.dma_semaphore, #tpu.memory_space<semaphore_mem>>) src(%arg15 : memref<80x128xf32, #tpu.memory_space<vmem>>) dst(%dma_wait3A_330 : memref<10112x128xf32, #tpu.memory_space<vmem_shared>>)
      %add3A_331 = arith.constant 4 : i32
      %add3A_332 = arith.addi %add3A_327, %add3A_331 : i32
      %lt3A_333 = arith.constant 125 : i32
      %lt3A_334 = arith.cmpi slt, %add3A_332, %lt3A_333 : i32
      %convert_element_type3A_335 = arith.extui %lt3A_334 : i1 to i32
      %cond3A_336 = arith.constant 0 : i32
      %cond3A_337 = arith.cmpi ne, %convert_element_type3A_335, %cond3A_336 : i32
      scf.if %cond3A_337 {
        %add3A_362 = arith.constant 4 : i32
        %add3A_363 = arith.addi %add3A_327, %add3A_362 : i32
        %mul3A_364 = arith.constant 80 : i32
        %mul3A_365 = arith.muli %add3A_363, %mul3A_364 : i32
        %add3A_366 = arith.addi %mul3A_2, %mul3A_365 : i32
        %dma_start3A_367 = tpu.memref_slice %arg4[%add3A_366] : memref<320000xi32, #tpu.memory_space<hbm>> -> memref<80xi32, #tpu.memory_space<hbm>>
        %dma_start3A_368 = tpu.memref_slice %arg4[%add3A_366] : memref<320000xi32, #tpu.memory_space<hbm>> -> memref<80xi32, #tpu.memory_space<hbm>>
        tpu.enqueue_dma source(%dma_start3A_368 : memref<80xi32, #tpu.memory_space<hbm>>) target(%arg11 : memref<80xi32, #tpu.memory_space<vmem>>) target_semaphore(%arg21 : memref<!tpu.dma_semaphore, #tpu.memory_space<semaphore_mem>>)
        %add3A_369 = arith.constant 4 : i32
        %add3A_370 = arith.addi %add3A_327, %add3A_369 : i32
        %mul3A_371 = arith.constant 80 : i32
        %mul3A_372 = arith.muli %add3A_370, %mul3A_371 : i32
        %add3A_373 = arith.addi %mul3A_2, %mul3A_372 : i32
        %dma_wait3A_374 = tpu.memref_slice %arg3[%add3A_373] : memref<320000xi32, #tpu.memory_space<hbm>> -> memref<80xi32, #tpu.memory_space<hbm>>
        %dma_wait3A_375 = tpu.memref_slice %arg3[%add3A_373] : memref<320000xi32, #tpu.memory_space<hbm>> -> memref<80xi32, #tpu.memory_space<hbm>>
        tpu.wait_dma2 semaphore(%arg21 : memref<!tpu.dma_semaphore, #tpu.memory_space<semaphore_mem>>) src(%dma_wait3A_375 : memref<80xi32, #tpu.memory_space<hbm>>) dst(%arg7 : memref<80xi32, #tpu.memory_space<vmem>>)
        %dma_start3A_376 = arith.constant 0 : i32
        %dma_start3A_377 = arith.constant 0 : i32
        %dma_start3A_378 = tpu.memref_slice %arg2[%dma_start3A_376, %dma_start3A_377] : memref<10000x128xf32, #tpu.memory_space<hbm>> -> memref<10000x128xf32, #tpu.memory_space<hbm>>
        tpu.enqueue_indirect_dma source(%dma_start3A_378 : memref<10000x128xf32, #tpu.memory_space<hbm>>) target(%arg15 : memref<80x128xf32, #tpu.memory_space<vmem>>) offsets(%arg7 : memref<80xi32, #tpu.memory_space<vmem>>) semaphore(%arg19 : memref<!tpu.dma_semaphore, #tpu.memory_space<semaphore_mem>>)
      } else {
      }
      %add3A_338 = arith.constant 2 : i32
      %add3A_339 = arith.addi %mul3A_236, %add3A_338 : i32
      %dma_wait3A_340 = arith.constant 0 : i32
      %dma_wait3A_341 = arith.constant 0 : i32
      %dma_wait3A_342 = tpu.memref_slice %arg18[%dma_wait3A_340, %dma_wait3A_341] : memref<10112x128xf32, #tpu.memory_space<vmem_shared>> -> memref<10112x128xf32, #tpu.memory_space<vmem_shared>>
      tpu.wait_indirect_dma semaphore(%arg20 : memref<!tpu.dma_semaphore, #tpu.memory_space<semaphore_mem>>) src(%arg16 : memref<80x128xf32, #tpu.memory_space<vmem>>) dst(%dma_wait3A_342 : memref<10112x128xf32, #tpu.memory_space<vmem_shared>>)
      %add3A_343 = arith.constant 4 : i32
      %add3A_344 = arith.addi %add3A_339, %add3A_343 : i32
      %lt3A_345 = arith.constant 125 : i32
      %lt3A_346 = arith.cmpi slt, %add3A_344, %lt3A_345 : i32
      %convert_element_type3A_347 = arith.extui %lt3A_346 : i1 to i32
      %cond3A_348 = arith.constant 0 : i32
      %cond3A_349 = arith.cmpi ne, %convert_element_type3A_347, %cond3A_348 : i32
      scf.if %cond3A_349 {
        %add3A_362 = arith.constant 4 : i32
        %add3A_363 = arith.addi %add3A_339, %add3A_362 : i32
        %mul3A_364 = arith.constant 80 : i32
        %mul3A_365 = arith.muli %add3A_363, %mul3A_364 : i32
        %add3A_366 = arith.addi %mul3A_2, %mul3A_365 : i32
        %dma_start3A_367 = tpu.memref_slice %arg4[%add3A_366] : memref<320000xi32, #tpu.memory_space<hbm>> -> memref<80xi32, #tpu.memory_space<hbm>>
        %dma_start3A_368 = tpu.memref_slice %arg4[%add3A_366] : memref<320000xi32, #tpu.memory_space<hbm>> -> memref<80xi32, #tpu.memory_space<hbm>>
        tpu.enqueue_dma source(%dma_start3A_368 : memref<80xi32, #tpu.memory_space<hbm>>) target(%arg12 : memref<80xi32, #tpu.memory_space<vmem>>) target_semaphore(%arg21 : memref<!tpu.dma_semaphore, #tpu.memory_space<semaphore_mem>>)
        %add3A_369 = arith.constant 4 : i32
        %add3A_370 = arith.addi %add3A_339, %add3A_369 : i32
        %mul3A_371 = arith.constant 80 : i32
        %mul3A_372 = arith.muli %add3A_370, %mul3A_371 : i32
        %add3A_373 = arith.addi %mul3A_2, %mul3A_372 : i32
        %dma_wait3A_374 = tpu.memref_slice %arg3[%add3A_373] : memref<320000xi32, #tpu.memory_space<hbm>> -> memref<80xi32, #tpu.memory_space<hbm>>
        %dma_wait3A_375 = tpu.memref_slice %arg3[%add3A_373] : memref<320000xi32, #tpu.memory_space<hbm>> -> memref<80xi32, #tpu.memory_space<hbm>>
        tpu.wait_dma2 semaphore(%arg21 : memref<!tpu.dma_semaphore, #tpu.memory_space<semaphore_mem>>) src(%dma_wait3A_375 : memref<80xi32, #tpu.memory_space<hbm>>) dst(%arg8 : memref<80xi32, #tpu.memory_space<vmem>>)
        %dma_start3A_376 = arith.constant 0 : i32
        %dma_start3A_377 = arith.constant 0 : i32
        %dma_start3A_378 = tpu.memref_slice %arg2[%dma_start3A_376, %dma_start3A_377] : memref<10000x128xf32, #tpu.memory_space<hbm>> -> memref<10000x128xf32, #tpu.memory_space<hbm>>
        tpu.enqueue_indirect_dma source(%dma_start3A_378 : memref<10000x128xf32, #tpu.memory_space<hbm>>) target(%arg16 : memref<80x128xf32, #tpu.memory_space<vmem>>) offsets(%arg8 : memref<80xi32, #tpu.memory_space<vmem>>) semaphore(%arg19 : memref<!tpu.dma_semaphore, #tpu.memory_space<semaphore_mem>>)
      } else {
      }
      %add3A_350 = arith.constant 3 : i32
      %add3A_351 = arith.addi %mul3A_236, %add3A_350 : i32
      %dma_wait3A_352 = arith.constant 0 : i32
      %dma_wait3A_353 = arith.constant 0 : i32
      %dma_wait3A_354 = tpu.memref_slice %arg18[%dma_wait3A_352, %dma_wait3A_353] : memref<10112x128xf32, #tpu.memory_space<vmem_shared>> -> memref<10112x128xf32, #tpu.memory_space<vmem_shared>>
      tpu.wait_indirect_dma semaphore(%arg20 : memref<!tpu.dma_semaphore, #tpu.memory_space<semaphore_mem>>) src(%arg17 : memref<80x128xf32, #tpu.memory_space<vmem>>) dst(%dma_wait3A_354 : memref<10112x128xf32, #tpu.memory_space<vmem_shared>>)
      %add3A_355 = arith.constant 4 : i32
      %add3A_356 = arith.addi %add3A_351, %add3A_355 : i32
      %lt3A_357 = arith.constant 125 : i32
      %lt3A_358 = arith.cmpi slt, %add3A_356, %lt3A_357 : i32
      %convert_element_type3A_359 = arith.extui %lt3A_358 : i1 to i32
      %cond3A_360 = arith.constant 0 : i32
      %cond3A_361 = arith.cmpi ne, %convert_element_type3A_359, %cond3A_360 : i32
      scf.if %cond3A_361 {
        %add3A_362 = arith.constant 4 : i32
        %add3A_363 = arith.addi %add3A_351, %add3A_362 : i32
        %mul3A_364 = arith.constant 80 : i32
        %mul3A_365 = arith.muli %add3A_363, %mul3A_364 : i32
        %add3A_366 = arith.addi %mul3A_2, %mul3A_365 : i32
        %dma_start3A_367 = tpu.memref_slice %arg4[%add3A_366] : memref<320000xi32, #tpu.memory_space<hbm>> -> memref<80xi32, #tpu.memory_space<hbm>>
        %dma_start3A_368 = tpu.memref_slice %arg4[%add3A_366] : memref<320000xi32, #tpu.memory_space<hbm>> -> memref<80xi32, #tpu.memory_space<hbm>>
        tpu.enqueue_dma source(%dma_start3A_368 : memref<80xi32, #tpu.memory_space<hbm>>) target(%arg13 : memref<80xi32, #tpu.memory_space<vmem>>) target_semaphore(%arg21 : memref<!tpu.dma_semaphore, #tpu.memory_space<semaphore_mem>>)
        %add3A_369 = arith.constant 4 : i32
        %add3A_370 = arith.addi %add3A_351, %add3A_369 : i32
        %mul3A_371 = arith.constant 80 : i32
        %mul3A_372 = arith.muli %add3A_370, %mul3A_371 : i32
        %add3A_373 = arith.addi %mul3A_2, %mul3A_372 : i32
        %dma_wait3A_374 = tpu.memref_slice %arg3[%add3A_373] : memref<320000xi32, #tpu.memory_space<hbm>> -> memref<80xi32, #tpu.memory_space<hbm>>
        %dma_wait3A_375 = tpu.memref_slice %arg3[%add3A_373] : memref<320000xi32, #tpu.memory_space<hbm>> -> memref<80xi32, #tpu.memory_space<hbm>>
        tpu.wait_dma2 semaphore(%arg21 : memref<!tpu.dma_semaphore, #tpu.memory_space<semaphore_mem>>) src(%dma_wait3A_375 : memref<80xi32, #tpu.memory_space<hbm>>) dst(%arg9 : memref<80xi32, #tpu.memory_space<vmem>>)
        %dma_start3A_376 = arith.constant 0 : i32
        %dma_start3A_377 = arith.constant 0 : i32
        %dma_start3A_378 = tpu.memref_slice %arg2[%dma_start3A_376, %dma_start3A_377] : memref<10000x128xf32, #tpu.memory_space<hbm>> -> memref<10000x128xf32, #tpu.memory_space<hbm>>
        tpu.enqueue_indirect_dma source(%dma_start3A_378 : memref<10000x128xf32, #tpu.memory_space<hbm>>) target(%arg17 : memref<80x128xf32, #tpu.memory_space<vmem>>) offsets(%arg9 : memref<80xi32, #tpu.memory_space<vmem>>) semaphore(%arg19 : memref<!tpu.dma_semaphore, #tpu.memory_space<semaphore_mem>>)
      } else {
      }
    }
    %scan3A_215 = arith.constant 31 : i32
    %add3A_216 = arith.constant 9920 : i32
    %add3A_217 = arith.addi %mul3A_2, %add3A_216 : i32
    %dma_wait3A_218 = tpu.memref_slice %arg4[%add3A_217] : memref<320000xi32, #tpu.memory_space<hbm>> -> memref<80xi32, #tpu.memory_space<hbm>>
    %dma_wait3A_219 = tpu.memref_slice %arg4[%add3A_217] : memref<320000xi32, #tpu.memory_space<hbm>> -> memref<80xi32, #tpu.memory_space<hbm>>
    tpu.wait_dma2 semaphore(%arg21 : memref<!tpu.dma_semaphore, #tpu.memory_space<semaphore_mem>>) src(%dma_wait3A_219 : memref<80xi32, #tpu.memory_space<hbm>>) dst(%arg10 : memref<80xi32, #tpu.memory_space<vmem>>)
    %dma_wait3A_220 = arith.constant 0 : i32
    %dma_wait3A_221 = arith.constant 0 : i32
    %dma_wait3A_222 = tpu.memref_slice %arg2[%dma_wait3A_220, %dma_wait3A_221] : memref<10000x128xf32, #tpu.memory_space<hbm>> -> memref<10000x128xf32, #tpu.memory_space<hbm>>
    tpu.wait_indirect_dma semaphore(%arg19 : memref<!tpu.dma_semaphore, #tpu.memory_space<semaphore_mem>>) src(%dma_wait3A_222 : memref<10000x128xf32, #tpu.memory_space<hbm>>) dst(%arg14 : memref<80x128xf32, #tpu.memory_space<vmem>>)
    %dma_start3A_223 = arith.constant 0 : i32
    %dma_start3A_224 = arith.constant 0 : i32
    %dma_start3A_225 = tpu.memref_slice %arg18[%dma_start3A_223, %dma_start3A_224] : memref<10112x128xf32, #tpu.memory_space<vmem_shared>> -> memref<10112x128xf32, #tpu.memory_space<vmem_shared>>
    tpu.enqueue_indirect_dma source(%arg14 : memref<80x128xf32, #tpu.memory_space<vmem>>) target(%dma_start3A_225 : memref<10112x128xf32, #tpu.memory_space<vmem_shared>>) offsets(%arg10 : memref<80xi32, #tpu.memory_space<vmem>>) semaphore(%arg20 : memref<!tpu.dma_semaphore, #tpu.memory_space<semaphore_mem>>) {add = true}
    %dma_wait3A_226 = arith.constant 0 : i32
    %dma_wait3A_227 = arith.constant 0 : i32
    %dma_wait3A_228 = tpu.memref_slice %arg18[%dma_wait3A_226, %dma_wait3A_227] : memref<10112x128xf32, #tpu.memory_space<vmem_shared>> -> memref<10112x128xf32, #tpu.memory_space<vmem_shared>>
    tpu.wait_indirect_dma semaphore(%arg20 : memref<!tpu.dma_semaphore, #tpu.memory_space<semaphore_mem>>) src(%arg14 : memref<80x128xf32, #tpu.memory_space<vmem>>) dst(%dma_wait3A_228 : memref<10112x128xf32, #tpu.memory_space<vmem_shared>>)
    %barrier3A_229 = arith.constant 0 : index
    tpu.barrier barrier_id(%barrier3A_229)
    %mul3A_230 = arith.constant 632 : i32
    %mul3A_231 = arith.muli %arg1, %mul3A_230 : i32
    %mul3A_232 = arith.constant 632 : i32
    %mul3A_233 = arith.muli %arg1, %mul3A_232 : i32
    "tpu.region"() ({
      %run_scoped3A = tpu.sem_alloc : memref<!tpu.dma_semaphore, #tpu.memory_space<semaphore_mem>>
      %dma_start3A_234 = arith.constant 0 : i32
      %dma_start3A_235 = tpu.memref_slice %arg5[%arg0, %mul3A_233, %dma_start3A_234] : memref<2x10112x128xf32, #tpu.memory_space<hbm>> -> memref<1x632x128xf32, #tpu.memory_space<hbm>>
      %dma_start3A_236 = tpu.memref_squeeze %dma_start3A_235 : memref<1x632x128xf32, #tpu.memory_space<hbm>> -> memref<632x128xf32, #tpu.memory_space<hbm>>
      %dma_start3A_237 = arith.constant 0 : i32
      %dma_start3A_238 = tpu.memref_slice %arg18[%mul3A_231, %dma_start3A_237] : memref<10112x128xf32, #tpu.memory_space<vmem_shared>> -> memref<632x128xf32, #tpu.memory_space<vmem_shared>>
      tpu.enqueue_dma source(%dma_start3A_238 : memref<632x128xf32, #tpu.memory_space<vmem_shared>>) target(%dma_start3A_236 : memref<632x128xf32, #tpu.memory_space<hbm>>) target_semaphore(%run_scoped3A : memref<!tpu.dma_semaphore, #tpu.memory_space<semaphore_mem>>)
      %dma_wait3A_239 = arith.constant 0 : i32
      %dma_wait3A_240 = tpu.memref_slice %arg5[%arg0, %mul3A_233, %dma_wait3A_239] : memref<2x10112x128xf32, #tpu.memory_space<hbm>> -> memref<1x632x128xf32, #tpu.memory_space<hbm>>
      %dma_wait3A_241 = tpu.memref_squeeze %dma_wait3A_240 : memref<1x632x128xf32, #tpu.memory_space<hbm>> -> memref<632x128xf32, #tpu.memory_space<hbm>>
      %dma_wait3A_242 = arith.constant 0 : i32
      %dma_wait3A_243 = tpu.memref_slice %arg18[%mul3A_231, %dma_wait3A_242] : memref<10112x128xf32, #tpu.memory_space<vmem_shared>> -> memref<632x128xf32, #tpu.memory_space<vmem_shared>>
      tpu.wait_dma2 semaphore(%run_scoped3A : memref<!tpu.dma_semaphore, #tpu.memory_space<semaphore_mem>>) src(%dma_wait3A_243 : memref<632x128xf32, #tpu.memory_space<vmem_shared>>) dst(%dma_wait3A_241 : memref<632x128xf32, #tpu.memory_space<hbm>>)
      tpu.yield
    }) : () -> ()
    return
  }
}

#map = affine_map<(d0, d1) -> (0, 0)>
#map1 = affine_map<(d0, d1) -> (0)>
#map2 = affine_map<(d0, d1) -> (0, 0, 0)>
module attributes {stable_mosaic.version = 14 : i64} {
  func.func @_agg_body(%arg0: i32, %arg1: i32, %arg2: memref<10000x128xf32, #tpu.memory_space<hbm>>, %arg3: memref<320000xi32, #tpu.memory_space<hbm>>, %arg4: memref<320000xi32, #tpu.memory_space<hbm>>, %arg5: memref<2x10112x128xf32, #tpu.memory_space<hbm>>, %arg6: memref<80xi32, #tpu.memory_space<vmem>>, %arg7: memref<80xi32, #tpu.memory_space<vmem>>, %arg8: memref<80xi32, #tpu.memory_space<vmem>>, %arg9: memref<80xi32, #tpu.memory_space<vmem>>, %arg10: memref<80xi32, #tpu.memory_space<vmem>>, %arg11: memref<80xi32, #tpu.memory_space<vmem>>, %arg12: memref<80xi32, #tpu.memory_space<vmem>>, %arg13: memref<80xi32, #tpu.memory_space<vmem>>, %arg14: memref<80x128xf32, #tpu.memory_space<vmem>>, %arg15: memref<80x128xf32, #tpu.memory_space<vmem>>, %arg16: memref<80x128xf32, #tpu.memory_space<vmem>>, %arg17: memref<80x128xf32, #tpu.memory_space<vmem>>, %arg18: memref<10112x128xf32, #tpu.memory_space<vmem_shared>>, %arg19: memref<!tpu.dma_semaphore, #tpu.memory_space<semaphore_mem>>, %arg20: memref<!tpu.dma_semaphore, #tpu.memory_space<semaphore_mem>>, %arg21: memref<!tpu.dma_semaphore, #tpu.memory_space<semaphore_mem>>) attributes {dimension_semantics = [#tpu.dimension_semantics<core_parallel>, #tpu.dimension_semantics<subcore_parallel>], iteration_bounds = array<i64: 2, 16>, scalar_prefetch = 0 : i64, scratch_operands = 16 : i64, tpu.core_type = #tpu.core_type<sc_vector_subcore>, window_params = [{transform_indices = #map}, {transform_indices = #map1}, {transform_indices = #map1}, {transform_indices = #map2}]} {
    %mul3A = arith.constant 16 : i32
    %mul3A_0 = arith.muli %arg0, %mul3A : i32
    %add3A = arith.addi %mul3A_0, %arg1 : i32
    %mul3A_1 = arith.constant 10000 : i32
    %mul3A_2 = arith.muli %add3A, %mul3A_1 : i32
    %add3A_3 = arith.constant 0 : i32
    %add3A_4 = arith.addi %mul3A_2, %add3A_3 : i32
    %dma_start3A = tpu.memref_slice %arg3[%add3A_4] : memref<320000xi32, #tpu.memory_space<hbm>> -> memref<80xi32, #tpu.memory_space<hbm>>
    %dma_start3A_5 = tpu.memref_slice %arg3[%add3A_4] : memref<320000xi32, #tpu.memory_space<hbm>> -> memref<80xi32, #tpu.memory_space<hbm>>
    tpu.enqueue_dma source(%dma_start3A_5 : memref<80xi32, #tpu.memory_space<hbm>>) target(%arg6 : memref<80xi32, #tpu.memory_space<vmem>>) target_semaphore(%arg21 : memref<!tpu.dma_semaphore, #tpu.memory_space<semaphore_mem>>)
    %add3A_6 = arith.constant 80 : i32
    %add3A_7 = arith.addi %mul3A_2, %add3A_6 : i32
    %dma_start3A_8 = tpu.memref_slice %arg3[%add3A_7] : memref<320000xi32, #tpu.memory_space<hbm>> -> memref<80xi32, #tpu.memory_space<hbm>>
    %dma_start3A_9 = tpu.memref_slice %arg3[%add3A_7] : memref<320000xi32, #tpu.memory_space<hbm>> -> memref<80xi32, #tpu.memory_space<hbm>>
    tpu.enqueue_dma source(%dma_start3A_9 : memref<80xi32, #tpu.memory_space<hbm>>) target(%arg7 : memref<80xi32, #tpu.memory_space<vmem>>) target_semaphore(%arg21 : memref<!tpu.dma_semaphore, #tpu.memory_space<semaphore_mem>>)
    %add3A_10 = arith.constant 160 : i32
    %add3A_11 = arith.addi %mul3A_2, %add3A_10 : i32
    %dma_start3A_12 = tpu.memref_slice %arg3[%add3A_11] : memref<320000xi32, #tpu.memory_space<hbm>> -> memref<80xi32, #tpu.memory_space<hbm>>
    %dma_start3A_13 = tpu.memref_slice %arg3[%add3A_11] : memref<320000xi32, #tpu.memory_space<hbm>> -> memref<80xi32, #tpu.memory_space<hbm>>
    tpu.enqueue_dma source(%dma_start3A_13 : memref<80xi32, #tpu.memory_space<hbm>>) target(%arg8 : memref<80xi32, #tpu.memory_space<vmem>>) target_semaphore(%arg21 : memref<!tpu.dma_semaphore, #tpu.memory_space<semaphore_mem>>)
    %add3A_14 = arith.constant 240 : i32
    %add3A_15 = arith.addi %mul3A_2, %add3A_14 : i32
    %dma_start3A_16 = tpu.memref_slice %arg3[%add3A_15] : memref<320000xi32, #tpu.memory_space<hbm>> -> memref<80xi32, #tpu.memory_space<hbm>>
    %dma_start3A_17 = tpu.memref_slice %arg3[%add3A_15] : memref<320000xi32, #tpu.memory_space<hbm>> -> memref<80xi32, #tpu.memory_space<hbm>>
    tpu.enqueue_dma source(%dma_start3A_17 : memref<80xi32, #tpu.memory_space<hbm>>) target(%arg9 : memref<80xi32, #tpu.memory_space<vmem>>) target_semaphore(%arg21 : memref<!tpu.dma_semaphore, #tpu.memory_space<semaphore_mem>>)
    %add3A_18 = arith.constant 0 : i32
    %add3A_19 = arith.addi %mul3A_2, %add3A_18 : i32
    %dma_start3A_20 = tpu.memref_slice %arg4[%add3A_19] : memref<320000xi32, #tpu.memory_space<hbm>> -> memref<80xi32, #tpu.memory_space<hbm>>
    %dma_start3A_21 = tpu.memref_slice %arg4[%add3A_19] : memref<320000xi32, #tpu.memory_space<hbm>> -> memref<80xi32, #tpu.memory_space<hbm>>
    tpu.enqueue_dma source(%dma_start3A_21 : memref<80xi32, #tpu.memory_space<hbm>>) target(%arg10 : memref<80xi32, #tpu.memory_space<vmem>>) target_semaphore(%arg21 : memref<!tpu.dma_semaphore, #tpu.memory_space<semaphore_mem>>)
    %add3A_22 = arith.constant 80 : i32
    %add3A_23 = arith.addi %mul3A_2, %add3A_22 : i32
    %dma_start3A_24 = tpu.memref_slice %arg4[%add3A_23] : memref<320000xi32, #tpu.memory_space<hbm>> -> memref<80xi32, #tpu.memory_space<hbm>>
    %dma_start3A_25 = tpu.memref_slice %arg4[%add3A_23] : memref<320000xi32, #tpu.memory_space<hbm>> -> memref<80xi32, #tpu.memory_space<hbm>>
    tpu.enqueue_dma source(%dma_start3A_25 : memref<80xi32, #tpu.memory_space<hbm>>) target(%arg11 : memref<80xi32, #tpu.memory_space<vmem>>) target_semaphore(%arg21 : memref<!tpu.dma_semaphore, #tpu.memory_space<semaphore_mem>>)
    %add3A_26 = arith.constant 160 : i32
    %add3A_27 = arith.addi %mul3A_2, %add3A_26 : i32
    %dma_start3A_28 = tpu.memref_slice %arg4[%add3A_27] : memref<320000xi32, #tpu.memory_space<hbm>> -> memref<80xi32, #tpu.memory_space<hbm>>
    %dma_start3A_29 = tpu.memref_slice %arg4[%add3A_27] : memref<320000xi32, #tpu.memory_space<hbm>> -> memref<80xi32, #tpu.memory_space<hbm>>
    tpu.enqueue_dma source(%dma_start3A_29 : memref<80xi32, #tpu.memory_space<hbm>>) target(%arg12 : memref<80xi32, #tpu.memory_space<vmem>>) target_semaphore(%arg21 : memref<!tpu.dma_semaphore, #tpu.memory_space<semaphore_mem>>)
    %add3A_30 = arith.constant 240 : i32
    %add3A_31 = arith.addi %mul3A_2, %add3A_30 : i32
    %dma_start3A_32 = tpu.memref_slice %arg4[%add3A_31] : memref<320000xi32, #tpu.memory_space<hbm>> -> memref<80xi32, #tpu.memory_space<hbm>>
    %dma_start3A_33 = tpu.memref_slice %arg4[%add3A_31] : memref<320000xi32, #tpu.memory_space<hbm>> -> memref<80xi32, #tpu.memory_space<hbm>>
    tpu.enqueue_dma source(%dma_start3A_33 : memref<80xi32, #tpu.memory_space<hbm>>) target(%arg13 : memref<80xi32, #tpu.memory_space<vmem>>) target_semaphore(%arg21 : memref<!tpu.dma_semaphore, #tpu.memory_space<semaphore_mem>>)
    %add3A_34 = arith.constant 0 : i32
    %add3A_35 = arith.addi %mul3A_2, %add3A_34 : i32
    %dma_wait3A = tpu.memref_slice %arg3[%add3A_35] : memref<320000xi32, #tpu.memory_space<hbm>> -> memref<80xi32, #tpu.memory_space<hbm>>
    %dma_wait3A_36 = tpu.memref_slice %arg3[%add3A_35] : memref<320000xi32, #tpu.memory_space<hbm>> -> memref<80xi32, #tpu.memory_space<hbm>>
    tpu.wait_dma2 semaphore(%arg21 : memref<!tpu.dma_semaphore, #tpu.memory_space<semaphore_mem>>) src(%dma_wait3A_36 : memref<80xi32, #tpu.memory_space<hbm>>) dst(%arg6 : memref<80xi32, #tpu.memory_space<vmem>>)
    %dma_start3A_37 = arith.constant 0 : i32
    %dma_start3A_38 = arith.constant 0 : i32
    %dma_start3A_39 = tpu.memref_slice %arg2[%dma_start3A_37, %dma_start3A_38] : memref<10000x128xf32, #tpu.memory_space<hbm>> -> memref<10000x128xf32, #tpu.memory_space<hbm>>
    tpu.enqueue_indirect_dma source(%dma_start3A_39 : memref<10000x128xf32, #tpu.memory_space<hbm>>) target(%arg14 : memref<80x128xf32, #tpu.memory_space<vmem>>) offsets(%arg6 : memref<80xi32, #tpu.memory_space<vmem>>) semaphore(%arg19 : memref<!tpu.dma_semaphore, #tpu.memory_space<semaphore_mem>>)
    %add3A_40 = arith.constant 80 : i32
    %add3A_41 = arith.addi %mul3A_2, %add3A_40 : i32
    %dma_wait3A_42 = tpu.memref_slice %arg3[%add3A_41] : memref<320000xi32, #tpu.memory_space<hbm>> -> memref<80xi32, #tpu.memory_space<hbm>>
    %dma_wait3A_43 = tpu.memref_slice %arg3[%add3A_41] : memref<320000xi32, #tpu.memory_space<hbm>> -> memref<80xi32, #tpu.memory_space<hbm>>
    tpu.wait_dma2 semaphore(%arg21 : memref<!tpu.dma_semaphore, #tpu.memory_space<semaphore_mem>>) src(%dma_wait3A_43 : memref<80xi32, #tpu.memory_space<hbm>>) dst(%arg7 : memref<80xi32, #tpu.memory_space<vmem>>)
    %dma_start3A_44 = arith.constant 0 : i32
    %dma_start3A_45 = arith.constant 0 : i32
    %dma_start3A_46 = tpu.memref_slice %arg2[%dma_start3A_44, %dma_start3A_45] : memref<10000x128xf32, #tpu.memory_space<hbm>> -> memref<10000x128xf32, #tpu.memory_space<hbm>>
    tpu.enqueue_indirect_dma source(%dma_start3A_46 : memref<10000x128xf32, #tpu.memory_space<hbm>>) target(%arg15 : memref<80x128xf32, #tpu.memory_space<vmem>>) offsets(%arg7 : memref<80xi32, #tpu.memory_space<vmem>>) semaphore(%arg19 : memref<!tpu.dma_semaphore, #tpu.memory_space<semaphore_mem>>)
    %add3A_47 = arith.constant 160 : i32
    %add3A_48 = arith.addi %mul3A_2, %add3A_47 : i32
    %dma_wait3A_49 = tpu.memref_slice %arg3[%add3A_48] : memref<320000xi32, #tpu.memory_space<hbm>> -> memref<80xi32, #tpu.memory_space<hbm>>
    %dma_wait3A_50 = tpu.memref_slice %arg3[%add3A_48] : memref<320000xi32, #tpu.memory_space<hbm>> -> memref<80xi32, #tpu.memory_space<hbm>>
    tpu.wait_dma2 semaphore(%arg21 : memref<!tpu.dma_semaphore, #tpu.memory_space<semaphore_mem>>) src(%dma_wait3A_50 : memref<80xi32, #tpu.memory_space<hbm>>) dst(%arg8 : memref<80xi32, #tpu.memory_space<vmem>>)
    %dma_start3A_51 = arith.constant 0 : i32
    %dma_start3A_52 = arith.constant 0 : i32
    %dma_start3A_53 = tpu.memref_slice %arg2[%dma_start3A_51, %dma_start3A_52] : memref<10000x128xf32, #tpu.memory_space<hbm>> -> memref<10000x128xf32, #tpu.memory_space<hbm>>
    tpu.enqueue_indirect_dma source(%dma_start3A_53 : memref<10000x128xf32, #tpu.memory_space<hbm>>) target(%arg16 : memref<80x128xf32, #tpu.memory_space<vmem>>) offsets(%arg8 : memref<80xi32, #tpu.memory_space<vmem>>) semaphore(%arg19 : memref<!tpu.dma_semaphore, #tpu.memory_space<semaphore_mem>>)
    %broadcast_in_dim3A = arith.constant 0.000000e+00 : f32
    %broadcast_in_dim3A_54 = vector.broadcast %broadcast_in_dim3A : f32 to vector<16xf32>
    %scan3A = arith.constant 0 : i32
    %scan3A_55 = arith.constant 0 : i32
    %scan3A_56 = arith.constant 80 : i32
    %scan3A_57 = arith.addi %scan3A_55, %scan3A_56 : i32
    %scan3A_58 = arith.constant 1 : i32
    scf.for %scan3A_234 = %scan3A_55 to %scan3A_57 step %scan3A_58  : i32 {
      %swap3A = arith.index_cast %scan3A_234 : i32 to index
      %swap3A_235 = arith.constant 0 : index
      %swap3A_236 = tpu.vector_load %arg17[%swap3A, %swap3A_235] {strides = array<i32>} : memref<80x128xf32, #tpu.memory_space<vmem>>, vector<1x16xf32>,
      %swap3A_237 = vector.shape_cast %swap3A_236 : vector<1x16xf32> to vector<16xf32>
      %swap3A_238 = vector.shape_cast %broadcast_in_dim3A_54 : vector<16xf32> to vector<1x16xf32>
      tpu.vector_store %arg17[%swap3A, %swap3A_235], %swap3A_238 {strides = array<i32>} : memref<80x128xf32, #tpu.memory_space<vmem>>, vector<1x16xf32>,
      %swap3A_239 = arith.index_cast %scan3A_234 : i32 to index
      %swap3A_240 = arith.constant 16 : index
      %swap3A_241 = tpu.vector_load %arg17[%swap3A_239, %swap3A_240] {strides = array<i32>} : memref<80x128xf32, #tpu.memory_space<vmem>>, vector<1x16xf32>,
      %swap3A_242 = vector.shape_cast %swap3A_241 : vector<1x16xf32> to vector<16xf32>
      %swap3A_243 = vector.shape_cast %broadcast_in_dim3A_54 : vector<16xf32> to vector<1x16xf32>
      tpu.vector_store %arg17[%swap3A_239, %swap3A_240], %swap3A_243 {strides = array<i32>} : memref<80x128xf32, #tpu.memory_space<vmem>>, vector<1x16xf32>,
      %swap3A_244 = arith.index_cast %scan3A_234 : i32 to index
      %swap3A_245 = arith.constant 32 : index
      %swap3A_246 = tpu.vector_load %arg17[%swap3A_244, %swap3A_245] {strides = array<i32>} : memref<80x128xf32, #tpu.memory_space<vmem>>, vector<1x16xf32>,
      %swap3A_247 = vector.shape_cast %swap3A_246 : vector<1x16xf32> to vector<16xf32>
      %swap3A_248 = vector.shape_cast %broadcast_in_dim3A_54 : vector<16xf32> to vector<1x16xf32>
      tpu.vector_store %arg17[%swap3A_244, %swap3A_245], %swap3A_248 {strides = array<i32>} : memref<80x128xf32, #tpu.memory_space<vmem>>, vector<1x16xf32>,
      %swap3A_249 = arith.index_cast %scan3A_234 : i32 to index
      %swap3A_250 = arith.constant 48 : index
      %swap3A_251 = tpu.vector_load %arg17[%swap3A_249, %swap3A_250] {strides = array<i32>} : memref<80x128xf32, #tpu.memory_space<vmem>>, vector<1x16xf32>,
      %swap3A_252 = vector.shape_cast %swap3A_251 : vector<1x16xf32> to vector<16xf32>
      %swap3A_253 = vector.shape_cast %broadcast_in_dim3A_54 : vector<16xf32> to vector<1x16xf32>
      tpu.vector_store %arg17[%swap3A_249, %swap3A_250], %swap3A_253 {strides = array<i32>} : memref<80x128xf32, #tpu.memory_space<vmem>>, vector<1x16xf32>,
      %swap3A_254 = arith.index_cast %scan3A_234 : i32 to index
      %swap3A_255 = arith.constant 64 : index
      %swap3A_256 = tpu.vector_load %arg17[%swap3A_254, %swap3A_255] {strides = array<i32>} : memref<80x128xf32, #tpu.memory_space<vmem>>, vector<1x16xf32>,
      %swap3A_257 = vector.shape_cast %swap3A_256 : vector<1x16xf32> to vector<16xf32>
      %swap3A_258 = vector.shape_cast %broadcast_in_dim3A_54 : vector<16xf32> to vector<1x16xf32>
      tpu.vector_store %arg17[%swap3A_254, %swap3A_255], %swap3A_258 {strides = array<i32>} : memref<80x128xf32, #tpu.memory_space<vmem>>, vector<1x16xf32>,
      %swap3A_259 = arith.index_cast %scan3A_234 : i32 to index
      %swap3A_260 = arith.constant 80 : index
      %swap3A_261 = tpu.vector_load %arg17[%swap3A_259, %swap3A_260] {strides = array<i32>} : memref<80x128xf32, #tpu.memory_space<vmem>>, vector<1x16xf32>,
      %swap3A_262 = vector.shape_cast %swap3A_261 : vector<1x16xf32> to vector<16xf32>
      %swap3A_263 = vector.shape_cast %broadcast_in_dim3A_54 : vector<16xf32> to vector<1x16xf32>
      tpu.vector_store %arg17[%swap3A_259, %swap3A_260], %swap3A_263 {strides = array<i32>} : memref<80x128xf32, #tpu.memory_space<vmem>>, vector<1x16xf32>,
      %swap3A_264 = arith.index_cast %scan3A_234 : i32 to index
      %swap3A_265 = arith.constant 96 : index
      %swap3A_266 = tpu.vector_load %arg17[%swap3A_264, %swap3A_265] {strides = array<i32>} : memref<80x128xf32, #tpu.memory_space<vmem>>, vector<1x16xf32>,
      %swap3A_267 = vector.shape_cast %swap3A_266 : vector<1x16xf32> to vector<16xf32>
      %swap3A_268 = vector.shape_cast %broadcast_in_dim3A_54 : vector<16xf32> to vector<1x16xf32>
      tpu.vector_store %arg17[%swap3A_264, %swap3A_265], %swap3A_268 {strides = array<i32>} : memref<80x128xf32, #tpu.memory_space<vmem>>, vector<1x16xf32>,
      %swap3A_269 = arith.index_cast %scan3A_234 : i32 to index
      %swap3A_270 = arith.constant 112 : index
      %swap3A_271 = tpu.vector_load %arg17[%swap3A_269, %swap3A_270] {strides = array<i32>} : memref<80x128xf32, #tpu.memory_space<vmem>>, vector<1x16xf32>,
      %swap3A_272 = vector.shape_cast %swap3A_271 : vector<1x16xf32> to vector<16xf32>
      %swap3A_273 = vector.shape_cast %broadcast_in_dim3A_54 : vector<16xf32> to vector<1x16xf32>
      tpu.vector_store %arg17[%swap3A_269, %swap3A_270], %swap3A_273 {strides = array<i32>} : memref<80x128xf32, #tpu.memory_space<vmem>>, vector<1x16xf32>,
    }
    %scan3A_59 = arith.constant 80 : i32
    %mul3A_60 = arith.constant 632 : i32
    %mul3A_61 = arith.muli %arg1, %mul3A_60 : i32
    %add3A_62 = arith.constant 0 : i32
    %add3A_63 = arith.addi %mul3A_61, %add3A_62 : i32
    %dma_start3A_64 = arith.constant 0 : i32
    %dma_start3A_65 = tpu.memref_slice %arg18[%add3A_63, %dma_start3A_64] : memref<10112x128xf32, #tpu.memory_space<vmem_shared>> -> memref<80x128xf32, #tpu.memory_space<vmem_shared>>
    %dma_start3A_66 = arith.constant 0 : i32
    %dma_start3A_67 = tpu.memref_slice %arg18[%add3A_63, %dma_start3A_66] : memref<10112x128xf32, #tpu.memory_space<vmem_shared>> -> memref<80x128xf32, #tpu.memory_space<vmem_shared>>
    tpu.enqueue_dma source(%arg17 : memref<80x128xf32, #tpu.memory_space<vmem>>) target(%dma_start3A_67 : memref<80x128xf32, #tpu.memory_space<vmem_shared>>) target_semaphore(%arg20 : memref<!tpu.dma_semaphore, #tpu.memory_space<semaphore_mem>>)
    %mul3A_68 = arith.constant 632 : i32
    %mul3A_69 = arith.muli %arg1, %mul3A_68 : i32
    %add3A_70 = arith.constant 80 : i32
    %add3A_71 = arith.addi %mul3A_69, %add3A_70 : i32
    %dma_start3A_72 = arith.constant 0 : i32
    %dma_start3A_73 = tpu.memref_slice %arg18[%add3A_71, %dma_start3A_72] : memref<10112x128xf32, #tpu.memory_space<vmem_shared>> -> memref<80x128xf32, #tpu.memory_space<vmem_shared>>
    %dma_start3A_74 = arith.constant 0 : i32
    %dma_start3A_75 = tpu.memref_slice %arg18[%add3A_71, %dma_start3A_74] : memref<10112x128xf32, #tpu.memory_space<vmem_shared>> -> memref<80x128xf32, #tpu.memory_space<vmem_shared>>
    tpu.enqueue_dma source(%arg17 : memref<80x128xf32, #tpu.memory_space<vmem>>) target(%dma_start3A_75 : memref<80x128xf32, #tpu.memory_space<vmem_shared>>) target_semaphore(%arg20 : memref<!tpu.dma_semaphore, #tpu.memory_space<semaphore_mem>>)
    %mul3A_76 = arith.constant 632 : i32
    %mul3A_77 = arith.muli %arg1, %mul3A_76 : i32
    %add3A_78 = arith.constant 160 : i32
    %add3A_79 = arith.addi %mul3A_77, %add3A_78 : i32
    %dma_start3A_80 = arith.constant 0 : i32
    %dma_start3A_81 = tpu.memref_slice %arg18[%add3A_79, %dma_start3A_80] : memref<10112x128xf32, #tpu.memory_space<vmem_shared>> -> memref<80x128xf32, #tpu.memory_space<vmem_shared>>
    %dma_start3A_82 = arith.constant 0 : i32
    %dma_start3A_83 = tpu.memref_slice %arg18[%add3A_79, %dma_start3A_82] : memref<10112x128xf32, #tpu.memory_space<vmem_shared>> -> memref<80x128xf32, #tpu.memory_space<vmem_shared>>
    tpu.enqueue_dma source(%arg17 : memref<80x128xf32, #tpu.memory_space<vmem>>) target(%dma_start3A_83 : memref<80x128xf32, #tpu.memory_space<vmem_shared>>) target_semaphore(%arg20 : memref<!tpu.dma_semaphore, #tpu.memory_space<semaphore_mem>>)
    %mul3A_84 = arith.constant 632 : i32
    %mul3A_85 = arith.muli %arg1, %mul3A_84 : i32
    %add3A_86 = arith.constant 240 : i32
    %add3A_87 = arith.addi %mul3A_85, %add3A_86 : i32
    %dma_start3A_88 = arith.constant 0 : i32
    %dma_start3A_89 = tpu.memref_slice %arg18[%add3A_87, %dma_start3A_88] : memref<10112x128xf32, #tpu.memory_space<vmem_shared>> -> memref<80x128xf32, #tpu.memory_space<vmem_shared>>
    %dma_start3A_90 = arith.constant 0 : i32
    %dma_start3A_91 = tpu.memref_slice %arg18[%add3A_87, %dma_start3A_90] : memref<10112x128xf32, #tpu.memory_space<vmem_shared>> -> memref<80x128xf32, #tpu.memory_space<vmem_shared>>
    tpu.enqueue_dma source(%arg17 : memref<80x128xf32, #tpu.memory_space<vmem>>) target(%dma_start3A_91 : memref<80x128xf32, #tpu.memory_space<vmem_shared>>) target_semaphore(%arg20 : memref<!tpu.dma_semaphore, #tpu.memory_space<semaphore_mem>>)
    %mul3A_92 = arith.constant 632 : i32
    %mul3A_93 = arith.muli %arg1, %mul3A_92 : i32
    %add3A_94 = arith.constant 320 : i32
    %add3A_95 = arith.addi %mul3A_93, %add3A_94 : i32
    %dma_start3A_96 = arith.constant 0 : i32
    %dma_start3A_97 = tpu.memref_slice %arg18[%add3A_95, %dma_start3A_96] : memref<10112x128xf32, #tpu.memory_space<vmem_shared>> -> memref<80x128xf32, #tpu.memory_space<vmem_shared>>
    %dma_start3A_98 = arith.constant 0 : i32
    %dma_start3A_99 = tpu.memref_slice %arg18[%add3A_95, %dma_start3A_98] : memref<10112x128xf32, #tpu.memory_space<vmem_shared>> -> memref<80x128xf32, #tpu.memory_space<vmem_shared>>
    tpu.enqueue_dma source(%arg17 : memref<80x128xf32, #tpu.memory_space<vmem>>) target(%dma_start3A_99 : memref<80x128xf32, #tpu.memory_space<vmem_shared>>) target_semaphore(%arg20 : memref<!tpu.dma_semaphore, #tpu.memory_space<semaphore_mem>>)
    %mul3A_100 = arith.constant 632 : i32
    %mul3A_101 = arith.muli %arg1, %mul3A_100 : i32
    %add3A_102 = arith.constant 400 : i32
    %add3A_103 = arith.addi %mul3A_101, %add3A_102 : i32
    %dma_start3A_104 = arith.constant 0 : i32
    %dma_start3A_105 = tpu.memref_slice %arg18[%add3A_103, %dma_start3A_104] : memref<10112x128xf32, #tpu.memory_space<vmem_shared>> -> memref<80x128xf32, #tpu.memory_space<vmem_shared>>
    %dma_start3A_106 = arith.constant 0 : i32
    %dma_start3A_107 = tpu.memref_slice %arg18[%add3A_103, %dma_start3A_106] : memref<10112x128xf32, #tpu.memory_space<vmem_shared>> -> memref<80x128xf32, #tpu.memory_space<vmem_shared>>
    tpu.enqueue_dma source(%arg17 : memref<80x128xf32, #tpu.memory_space<vmem>>) target(%dma_start3A_107 : memref<80x128xf32, #tpu.memory_space<vmem_shared>>) target_semaphore(%arg20 : memref<!tpu.dma_semaphore, #tpu.memory_space<semaphore_mem>>)
    %mul3A_108 = arith.constant 632 : i32
    %mul3A_109 = arith.muli %arg1, %mul3A_108 : i32
    %add3A_110 = arith.constant 480 : i32
    %add3A_111 = arith.addi %mul3A_109, %add3A_110 : i32
    %dma_start3A_112 = arith.constant 0 : i32
    %dma_start3A_113 = tpu.memref_slice %arg18[%add3A_111, %dma_start3A_112] : memref<10112x128xf32, #tpu.memory_space<vmem_shared>> -> memref<80x128xf32, #tpu.memory_space<vmem_shared>>
    %dma_start3A_114 = arith.constant 0 : i32
    %dma_start3A_115 = tpu.memref_slice %arg18[%add3A_111, %dma_start3A_114] : memref<10112x128xf32, #tpu.memory_space<vmem_shared>> -> memref<80x128xf32, #tpu.memory_space<vmem_shared>>
    tpu.enqueue_dma source(%arg17 : memref<80x128xf32, #tpu.memory_space<vmem>>) target(%dma_start3A_115 : memref<80x128xf32, #tpu.memory_space<vmem_shared>>) target_semaphore(%arg20 : memref<!tpu.dma_semaphore, #tpu.memory_space<semaphore_mem>>)
    %mul3A_116 = arith.constant 632 : i32
    %mul3A_117 = arith.muli %arg1, %mul3A_116 : i32
    %add3A_118 = arith.constant 632 : i32
    %add3A_119 = arith.addi %mul3A_117, %add3A_118 : i32
    %sub3A = arith.constant 72 : i32
    %sub3A_120 = arith.subi %add3A_119, %sub3A : i32
    %dma_start3A_121 = arith.constant 0 : i32
    %dma_start3A_122 = arith.constant 0 : i32
    %dma_start3A_123 = tpu.memref_slice %arg17[%dma_start3A_121, %dma_start3A_122] : memref<80x128xf32, #tpu.memory_space<vmem>> -> memref<72x128xf32, #tpu.memory_space<vmem>>
    %dma_start3A_124 = arith.constant 0 : i32
    %dma_start3A_125 = tpu.memref_slice %arg18[%sub3A_120, %dma_start3A_124] : memref<10112x128xf32, #tpu.memory_space<vmem_shared>> -> memref<72x128xf32, #tpu.memory_space<vmem_shared>>
    %dma_start3A_126 = arith.constant 0 : i32
    %dma_start3A_127 = tpu.memref_slice %arg18[%sub3A_120, %dma_start3A_126] : memref<10112x128xf32, #tpu.memory_space<vmem_shared>> -> memref<72x128xf32, #tpu.memory_space<vmem_shared>>
    %dma_start3A_128 = arith.constant 0 : i32
    %dma_start3A_129 = arith.constant 0 : i32
    %dma_start3A_130 = tpu.memref_slice %arg17[%dma_start3A_128, %dma_start3A_129] : memref<80x128xf32, #tpu.memory_space<vmem>> -> memref<72x128xf32, #tpu.memory_space<vmem>>
    tpu.enqueue_dma source(%dma_start3A_130 : memref<72x128xf32, #tpu.memory_space<vmem>>) target(%dma_start3A_127 : memref<72x128xf32, #tpu.memory_space<vmem_shared>>) target_semaphore(%arg20 : memref<!tpu.dma_semaphore, #tpu.memory_space<semaphore_mem>>)
    %mul3A_131 = arith.constant 632 : i32
    %mul3A_132 = arith.muli %arg1, %mul3A_131 : i32
    %add3A_133 = arith.constant 0 : i32
    %add3A_134 = arith.addi %mul3A_132, %add3A_133 : i32
    %dma_wait3A_135 = arith.constant 0 : i32
    %dma_wait3A_136 = tpu.memref_slice %arg18[%add3A_134, %dma_wait3A_135] : memref<10112x128xf32, #tpu.memory_space<vmem_shared>> -> memref<80x128xf32, #tpu.memory_space<vmem_shared>>
    %dma_wait3A_137 = arith.constant 0 : i32
    %dma_wait3A_138 = tpu.memref_slice %arg18[%add3A_134, %dma_wait3A_137] : memref<10112x128xf32, #tpu.memory_space<vmem_shared>> -> memref<80x128xf32, #tpu.memory_space<vmem_shared>>
    tpu.wait_dma2 semaphore(%arg20 : memref<!tpu.dma_semaphore, #tpu.memory_space<semaphore_mem>>) src(%arg17 : memref<80x128xf32, #tpu.memory_space<vmem>>) dst(%dma_wait3A_138 : memref<80x128xf32, #tpu.memory_space<vmem_shared>>)
    %mul3A_139 = arith.constant 632 : i32
    %mul3A_140 = arith.muli %arg1, %mul3A_139 : i32
    %add3A_141 = arith.constant 80 : i32
    %add3A_142 = arith.addi %mul3A_140, %add3A_141 : i32
    %dma_wait3A_143 = arith.constant 0 : i32
    %dma_wait3A_144 = tpu.memref_slice %arg18[%add3A_142, %dma_wait3A_143] : memref<10112x128xf32, #tpu.memory_space<vmem_shared>> -> memref<80x128xf32, #tpu.memory_space<vmem_shared>>
    %dma_wait3A_145 = arith.constant 0 : i32
    %dma_wait3A_146 = tpu.memref_slice %arg18[%add3A_142, %dma_wait3A_145] : memref<10112x128xf32, #tpu.memory_space<vmem_shared>> -> memref<80x128xf32, #tpu.memory_space<vmem_shared>>
    tpu.wait_dma2 semaphore(%arg20 : memref<!tpu.dma_semaphore, #tpu.memory_space<semaphore_mem>>) src(%arg17 : memref<80x128xf32, #tpu.memory_space<vmem>>) dst(%dma_wait3A_146 : memref<80x128xf32, #tpu.memory_space<vmem_shared>>)
    %mul3A_147 = arith.constant 632 : i32
    %mul3A_148 = arith.muli %arg1, %mul3A_147 : i32
    %add3A_149 = arith.constant 160 : i32
    %add3A_150 = arith.addi %mul3A_148, %add3A_149 : i32
    %dma_wait3A_151 = arith.constant 0 : i32
    %dma_wait3A_152 = tpu.memref_slice %arg18[%add3A_150, %dma_wait3A_151] : memref<10112x128xf32, #tpu.memory_space<vmem_shared>> -> memref<80x128xf32, #tpu.memory_space<vmem_shared>>
    %dma_wait3A_153 = arith.constant 0 : i32
    %dma_wait3A_154 = tpu.memref_slice %arg18[%add3A_150, %dma_wait3A_153] : memref<10112x128xf32, #tpu.memory_space<vmem_shared>> -> memref<80x128xf32, #tpu.memory_space<vmem_shared>>
    tpu.wait_dma2 semaphore(%arg20 : memref<!tpu.dma_semaphore, #tpu.memory_space<semaphore_mem>>) src(%arg17 : memref<80x128xf32, #tpu.memory_space<vmem>>) dst(%dma_wait3A_154 : memref<80x128xf32, #tpu.memory_space<vmem_shared>>)
    %mul3A_155 = arith.constant 632 : i32
    %mul3A_156 = arith.muli %arg1, %mul3A_155 : i32
    %add3A_157 = arith.constant 240 : i32
    %add3A_158 = arith.addi %mul3A_156, %add3A_157 : i32
    %dma_wait3A_159 = arith.constant 0 : i32
    %dma_wait3A_160 = tpu.memref_slice %arg18[%add3A_158, %dma_wait3A_159] : memref<10112x128xf32, #tpu.memory_space<vmem_shared>> -> memref<80x128xf32, #tpu.memory_space<vmem_shared>>
    %dma_wait3A_161 = arith.constant 0 : i32
    %dma_wait3A_162 = tpu.memref_slice %arg18[%add3A_158, %dma_wait3A_161] : memref<10112x128xf32, #tpu.memory_space<vmem_shared>> -> memref<80x128xf32, #tpu.memory_space<vmem_shared>>
    tpu.wait_dma2 semaphore(%arg20 : memref<!tpu.dma_semaphore, #tpu.memory_space<semaphore_mem>>) src(%arg17 : memref<80x128xf32, #tpu.memory_space<vmem>>) dst(%dma_wait3A_162 : memref<80x128xf32, #tpu.memory_space<vmem_shared>>)
    %mul3A_163 = arith.constant 632 : i32
    %mul3A_164 = arith.muli %arg1, %mul3A_163 : i32
    %add3A_165 = arith.constant 320 : i32
    %add3A_166 = arith.addi %mul3A_164, %add3A_165 : i32
    %dma_wait3A_167 = arith.constant 0 : i32
    %dma_wait3A_168 = tpu.memref_slice %arg18[%add3A_166, %dma_wait3A_167] : memref<10112x128xf32, #tpu.memory_space<vmem_shared>> -> memref<80x128xf32, #tpu.memory_space<vmem_shared>>
    %dma_wait3A_169 = arith.constant 0 : i32
    %dma_wait3A_170 = tpu.memref_slice %arg18[%add3A_166, %dma_wait3A_169] : memref<10112x128xf32, #tpu.memory_space<vmem_shared>> -> memref<80x128xf32, #tpu.memory_space<vmem_shared>>
    tpu.wait_dma2 semaphore(%arg20 : memref<!tpu.dma_semaphore, #tpu.memory_space<semaphore_mem>>) src(%arg17 : memref<80x128xf32, #tpu.memory_space<vmem>>) dst(%dma_wait3A_170 : memref<80x128xf32, #tpu.memory_space<vmem_shared>>)
    %mul3A_171 = arith.constant 632 : i32
    %mul3A_172 = arith.muli %arg1, %mul3A_171 : i32
    %add3A_173 = arith.constant 400 : i32
    %add3A_174 = arith.addi %mul3A_172, %add3A_173 : i32
    %dma_wait3A_175 = arith.constant 0 : i32
    %dma_wait3A_176 = tpu.memref_slice %arg18[%add3A_174, %dma_wait3A_175] : memref<10112x128xf32, #tpu.memory_space<vmem_shared>> -> memref<80x128xf32, #tpu.memory_space<vmem_shared>>
    %dma_wait3A_177 = arith.constant 0 : i32
    %dma_wait3A_178 = tpu.memref_slice %arg18[%add3A_174, %dma_wait3A_177] : memref<10112x128xf32, #tpu.memory_space<vmem_shared>> -> memref<80x128xf32, #tpu.memory_space<vmem_shared>>
    tpu.wait_dma2 semaphore(%arg20 : memref<!tpu.dma_semaphore, #tpu.memory_space<semaphore_mem>>) src(%arg17 : memref<80x128xf32, #tpu.memory_space<vmem>>) dst(%dma_wait3A_178 : memref<80x128xf32, #tpu.memory_space<vmem_shared>>)
    %mul3A_179 = arith.constant 632 : i32
    %mul3A_180 = arith.muli %arg1, %mul3A_179 : i32
    %add3A_181 = arith.constant 480 : i32
    %add3A_182 = arith.addi %mul3A_180, %add3A_181 : i32
    %dma_wait3A_183 = arith.constant 0 : i32
    %dma_wait3A_184 = tpu.memref_slice %arg18[%add3A_182, %dma_wait3A_183] : memref<10112x128xf32, #tpu.memory_space<vmem_shared>> -> memref<80x128xf32, #tpu.memory_space<vmem_shared>>
    %dma_wait3A_185 = arith.constant 0 : i32
    %dma_wait3A_186 = tpu.memref_slice %arg18[%add3A_182, %dma_wait3A_185] : memref<10112x128xf32, #tpu.memory_space<vmem_shared>> -> memref<80x128xf32, #tpu.memory_space<vmem_shared>>
    tpu.wait_dma2 semaphore(%arg20 : memref<!tpu.dma_semaphore, #tpu.memory_space<semaphore_mem>>) src(%arg17 : memref<80x128xf32, #tpu.memory_space<vmem>>) dst(%dma_wait3A_186 : memref<80x128xf32, #tpu.memory_space<vmem_shared>>)
    %mul3A_187 = arith.constant 632 : i32
    %mul3A_188 = arith.muli %arg1, %mul3A_187 : i32
    %add3A_189 = arith.constant 632 : i32
    %add3A_190 = arith.addi %mul3A_188, %add3A_189 : i32
    %sub3A_191 = arith.constant 72 : i32
    %sub3A_192 = arith.subi %add3A_190, %sub3A_191 : i32
    %dma_wait3A_193 = arith.constant 0 : i32
    %dma_wait3A_194 = arith.constant 0 : i32
    %dma_wait3A_195 = tpu.memref_slice %arg17[%dma_wait3A_193, %dma_wait3A_194] : memref<80x128xf32, #tpu.memory_space<vmem>> -> memref<72x128xf32, #tpu.memory_space<vmem>>
    %dma_wait3A_196 = arith.constant 0 : i32
    %dma_wait3A_197 = tpu.memref_slice %arg18[%sub3A_192, %dma_wait3A_196] : memref<10112x128xf32, #tpu.memory_space<vmem_shared>> -> memref<72x128xf32, #tpu.memory_space<vmem_shared>>
    %dma_wait3A_198 = arith.constant 0 : i32
    %dma_wait3A_199 = tpu.memref_slice %arg18[%sub3A_192, %dma_wait3A_198] : memref<10112x128xf32, #tpu.memory_space<vmem_shared>> -> memref<72x128xf32, #tpu.memory_space<vmem_shared>>
    %dma_wait3A_200 = arith.constant 0 : i32
    %dma_wait3A_201 = arith.constant 0 : i32
    %dma_wait3A_202 = tpu.memref_slice %arg17[%dma_wait3A_200, %dma_wait3A_201] : memref<80x128xf32, #tpu.memory_space<vmem>> -> memref<72x128xf32, #tpu.memory_space<vmem>>
    tpu.wait_dma2 semaphore(%arg20 : memref<!tpu.dma_semaphore, #tpu.memory_space<semaphore_mem>>) src(%dma_wait3A_202 : memref<72x128xf32, #tpu.memory_space<vmem>>) dst(%dma_wait3A_199 : memref<72x128xf32, #tpu.memory_space<vmem_shared>>)
    %barrier3A = arith.constant 0 : index
    tpu.barrier barrier_id(%barrier3A)
    %add3A_203 = arith.constant 240 : i32
    %add3A_204 = arith.addi %mul3A_2, %add3A_203 : i32
    %dma_wait3A_205 = tpu.memref_slice %arg3[%add3A_204] : memref<320000xi32, #tpu.memory_space<hbm>> -> memref<80xi32, #tpu.memory_space<hbm>>
    %dma_wait3A_206 = tpu.memref_slice %arg3[%add3A_204] : memref<320000xi32, #tpu.memory_space<hbm>> -> memref<80xi32, #tpu.memory_space<hbm>>
    tpu.wait_dma2 semaphore(%arg21 : memref<!tpu.dma_semaphore, #tpu.memory_space<semaphore_mem>>) src(%dma_wait3A_206 : memref<80xi32, #tpu.memory_space<hbm>>) dst(%arg9 : memref<80xi32, #tpu.memory_space<vmem>>)
    %dma_start3A_207 = arith.constant 0 : i32
    %dma_start3A_208 = arith.constant 0 : i32
    %dma_start3A_209 = tpu.memref_slice %arg2[%dma_start3A_207, %dma_start3A_208] : memref<10000x128xf32, #tpu.memory_space<hbm>> -> memref<10000x128xf32, #tpu.memory_space<hbm>>
    tpu.enqueue_indirect_dma source(%dma_start3A_209 : memref<10000x128xf32, #tpu.memory_space<hbm>>) target(%arg17 : memref<80x128xf32, #tpu.memory_space<vmem>>) offsets(%arg9 : memref<80xi32, #tpu.memory_space<vmem>>) semaphore(%arg19 : memref<!tpu.dma_semaphore, #tpu.memory_space<semaphore_mem>>)
    %scan3A_210 = arith.constant 0 : i32
    %scan3A_211 = arith.constant 0 : i32
    %scan3A_212 = arith.constant 31 : i32
    %scan3A_213 = arith.addi %scan3A_211, %scan3A_212 : i32
    %scan3A_214 = arith.constant 1 : i32
    scf.for %scan3A_234 = %scan3A_211 to %scan3A_213 step %scan3A_214  : i32 {
      %mul3A_235 = arith.constant 4 : i32
      %mul3A_236 = arith.muli %mul3A_235, %scan3A_234 : i32
      %add3A_237 = arith.constant 0 : i32
      %add3A_238 = arith.addi %mul3A_236, %add3A_237 : i32
      %mul3A_239 = arith.constant 80 : i32
      %mul3A_240 = arith.muli %add3A_238, %mul3A_239 : i32
      %add3A_241 = arith.addi %mul3A_2, %mul3A_240 : i32
      %dma_wait3A_242 = tpu.memref_slice %arg4[%add3A_241] : memref<320000xi32, #tpu.memory_space<hbm>> -> memref<80xi32, #tpu.memory_space<hbm>>
      %dma_wait3A_243 = tpu.memref_slice %arg4[%add3A_241] : memref<320000xi32, #tpu.memory_space<hbm>> -> memref<80xi32, #tpu.memory_space<hbm>>
      tpu.wait_dma2 semaphore(%arg21 : memref<!tpu.dma_semaphore, #tpu.memory_space<semaphore_mem>>) src(%dma_wait3A_243 : memref<80xi32, #tpu.memory_space<hbm>>) dst(%arg10 : memref<80xi32, #tpu.memory_space<vmem>>)
      %dma_wait3A_244 = arith.constant 0 : i32
      %dma_wait3A_245 = arith.constant 0 : i32
      %dma_wait3A_246 = tpu.memref_slice %arg2[%dma_wait3A_244, %dma_wait3A_245] : memref<10000x128xf32, #tpu.memory_space<hbm>> -> memref<10000x128xf32, #tpu.memory_space<hbm>>
      tpu.wait_indirect_dma semaphore(%arg19 : memref<!tpu.dma_semaphore, #tpu.memory_space<semaphore_mem>>) src(%dma_wait3A_246 : memref<10000x128xf32, #tpu.memory_space<hbm>>) dst(%arg14 : memref<80x128xf32, #tpu.memory_space<vmem>>)
      %dma_start3A_247 = arith.constant 0 : i32
      %dma_start3A_248 = arith.constant 0 : i32
      %dma_start3A_249 = tpu.memref_slice %arg18[%dma_start3A_247, %dma_start3A_248] : memref<10112x128xf32, #tpu.memory_space<vmem_shared>> -> memref<10112x128xf32, #tpu.memory_space<vmem_shared>>
      tpu.enqueue_indirect_dma source(%arg14 : memref<80x128xf32, #tpu.memory_space<vmem>>) target(%dma_start3A_249 : memref<10112x128xf32, #tpu.memory_space<vmem_shared>>) offsets(%arg10 : memref<80xi32, #tpu.memory_space<vmem>>) semaphore(%arg20 : memref<!tpu.dma_semaphore, #tpu.memory_space<semaphore_mem>>) {add = true}
      %add3A_250 = arith.constant 4 : i32
      %add3A_251 = arith.addi %add3A_238, %add3A_250 : i32
      %lt3A = arith.constant 125 : i32
      %lt3A_252 = arith.cmpi slt, %add3A_251, %lt3A : i32
      %convert_element_type3A = arith.extui %lt3A_252 : i1 to i32
      %cond3A = arith.constant 0 : i32
      %cond3A_253 = arith.cmpi ne, %convert_element_type3A, %cond3A : i32
      scf.if %cond3A_253 {
        %add3A_362 = arith.constant 4 : i32
        %add3A_363 = arith.addi %add3A_238, %add3A_362 : i32
        %mul3A_364 = arith.constant 80 : i32
        %mul3A_365 = arith.muli %add3A_363, %mul3A_364 : i32
        %add3A_366 = arith.addi %mul3A_2, %mul3A_365 : i32
        %dma_start3A_367 = tpu.memref_slice %arg3[%add3A_366] : memref<320000xi32, #tpu.memory_space<hbm>> -> memref<80xi32, #tpu.memory_space<hbm>>
        %dma_start3A_368 = tpu.memref_slice %arg3[%add3A_366] : memref<320000xi32, #tpu.memory_space<hbm>> -> memref<80xi32, #tpu.memory_space<hbm>>
        tpu.enqueue_dma source(%dma_start3A_368 : memref<80xi32, #tpu.memory_space<hbm>>) target(%arg6 : memref<80xi32, #tpu.memory_space<vmem>>) target_semaphore(%arg21 : memref<!tpu.dma_semaphore, #tpu.memory_space<semaphore_mem>>)
      } else {
      }
      %add3A_254 = arith.constant 1 : i32
      %add3A_255 = arith.addi %mul3A_236, %add3A_254 : i32
      %mul3A_256 = arith.constant 80 : i32
      %mul3A_257 = arith.muli %add3A_255, %mul3A_256 : i32
      %add3A_258 = arith.addi %mul3A_2, %mul3A_257 : i32
      %dma_wait3A_259 = tpu.memref_slice %arg4[%add3A_258] : memref<320000xi32, #tpu.memory_space<hbm>> -> memref<80xi32, #tpu.memory_space<hbm>>
      %dma_wait3A_260 = tpu.memref_slice %arg4[%add3A_258] : memref<320000xi32, #tpu.memory_space<hbm>> -> memref<80xi32, #tpu.memory_space<hbm>>
      tpu.wait_dma2 semaphore(%arg21 : memref<!tpu.dma_semaphore, #tpu.memory_space<semaphore_mem>>) src(%dma_wait3A_260 : memref<80xi32, #tpu.memory_space<hbm>>) dst(%arg11 : memref<80xi32, #tpu.memory_space<vmem>>)
      %dma_wait3A_261 = arith.constant 0 : i32
      %dma_wait3A_262 = arith.constant 0 : i32
      %dma_wait3A_263 = tpu.memref_slice %arg2[%dma_wait3A_261, %dma_wait3A_262] : memref<10000x128xf32, #tpu.memory_space<hbm>> -> memref<10000x128xf32, #tpu.memory_space<hbm>>
      tpu.wait_indirect_dma semaphore(%arg19 : memref<!tpu.dma_semaphore, #tpu.memory_space<semaphore_mem>>) src(%dma_wait3A_263 : memref<10000x128xf32, #tpu.memory_space<hbm>>) dst(%arg15 : memref<80x128xf32, #tpu.memory_space<vmem>>)
      %dma_start3A_264 = arith.constant 0 : i32
      %dma_start3A_265 = arith.constant 0 : i32
      %dma_start3A_266 = tpu.memref_slice %arg18[%dma_start3A_264, %dma_start3A_265] : memref<10112x128xf32, #tpu.memory_space<vmem_shared>> -> memref<10112x128xf32, #tpu.memory_space<vmem_shared>>
      tpu.enqueue_indirect_dma source(%arg15 : memref<80x128xf32, #tpu.memory_space<vmem>>) target(%dma_start3A_266 : memref<10112x128xf32, #tpu.memory_space<vmem_shared>>) offsets(%arg11 : memref<80xi32, #tpu.memory_space<vmem>>) semaphore(%arg20 : memref<!tpu.dma_semaphore, #tpu.memory_space<semaphore_mem>>) {add = true}
      %add3A_267 = arith.constant 4 : i32
      %add3A_268 = arith.addi %add3A_255, %add3A_267 : i32
      %lt3A_269 = arith.constant 125 : i32
      %lt3A_270 = arith.cmpi slt, %add3A_268, %lt3A_269 : i32
      %convert_element_type3A_271 = arith.extui %lt3A_270 : i1 to i32
      %cond3A_272 = arith.constant 0 : i32
      %cond3A_273 = arith.cmpi ne, %convert_element_type3A_271, %cond3A_272 : i32
      scf.if %cond3A_273 {
        %add3A_362 = arith.constant 4 : i32
        %add3A_363 = arith.addi %add3A_255, %add3A_362 : i32
        %mul3A_364 = arith.constant 80 : i32
        %mul3A_365 = arith.muli %add3A_363, %mul3A_364 : i32
        %add3A_366 = arith.addi %mul3A_2, %mul3A_365 : i32
        %dma_start3A_367 = tpu.memref_slice %arg3[%add3A_366] : memref<320000xi32, #tpu.memory_space<hbm>> -> memref<80xi32, #tpu.memory_space<hbm>>
        %dma_start3A_368 = tpu.memref_slice %arg3[%add3A_366] : memref<320000xi32, #tpu.memory_space<hbm>> -> memref<80xi32, #tpu.memory_space<hbm>>
        tpu.enqueue_dma source(%dma_start3A_368 : memref<80xi32, #tpu.memory_space<hbm>>) target(%arg7 : memref<80xi32, #tpu.memory_space<vmem>>) target_semaphore(%arg21 : memref<!tpu.dma_semaphore, #tpu.memory_space<semaphore_mem>>)
      } else {
      }
      %add3A_274 = arith.constant 2 : i32
      %add3A_275 = arith.addi %mul3A_236, %add3A_274 : i32
      %mul3A_276 = arith.constant 80 : i32
      %mul3A_277 = arith.muli %add3A_275, %mul3A_276 : i32
      %add3A_278 = arith.addi %mul3A_2, %mul3A_277 : i32
      %dma_wait3A_279 = tpu.memref_slice %arg4[%add3A_278] : memref<320000xi32, #tpu.memory_space<hbm>> -> memref<80xi32, #tpu.memory_space<hbm>>
      %dma_wait3A_280 = tpu.memref_slice %arg4[%add3A_278] : memref<320000xi32, #tpu.memory_space<hbm>> -> memref<80xi32, #tpu.memory_space<hbm>>
      tpu.wait_dma2 semaphore(%arg21 : memref<!tpu.dma_semaphore, #tpu.memory_space<semaphore_mem>>) src(%dma_wait3A_280 : memref<80xi32, #tpu.memory_space<hbm>>) dst(%arg12 : memref<80xi32, #tpu.memory_space<vmem>>)
      %dma_wait3A_281 = arith.constant 0 : i32
      %dma_wait3A_282 = arith.constant 0 : i32
      %dma_wait3A_283 = tpu.memref_slice %arg2[%dma_wait3A_281, %dma_wait3A_282] : memref<10000x128xf32, #tpu.memory_space<hbm>> -> memref<10000x128xf32, #tpu.memory_space<hbm>>
      tpu.wait_indirect_dma semaphore(%arg19 : memref<!tpu.dma_semaphore, #tpu.memory_space<semaphore_mem>>) src(%dma_wait3A_283 : memref<10000x128xf32, #tpu.memory_space<hbm>>) dst(%arg16 : memref<80x128xf32, #tpu.memory_space<vmem>>)
      %dma_start3A_284 = arith.constant 0 : i32
      %dma_start3A_285 = arith.constant 0 : i32
      %dma_start3A_286 = tpu.memref_slice %arg18[%dma_start3A_284, %dma_start3A_285] : memref<10112x128xf32, #tpu.memory_space<vmem_shared>> -> memref<10112x128xf32, #tpu.memory_space<vmem_shared>>
      tpu.enqueue_indirect_dma source(%arg16 : memref<80x128xf32, #tpu.memory_space<vmem>>) target(%dma_start3A_286 : memref<10112x128xf32, #tpu.memory_space<vmem_shared>>) offsets(%arg12 : memref<80xi32, #tpu.memory_space<vmem>>) semaphore(%arg20 : memref<!tpu.dma_semaphore, #tpu.memory_space<semaphore_mem>>) {add = true}
      %add3A_287 = arith.constant 4 : i32
      %add3A_288 = arith.addi %add3A_275, %add3A_287 : i32
      %lt3A_289 = arith.constant 125 : i32
      %lt3A_290 = arith.cmpi slt, %add3A_288, %lt3A_289 : i32
      %convert_element_type3A_291 = arith.extui %lt3A_290 : i1 to i32
      %cond3A_292 = arith.constant 0 : i32
      %cond3A_293 = arith.cmpi ne, %convert_element_type3A_291, %cond3A_292 : i32
      scf.if %cond3A_293 {
        %add3A_362 = arith.constant 4 : i32
        %add3A_363 = arith.addi %add3A_275, %add3A_362 : i32
        %mul3A_364 = arith.constant 80 : i32
        %mul3A_365 = arith.muli %add3A_363, %mul3A_364 : i32
        %add3A_366 = arith.addi %mul3A_2, %mul3A_365 : i32
        %dma_start3A_367 = tpu.memref_slice %arg3[%add3A_366] : memref<320000xi32, #tpu.memory_space<hbm>> -> memref<80xi32, #tpu.memory_space<hbm>>
        %dma_start3A_368 = tpu.memref_slice %arg3[%add3A_366] : memref<320000xi32, #tpu.memory_space<hbm>> -> memref<80xi32, #tpu.memory_space<hbm>>
        tpu.enqueue_dma source(%dma_start3A_368 : memref<80xi32, #tpu.memory_space<hbm>>) target(%arg8 : memref<80xi32, #tpu.memory_space<vmem>>) target_semaphore(%arg21 : memref<!tpu.dma_semaphore, #tpu.memory_space<semaphore_mem>>)
      } else {
      }
      %add3A_294 = arith.constant 3 : i32
      %add3A_295 = arith.addi %mul3A_236, %add3A_294 : i32
      %mul3A_296 = arith.constant 80 : i32
      %mul3A_297 = arith.muli %add3A_295, %mul3A_296 : i32
      %add3A_298 = arith.addi %mul3A_2, %mul3A_297 : i32
      %dma_wait3A_299 = tpu.memref_slice %arg4[%add3A_298] : memref<320000xi32, #tpu.memory_space<hbm>> -> memref<80xi32, #tpu.memory_space<hbm>>
      %dma_wait3A_300 = tpu.memref_slice %arg4[%add3A_298] : memref<320000xi32, #tpu.memory_space<hbm>> -> memref<80xi32, #tpu.memory_space<hbm>>
      tpu.wait_dma2 semaphore(%arg21 : memref<!tpu.dma_semaphore, #tpu.memory_space<semaphore_mem>>) src(%dma_wait3A_300 : memref<80xi32, #tpu.memory_space<hbm>>) dst(%arg13 : memref<80xi32, #tpu.memory_space<vmem>>)
      %dma_wait3A_301 = arith.constant 0 : i32
      %dma_wait3A_302 = arith.constant 0 : i32
      %dma_wait3A_303 = tpu.memref_slice %arg2[%dma_wait3A_301, %dma_wait3A_302] : memref<10000x128xf32, #tpu.memory_space<hbm>> -> memref<10000x128xf32, #tpu.memory_space<hbm>>
      tpu.wait_indirect_dma semaphore(%arg19 : memref<!tpu.dma_semaphore, #tpu.memory_space<semaphore_mem>>) src(%dma_wait3A_303 : memref<10000x128xf32, #tpu.memory_space<hbm>>) dst(%arg17 : memref<80x128xf32, #tpu.memory_space<vmem>>)
      %dma_start3A_304 = arith.constant 0 : i32
      %dma_start3A_305 = arith.constant 0 : i32
      %dma_start3A_306 = tpu.memref_slice %arg18[%dma_start3A_304, %dma_start3A_305] : memref<10112x128xf32, #tpu.memory_space<vmem_shared>> -> memref<10112x128xf32, #tpu.memory_space<vmem_shared>>
      tpu.enqueue_indirect_dma source(%arg17 : memref<80x128xf32, #tpu.memory_space<vmem>>) target(%dma_start3A_306 : memref<10112x128xf32, #tpu.memory_space<vmem_shared>>) offsets(%arg13 : memref<80xi32, #tpu.memory_space<vmem>>) semaphore(%arg20 : memref<!tpu.dma_semaphore, #tpu.memory_space<semaphore_mem>>) {add = true}
      %add3A_307 = arith.constant 4 : i32
      %add3A_308 = arith.addi %add3A_295, %add3A_307 : i32
      %lt3A_309 = arith.constant 125 : i32
      %lt3A_310 = arith.cmpi slt, %add3A_308, %lt3A_309 : i32
      %convert_element_type3A_311 = arith.extui %lt3A_310 : i1 to i32
      %cond3A_312 = arith.constant 0 : i32
      %cond3A_313 = arith.cmpi ne, %convert_element_type3A_311, %cond3A_312 : i32
      scf.if %cond3A_313 {
        %add3A_362 = arith.constant 4 : i32
        %add3A_363 = arith.addi %add3A_295, %add3A_362 : i32
        %mul3A_364 = arith.constant 80 : i32
        %mul3A_365 = arith.muli %add3A_363, %mul3A_364 : i32
        %add3A_366 = arith.addi %mul3A_2, %mul3A_365 : i32
        %dma_start3A_367 = tpu.memref_slice %arg3[%add3A_366] : memref<320000xi32, #tpu.memory_space<hbm>> -> memref<80xi32, #tpu.memory_space<hbm>>
        %dma_start3A_368 = tpu.memref_slice %arg3[%add3A_366] : memref<320000xi32, #tpu.memory_space<hbm>> -> memref<80xi32, #tpu.memory_space<hbm>>
        tpu.enqueue_dma source(%dma_start3A_368 : memref<80xi32, #tpu.memory_space<hbm>>) target(%arg9 : memref<80xi32, #tpu.memory_space<vmem>>) target_semaphore(%arg21 : memref<!tpu.dma_semaphore, #tpu.memory_space<semaphore_mem>>)
      } else {
      }
      %add3A_314 = arith.constant 0 : i32
      %add3A_315 = arith.addi %mul3A_236, %add3A_314 : i32
      %dma_wait3A_316 = arith.constant 0 : i32
      %dma_wait3A_317 = arith.constant 0 : i32
      %dma_wait3A_318 = tpu.memref_slice %arg18[%dma_wait3A_316, %dma_wait3A_317] : memref<10112x128xf32, #tpu.memory_space<vmem_shared>> -> memref<10112x128xf32, #tpu.memory_space<vmem_shared>>
      tpu.wait_indirect_dma semaphore(%arg20 : memref<!tpu.dma_semaphore, #tpu.memory_space<semaphore_mem>>) src(%arg14 : memref<80x128xf32, #tpu.memory_space<vmem>>) dst(%dma_wait3A_318 : memref<10112x128xf32, #tpu.memory_space<vmem_shared>>)
      %add3A_319 = arith.constant 4 : i32
      %add3A_320 = arith.addi %add3A_315, %add3A_319 : i32
      %lt3A_321 = arith.constant 125 : i32
      %lt3A_322 = arith.cmpi slt, %add3A_320, %lt3A_321 : i32
      %convert_element_type3A_323 = arith.extui %lt3A_322 : i1 to i32
      %cond3A_324 = arith.constant 0 : i32
      %cond3A_325 = arith.cmpi ne, %convert_element_type3A_323, %cond3A_324 : i32
      scf.if %cond3A_325 {
        %add3A_362 = arith.constant 4 : i32
        %add3A_363 = arith.addi %add3A_315, %add3A_362 : i32
        %mul3A_364 = arith.constant 80 : i32
        %mul3A_365 = arith.muli %add3A_363, %mul3A_364 : i32
        %add3A_366 = arith.addi %mul3A_2, %mul3A_365 : i32
        %dma_start3A_367 = tpu.memref_slice %arg4[%add3A_366] : memref<320000xi32, #tpu.memory_space<hbm>> -> memref<80xi32, #tpu.memory_space<hbm>>
        %dma_start3A_368 = tpu.memref_slice %arg4[%add3A_366] : memref<320000xi32, #tpu.memory_space<hbm>> -> memref<80xi32, #tpu.memory_space<hbm>>
        tpu.enqueue_dma source(%dma_start3A_368 : memref<80xi32, #tpu.memory_space<hbm>>) target(%arg10 : memref<80xi32, #tpu.memory_space<vmem>>) target_semaphore(%arg21 : memref<!tpu.dma_semaphore, #tpu.memory_space<semaphore_mem>>)
        %add3A_369 = arith.constant 4 : i32
        %add3A_370 = arith.addi %add3A_315, %add3A_369 : i32
        %mul3A_371 = arith.constant 80 : i32
        %mul3A_372 = arith.muli %add3A_370, %mul3A_371 : i32
        %add3A_373 = arith.addi %mul3A_2, %mul3A_372 : i32
        %dma_wait3A_374 = tpu.memref_slice %arg3[%add3A_373] : memref<320000xi32, #tpu.memory_space<hbm>> -> memref<80xi32, #tpu.memory_space<hbm>>
        %dma_wait3A_375 = tpu.memref_slice %arg3[%add3A_373] : memref<320000xi32, #tpu.memory_space<hbm>> -> memref<80xi32, #tpu.memory_space<hbm>>
        tpu.wait_dma2 semaphore(%arg21 : memref<!tpu.dma_semaphore, #tpu.memory_space<semaphore_mem>>) src(%dma_wait3A_375 : memref<80xi32, #tpu.memory_space<hbm>>) dst(%arg6 : memref<80xi32, #tpu.memory_space<vmem>>)
        %dma_start3A_376 = arith.constant 0 : i32
        %dma_start3A_377 = arith.constant 0 : i32
        %dma_start3A_378 = tpu.memref_slice %arg2[%dma_start3A_376, %dma_start3A_377] : memref<10000x128xf32, #tpu.memory_space<hbm>> -> memref<10000x128xf32, #tpu.memory_space<hbm>>
        tpu.enqueue_indirect_dma source(%dma_start3A_378 : memref<10000x128xf32, #tpu.memory_space<hbm>>) target(%arg14 : memref<80x128xf32, #tpu.memory_space<vmem>>) offsets(%arg6 : memref<80xi32, #tpu.memory_space<vmem>>) semaphore(%arg19 : memref<!tpu.dma_semaphore, #tpu.memory_space<semaphore_mem>>)
      } else {
      }
      %add3A_326 = arith.constant 1 : i32
      %add3A_327 = arith.addi %mul3A_236, %add3A_326 : i32
      %dma_wait3A_328 = arith.constant 0 : i32
      %dma_wait3A_329 = arith.constant 0 : i32
      %dma_wait3A_330 = tpu.memref_slice %arg18[%dma_wait3A_328, %dma_wait3A_329] : memref<10112x128xf32, #tpu.memory_space<vmem_shared>> -> memref<10112x128xf32, #tpu.memory_space<vmem_shared>>
      tpu.wait_indirect_dma semaphore(%arg20 : memref<!tpu.dma_semaphore, #tpu.memory_space<semaphore_mem>>) src(%arg15 : memref<80x128xf32, #tpu.memory_space<vmem>>) dst(%dma_wait3A_330 : memref<10112x128xf32, #tpu.memory_space<vmem_shared>>)
      %add3A_331 = arith.constant 4 : i32
      %add3A_332 = arith.addi %add3A_327, %add3A_331 : i32
      %lt3A_333 = arith.constant 125 : i32
      %lt3A_334 = arith.cmpi slt, %add3A_332, %lt3A_333 : i32
      %convert_element_type3A_335 = arith.extui %lt3A_334 : i1 to i32
      %cond3A_336 = arith.constant 0 : i32
      %cond3A_337 = arith.cmpi ne, %convert_element_type3A_335, %cond3A_336 : i32
      scf.if %cond3A_337 {
        %add3A_362 = arith.constant 4 : i32
        %add3A_363 = arith.addi %add3A_327, %add3A_362 : i32
        %mul3A_364 = arith.constant 80 : i32
        %mul3A_365 = arith.muli %add3A_363, %mul3A_364 : i32
        %add3A_366 = arith.addi %mul3A_2, %mul3A_365 : i32
        %dma_start3A_367 = tpu.memref_slice %arg4[%add3A_366] : memref<320000xi32, #tpu.memory_space<hbm>> -> memref<80xi32, #tpu.memory_space<hbm>>
        %dma_start3A_368 = tpu.memref_slice %arg4[%add3A_366] : memref<320000xi32, #tpu.memory_space<hbm>> -> memref<80xi32, #tpu.memory_space<hbm>>
        tpu.enqueue_dma source(%dma_start3A_368 : memref<80xi32, #tpu.memory_space<hbm>>) target(%arg11 : memref<80xi32, #tpu.memory_space<vmem>>) target_semaphore(%arg21 : memref<!tpu.dma_semaphore, #tpu.memory_space<semaphore_mem>>)
        %add3A_369 = arith.constant 4 : i32
        %add3A_370 = arith.addi %add3A_327, %add3A_369 : i32
        %mul3A_371 = arith.constant 80 : i32
        %mul3A_372 = arith.muli %add3A_370, %mul3A_371 : i32
        %add3A_373 = arith.addi %mul3A_2, %mul3A_372 : i32
        %dma_wait3A_374 = tpu.memref_slice %arg3[%add3A_373] : memref<320000xi32, #tpu.memory_space<hbm>> -> memref<80xi32, #tpu.memory_space<hbm>>
        %dma_wait3A_375 = tpu.memref_slice %arg3[%add3A_373] : memref<320000xi32, #tpu.memory_space<hbm>> -> memref<80xi32, #tpu.memory_space<hbm>>
        tpu.wait_dma2 semaphore(%arg21 : memref<!tpu.dma_semaphore, #tpu.memory_space<semaphore_mem>>) src(%dma_wait3A_375 : memref<80xi32, #tpu.memory_space<hbm>>) dst(%arg7 : memref<80xi32, #tpu.memory_space<vmem>>)
        %dma_start3A_376 = arith.constant 0 : i32
        %dma_start3A_377 = arith.constant 0 : i32
        %dma_start3A_378 = tpu.memref_slice %arg2[%dma_start3A_376, %dma_start3A_377] : memref<10000x128xf32, #tpu.memory_space<hbm>> -> memref<10000x128xf32, #tpu.memory_space<hbm>>
        tpu.enqueue_indirect_dma source(%dma_start3A_378 : memref<10000x128xf32, #tpu.memory_space<hbm>>) target(%arg15 : memref<80x128xf32, #tpu.memory_space<vmem>>) offsets(%arg7 : memref<80xi32, #tpu.memory_space<vmem>>) semaphore(%arg19 : memref<!tpu.dma_semaphore, #tpu.memory_space<semaphore_mem>>)
      } else {
      }
      %add3A_338 = arith.constant 2 : i32
      %add3A_339 = arith.addi %mul3A_236, %add3A_338 : i32
      %dma_wait3A_340 = arith.constant 0 : i32
      %dma_wait3A_341 = arith.constant 0 : i32
      %dma_wait3A_342 = tpu.memref_slice %arg18[%dma_wait3A_340, %dma_wait3A_341] : memref<10112x128xf32, #tpu.memory_space<vmem_shared>> -> memref<10112x128xf32, #tpu.memory_space<vmem_shared>>
      tpu.wait_indirect_dma semaphore(%arg20 : memref<!tpu.dma_semaphore, #tpu.memory_space<semaphore_mem>>) src(%arg16 : memref<80x128xf32, #tpu.memory_space<vmem>>) dst(%dma_wait3A_342 : memref<10112x128xf32, #tpu.memory_space<vmem_shared>>)
      %add3A_343 = arith.constant 4 : i32
      %add3A_344 = arith.addi %add3A_339, %add3A_343 : i32
      %lt3A_345 = arith.constant 125 : i32
      %lt3A_346 = arith.cmpi slt, %add3A_344, %lt3A_345 : i32
      %convert_element_type3A_347 = arith.extui %lt3A_346 : i1 to i32
      %cond3A_348 = arith.constant 0 : i32
      %cond3A_349 = arith.cmpi ne, %convert_element_type3A_347, %cond3A_348 : i32
      scf.if %cond3A_349 {
        %add3A_362 = arith.constant 4 : i32
        %add3A_363 = arith.addi %add3A_339, %add3A_362 : i32
        %mul3A_364 = arith.constant 80 : i32
        %mul3A_365 = arith.muli %add3A_363, %mul3A_364 : i32
        %add3A_366 = arith.addi %mul3A_2, %mul3A_365 : i32
        %dma_start3A_367 = tpu.memref_slice %arg4[%add3A_366] : memref<320000xi32, #tpu.memory_space<hbm>> -> memref<80xi32, #tpu.memory_space<hbm>>
        %dma_start3A_368 = tpu.memref_slice %arg4[%add3A_366] : memref<320000xi32, #tpu.memory_space<hbm>> -> memref<80xi32, #tpu.memory_space<hbm>>
        tpu.enqueue_dma source(%dma_start3A_368 : memref<80xi32, #tpu.memory_space<hbm>>) target(%arg12 : memref<80xi32, #tpu.memory_space<vmem>>) target_semaphore(%arg21 : memref<!tpu.dma_semaphore, #tpu.memory_space<semaphore_mem>>)
        %add3A_369 = arith.constant 4 : i32
        %add3A_370 = arith.addi %add3A_339, %add3A_369 : i32
        %mul3A_371 = arith.constant 80 : i32
        %mul3A_372 = arith.muli %add3A_370, %mul3A_371 : i32
        %add3A_373 = arith.addi %mul3A_2, %mul3A_372 : i32
        %dma_wait3A_374 = tpu.memref_slice %arg3[%add3A_373] : memref<320000xi32, #tpu.memory_space<hbm>> -> memref<80xi32, #tpu.memory_space<hbm>>
        %dma_wait3A_375 = tpu.memref_slice %arg3[%add3A_373] : memref<320000xi32, #tpu.memory_space<hbm>> -> memref<80xi32, #tpu.memory_space<hbm>>
        tpu.wait_dma2 semaphore(%arg21 : memref<!tpu.dma_semaphore, #tpu.memory_space<semaphore_mem>>) src(%dma_wait3A_375 : memref<80xi32, #tpu.memory_space<hbm>>) dst(%arg8 : memref<80xi32, #tpu.memory_space<vmem>>)
        %dma_start3A_376 = arith.constant 0 : i32
        %dma_start3A_377 = arith.constant 0 : i32
        %dma_start3A_378 = tpu.memref_slice %arg2[%dma_start3A_376, %dma_start3A_377] : memref<10000x128xf32, #tpu.memory_space<hbm>> -> memref<10000x128xf32, #tpu.memory_space<hbm>>
        tpu.enqueue_indirect_dma source(%dma_start3A_378 : memref<10000x128xf32, #tpu.memory_space<hbm>>) target(%arg16 : memref<80x128xf32, #tpu.memory_space<vmem>>) offsets(%arg8 : memref<80xi32, #tpu.memory_space<vmem>>) semaphore(%arg19 : memref<!tpu.dma_semaphore, #tpu.memory_space<semaphore_mem>>)
      } else {
      }
      %add3A_350 = arith.constant 3 : i32
      %add3A_351 = arith.addi %mul3A_236, %add3A_350 : i32
      %dma_wait3A_352 = arith.constant 0 : i32
      %dma_wait3A_353 = arith.constant 0 : i32
      %dma_wait3A_354 = tpu.memref_slice %arg18[%dma_wait3A_352, %dma_wait3A_353] : memref<10112x128xf32, #tpu.memory_space<vmem_shared>> -> memref<10112x128xf32, #tpu.memory_space<vmem_shared>>
      tpu.wait_indirect_dma semaphore(%arg20 : memref<!tpu.dma_semaphore, #tpu.memory_space<semaphore_mem>>) src(%arg17 : memref<80x128xf32, #tpu.memory_space<vmem>>) dst(%dma_wait3A_354 : memref<10112x128xf32, #tpu.memory_space<vmem_shared>>)
      %add3A_355 = arith.constant 4 : i32
      %add3A_356 = arith.addi %add3A_351, %add3A_355 : i32
      %lt3A_357 = arith.constant 125 : i32
      %lt3A_358 = arith.cmpi slt, %add3A_356, %lt3A_357 : i32
      %convert_element_type3A_359 = arith.extui %lt3A_358 : i1 to i32
      %cond3A_360 = arith.constant 0 : i32
      %cond3A_361 = arith.cmpi ne, %convert_element_type3A_359, %cond3A_360 : i32
      scf.if %cond3A_361 {
        %add3A_362 = arith.constant 4 : i32
        %add3A_363 = arith.addi %add3A_351, %add3A_362 : i32
        %mul3A_364 = arith.constant 80 : i32
        %mul3A_365 = arith.muli %add3A_363, %mul3A_364 : i32
        %add3A_366 = arith.addi %mul3A_2, %mul3A_365 : i32
        %dma_start3A_367 = tpu.memref_slice %arg4[%add3A_366] : memref<320000xi32, #tpu.memory_space<hbm>> -> memref<80xi32, #tpu.memory_space<hbm>>
        %dma_start3A_368 = tpu.memref_slice %arg4[%add3A_366] : memref<320000xi32, #tpu.memory_space<hbm>> -> memref<80xi32, #tpu.memory_space<hbm>>
        tpu.enqueue_dma source(%dma_start3A_368 : memref<80xi32, #tpu.memory_space<hbm>>) target(%arg13 : memref<80xi32, #tpu.memory_space<vmem>>) target_semaphore(%arg21 : memref<!tpu.dma_semaphore, #tpu.memory_space<semaphore_mem>>)
        %add3A_369 = arith.constant 4 : i32
        %add3A_370 = arith.addi %add3A_351, %add3A_369 : i32
        %mul3A_371 = arith.constant 80 : i32
        %mul3A_372 = arith.muli %add3A_370, %mul3A_371 : i32
        %add3A_373 = arith.addi %mul3A_2, %mul3A_372 : i32
        %dma_wait3A_374 = tpu.memref_slice %arg3[%add3A_373] : memref<320000xi32, #tpu.memory_space<hbm>> -> memref<80xi32, #tpu.memory_space<hbm>>
        %dma_wait3A_375 = tpu.memref_slice %arg3[%add3A_373] : memref<320000xi32, #tpu.memory_space<hbm>> -> memref<80xi32, #tpu.memory_space<hbm>>
        tpu.wait_dma2 semaphore(%arg21 : memref<!tpu.dma_semaphore, #tpu.memory_space<semaphore_mem>>) src(%dma_wait3A_375 : memref<80xi32, #tpu.memory_space<hbm>>) dst(%arg9 : memref<80xi32, #tpu.memory_space<vmem>>)
        %dma_start3A_376 = arith.constant 0 : i32
        %dma_start3A_377 = arith.constant 0 : i32
        %dma_start3A_378 = tpu.memref_slice %arg2[%dma_start3A_376, %dma_start3A_377] : memref<10000x128xf32, #tpu.memory_space<hbm>> -> memref<10000x128xf32, #tpu.memory_space<hbm>>
        tpu.enqueue_indirect_dma source(%dma_start3A_378 : memref<10000x128xf32, #tpu.memory_space<hbm>>) target(%arg17 : memref<80x128xf32, #tpu.memory_space<vmem>>) offsets(%arg9 : memref<80xi32, #tpu.memory_space<vmem>>) semaphore(%arg19 : memref<!tpu.dma_semaphore, #tpu.memory_space<semaphore_mem>>)
      } else {
      }
    }
    %scan3A_215 = arith.constant 31 : i32
    %add3A_216 = arith.constant 9920 : i32
    %add3A_217 = arith.addi %mul3A_2, %add3A_216 : i32
    %dma_wait3A_218 = tpu.memref_slice %arg4[%add3A_217] : memref<320000xi32, #tpu.memory_space<hbm>> -> memref<80xi32, #tpu.memory_space<hbm>>
    %dma_wait3A_219 = tpu.memref_slice %arg4[%add3A_217] : memref<320000xi32, #tpu.memory_space<hbm>> -> memref<80xi32, #tpu.memory_space<hbm>>
    tpu.wait_dma2 semaphore(%arg21 : memref<!tpu.dma_semaphore, #tpu.memory_space<semaphore_mem>>) src(%dma_wait3A_219 : memref<80xi32, #tpu.memory_space<hbm>>) dst(%arg10 : memref<80xi32, #tpu.memory_space<vmem>>)
    %dma_wait3A_220 = arith.constant 0 : i32
    %dma_wait3A_221 = arith.constant 0 : i32
    %dma_wait3A_222 = tpu.memref_slice %arg2[%dma_wait3A_220, %dma_wait3A_221] : memref<10000x128xf32, #tpu.memory_space<hbm>> -> memref<10000x128xf32, #tpu.memory_space<hbm>>
    tpu.wait_indirect_dma semaphore(%arg19 : memref<!tpu.dma_semaphore, #tpu.memory_space<semaphore_mem>>) src(%dma_wait3A_222 : memref<10000x128xf32, #tpu.memory_space<hbm>>) dst(%arg14 : memref<80x128xf32, #tpu.memory_space<vmem>>)
    %dma_start3A_223 = arith.constant 0 : i32
    %dma_start3A_224 = arith.constant 0 : i32
    %dma_start3A_225 = tpu.memref_slice %arg18[%dma_start3A_223, %dma_start3A_224] : memref<10112x128xf32, #tpu.memory_space<vmem_shared>> -> memref<10112x128xf32, #tpu.memory_space<vmem_shared>>
    tpu.enqueue_indirect_dma source(%arg14 : memref<80x128xf32, #tpu.memory_space<vmem>>) target(%dma_start3A_225 : memref<10112x128xf32, #tpu.memory_space<vmem_shared>>) offsets(%arg10 : memref<80xi32, #tpu.memory_space<vmem>>) semaphore(%arg20 : memref<!tpu.dma_semaphore, #tpu.memory_space<semaphore_mem>>) {add = true}
    %dma_wait3A_226 = arith.constant 0 : i32
    %dma_wait3A_227 = arith.constant 0 : i32
    %dma_wait3A_228 = tpu.memref_slice %arg18[%dma_wait3A_226, %dma_wait3A_227] : memref<10112x128xf32, #tpu.memory_space<vmem_shared>> -> memref<10112x128xf32, #tpu.memory_space<vmem_shared>>
    tpu.wait_indirect_dma semaphore(%arg20 : memref<!tpu.dma_semaphore, #tpu.memory_space<semaphore_mem>>) src(%arg14 : memref<80x128xf32, #tpu.memory_space<vmem>>) dst(%dma_wait3A_228 : memref<10112x128xf32, #tpu.memory_space<vmem_shared>>)
    %barrier3A_229 = arith.constant 0 : index
    tpu.barrier barrier_id(%barrier3A_229)
    %mul3A_230 = arith.constant 632 : i32
    %mul3A_231 = arith.muli %arg1, %mul3A_230 : i32
    %mul3A_232 = arith.constant 632 : i32
    %mul3A_233 = arith.muli %arg1, %mul3A_232 : i32
    "tpu.region"() ({
      %run_scoped3A = tpu.sem_alloc : memref<!tpu.dma_semaphore, #tpu.memory_space<semaphore_mem>>
      %dma_start3A_234 = arith.constant 0 : i32
      %dma_start3A_235 = tpu.memref_slice %arg5[%arg0, %mul3A_233, %dma_start3A_234] : memref<2x10112x128xf32, #tpu.memory_space<hbm>> -> memref<1x632x128xf32, #tpu.memory_space<hbm>>
      %dma_start3A_236 = tpu.memref_squeeze %dma_start3A_235 : memref<1x632x128xf32, #tpu.memory_space<hbm>> -> memref<632x128xf32, #tpu.memory_space<hbm>>
      %dma_start3A_237 = arith.constant 0 : i32
      %dma_start3A_238 = tpu.memref_slice %arg18[%mul3A_231, %dma_start3A_237] : memref<10112x128xf32, #tpu.memory_space<vmem_shared>> -> memref<632x128xf32, #tpu.memory_space<vmem_shared>>
      tpu.enqueue_dma source(%dma_start3A_238 : memref<632x128xf32, #tpu.memory_space<vmem_shared>>) target(%dma_start3A_236 : memref<632x128xf32, #tpu.memory_space<hbm>>) target_semaphore(%run_scoped3A : memref<!tpu.dma_semaphore, #tpu.memory_space<semaphore_mem>>)
      %dma_wait3A_239 = arith.constant 0 : i32
      %dma_wait3A_240 = tpu.memref_slice %arg5[%arg0, %mul3A_233, %dma_wait3A_239] : memref<2x10112x128xf32, #tpu.memory_space<hbm>> -> memref<1x632x128xf32, #tpu.memory_space<hbm>>
      %dma_wait3A_241 = tpu.memref_squeeze %dma_wait3A_240 : memref<1x632x128xf32, #tpu.memory_space<hbm>> -> memref<632x128xf32, #tpu.memory_space<hbm>>
      %dma_wait3A_242 = arith.constant 0 : i32
      %dma_wait3A_243 = tpu.memref_slice %arg18[%mul3A_231, %dma_wait3A_242] : memref<10112x128xf32, #tpu.memory_space<vmem_shared>> -> memref<632x128xf32, #tpu.memory_space<vmem_shared>>
      tpu.wait_dma2 semaphore(%run_scoped3A : memref<!tpu.dma_semaphore, #tpu.memory_space<semaphore_mem>>) src(%dma_wait3A_243 : memref<632x128xf32, #tpu.memory_space<vmem_shared>>) dst(%dma_wait3A_241 : memref<632x128xf32, #tpu.memory_space<hbm>>)
      tpu.yield
    }) : () -> ()
    return
  }
}

module attributes {stable_mosaic.version = 14 : i64} {
  func.func @_gin1_body(%arg0: i32, %arg1: memref<1xf32, #tpu.memory_space<smem>>, %arg2: memref<2000x128xf32, #tpu.memory_space<vmem>>, %arg3: memref<2000x128xf32, #tpu.memory_space<vmem>>, %arg4: memref<2000x128xf32, #tpu.memory_space<vmem>>, %arg5: memref<128x128xf32, #tpu.memory_space<vmem>>, %arg6: memref<1x128xf32, #tpu.memory_space<vmem>>, %arg7: memref<128x128xf32, #tpu.memory_space<vmem>>, %arg8: memref<1x128xf32, #tpu.memory_space<vmem>>, %arg9: memref<1x128xf32, #tpu.memory_space<vmem>>, %arg10: memref<1x128xf32, #tpu.memory_space<vmem>>, %arg11: memref<2000x128xf32, #tpu.memory_space<vmem>>, %arg12: memref<10000x128xf32, #tpu.memory_space<vmem>>, %arg13: memref<1x128xf32, #tpu.memory_space<vmem>>, %arg14: memref<1x128xf32, #tpu.memory_space<vmem>>) attributes {dimension_semantics = [#tpu.dimension_semantics<arbitrary>], iteration_bounds = array<i64: 10>, scalar_prefetch = 0 : i64, scratch_operands = 3 : i64, tpu.core_type = #tpu.core_type<tc>, window_params = [{transform_indices = @transform_0, window_bounds = array<i64: 1>}, {transform_indices = @transform_1, window_bounds = array<i64: 2000, 128>}, {transform_indices = @transform_2, window_bounds = array<i64: 2000, 128>}, {transform_indices = @transform_3, window_bounds = array<i64: 2000, 128>}, {pipeline_mode = #tpu.pipeline_mode<synchronous>, transform_indices = @transform_4, window_bounds = array<i64: 128, 128>}, {pipeline_mode = #tpu.pipeline_mode<synchronous>, transform_indices = @transform_5, window_bounds = array<i64: 1, 128>}, {pipeline_mode = #tpu.pipeline_mode<synchronous>, transform_indices = @transform_6, window_bounds = array<i64: 128, 128>}, {pipeline_mode = #tpu.pipeline_mode<synchronous>, transform_indices = @transform_7, window_bounds = array<i64: 1, 128>}, {pipeline_mode = #tpu.pipeline_mode<synchronous>, transform_indices = @transform_8, window_bounds = array<i64: 1, 128>}, {pipeline_mode = #tpu.pipeline_mode<synchronous>, transform_indices = @transform_9, window_bounds = array<i64: 1, 128>}, {transform_indices = @transform_10, window_bounds = array<i64: 2000, 128>}]} {
    %lt3A = arith.constant 5 : i32
    %lt3A_0 = arith.cmpi slt, %arg0, %lt3A : i32
    %convert_element_type3A = arith.extui %lt3A_0 : i1 to i32
    %cond3A = arith.constant 0 : i32
    %cond3A_1 = arith.cmpi ne, %convert_element_type3A, %cond3A : i32
    scf.if %cond3A_1 {
      %get3A = arith.constant 0 : index
      %get3A_6 = memref.load %arg1[%get3A] : memref<1xf32, #tpu.memory_space<smem>>
      %add3A = arith.constant 1.000000e+00 : f32
      %add3A_7 = arith.addf %add3A, %get3A_6 : f32
      %get3A_8 = arith.constant 0 : index
      %get3A_9 = arith.constant 0 : index
      %get3A_10 = vector.load %arg2[%get3A_8, %get3A_9] : memref<2000x128xf32, #tpu.memory_space<vmem>>, vector<2000x128xf32>
      %mul3A = vector.broadcast %add3A_7 : f32 to vector<2000x128xf32>
      %mul3A_11 = arith.mulf %mul3A, %get3A_10 : vector<2000x128xf32>
      %get3A_12 = arith.constant 0 : index
      %get3A_13 = arith.constant 0 : index
      %get3A_14 = vector.load %arg3[%get3A_12, %get3A_13] : memref<2000x128xf32, #tpu.memory_space<vmem>>, vector<2000x128xf32>
      %add3A_15 = arith.addf %mul3A_11, %get3A_14 : vector<2000x128xf32>
      %get3A_16 = arith.constant 0 : index
      %get3A_17 = arith.constant 0 : index
      %get3A_18 = vector.load %arg4[%get3A_16, %get3A_17] : memref<2000x128xf32, #tpu.memory_space<vmem>>, vector<2000x128xf32>
      %add3A_19 = arith.addf %add3A_15, %get3A_18 : vector<2000x128xf32>
      %get3A_20 = arith.constant 0 : index
      %get3A_21 = arith.constant 0 : index
      %get3A_22 = vector.load %arg5[%get3A_20, %get3A_21] : memref<128x128xf32, #tpu.memory_space<vmem>>, vector<128x128xf32>
      %dot_general3A = arith.constant dense<0.000000e+00> : vector<2000x128xf32>
      %dot_general3A_23 = tpu.matmul %add3A_19, %get3A_22, %dot_general3A {dimension_numbers = #tpu.dot_dimension_numbers<[1], [0], [0], [1], [0, 0, 1, 1], [], []>, transpose_lhs_hint = false} : vector<2000x128xf32>, vector<128x128xf32>, vector<2000x128xf32> -> vector<2000x128xf32>
      %get3A_24 = arith.constant 0 : index
      %get3A_25 = arith.constant 0 : index
      %get3A_26 = vector.load %arg6[%get3A_24, %get3A_25] : memref<1x128xf32, #tpu.memory_space<vmem>>, vector<1x128xf32>
      %add3A_27 = vector.broadcast %get3A_26 : vector<1x128xf32> to vector<2000x128xf32>
      %add3A_28 = arith.addf %dot_general3A_23, %add3A_27 : vector<2000x128xf32>
      %max3A = arith.constant 0.000000e+00 : f32
      %max3A_29 = vector.broadcast %max3A : f32 to vector<2000x128xf32>
      %max3A_30 = arith.maximumf %add3A_28, %max3A_29 : vector<2000x128xf32>
      %get3A_31 = arith.constant 0 : index
      %get3A_32 = arith.constant 0 : index
      %get3A_33 = vector.load %arg7[%get3A_31, %get3A_32] : memref<128x128xf32, #tpu.memory_space<vmem>>, vector<128x128xf32>
      %dot_general3A_34 = arith.constant dense<0.000000e+00> : vector<2000x128xf32>
      %dot_general3A_35 = tpu.matmul %max3A_30, %get3A_33, %dot_general3A_34 {dimension_numbers = #tpu.dot_dimension_numbers<[1], [0], [0], [1], [0, 0, 1, 1], [], []>, transpose_lhs_hint = false} : vector<2000x128xf32>, vector<128x128xf32>, vector<2000x128xf32> -> vector<2000x128xf32>
      %get3A_36 = arith.constant 0 : index
      %get3A_37 = arith.constant 0 : index
      %get3A_38 = vector.load %arg8[%get3A_36, %get3A_37] : memref<1x128xf32, #tpu.memory_space<vmem>>, vector<1x128xf32>
      %add3A_39 = vector.broadcast %get3A_38 : vector<1x128xf32> to vector<2000x128xf32>
      %add3A_40 = arith.addf %dot_general3A_35, %add3A_39 : vector<2000x128xf32>
      %max3A_41 = arith.constant 0.000000e+00 : f32
      %max3A_42 = vector.broadcast %max3A_41 : f32 to vector<2000x128xf32>
      %max3A_43 = arith.maximumf %add3A_40, %max3A_42 : vector<2000x128xf32>
      %mul3A_44 = arith.constant 2000 : i32
      %mul3A_45 = arith.muli %arg0, %mul3A_44 : i32
      %swap3A = arith.index_cast %mul3A_45 : i32 to index
      %swap3A_46 = arith.constant 0 : index
      %swap3A_47 = vector.load %arg12[%swap3A, %swap3A_46] : memref<10000x128xf32, #tpu.memory_space<vmem>>, vector<2000x128xf32>
      tpu.vector_store %arg12[%swap3A, %swap3A_46], %max3A_43 {strides = array<i32>} : memref<10000x128xf32, #tpu.memory_space<vmem>>, vector<2000x128xf32>,
      %eq3A = arith.constant 0 : i32
      %eq3A_48 = arith.cmpi eq, %arg0, %eq3A : i32
      %convert_element_type3A_49 = arith.extui %eq3A_48 : i1 to i32
      %cond3A_50 = arith.constant 0 : i32
      %cond3A_51 = arith.cmpi ne, %convert_element_type3A_49, %cond3A_50 : i32
      scf.if %cond3A_51 {
        %broadcast_in_dim3A_71 = arith.constant 0.000000e+00 : f32
        %broadcast_in_dim3A_72 = vector.broadcast %broadcast_in_dim3A_71 : f32 to vector<1x128xf32>
        %swap3A_73 = arith.constant 0 : index
        %swap3A_74 = arith.constant 0 : index
        %swap3A_75 = vector.load %arg13[%swap3A_73, %swap3A_74] : memref<1x128xf32, #tpu.memory_space<vmem>>, vector<1x128xf32>
        tpu.vector_store %arg13[%swap3A_73, %swap3A_74], %broadcast_in_dim3A_72 {strides = array<i32>} : memref<1x128xf32, #tpu.memory_space<vmem>>, vector<1x128xf32>,
        %broadcast_in_dim3A_76 = arith.constant 0.000000e+00 : f32
        %broadcast_in_dim3A_77 = vector.broadcast %broadcast_in_dim3A_76 : f32 to vector<1x128xf32>
        %swap3A_78 = arith.constant 0 : index
        %swap3A_79 = arith.constant 0 : index
        %swap3A_80 = vector.load %arg14[%swap3A_78, %swap3A_79] : memref<1x128xf32, #tpu.memory_space<vmem>>, vector<1x128xf32>
        tpu.vector_store %arg14[%swap3A_78, %swap3A_79], %broadcast_in_dim3A_77 {strides = array<i32>} : memref<1x128xf32, #tpu.memory_space<vmem>>, vector<1x128xf32>,
      } else {
      }
      %get3A_52 = arith.constant 0 : index
      %get3A_53 = arith.constant 0 : index
      %get3A_54 = vector.load %arg13[%get3A_52, %get3A_53] : memref<1x128xf32, #tpu.memory_space<vmem>>, vector<1x128xf32>
      %reduce_sum3A = arith.constant dense<0.000000e+00> : vector<128xf32>
      %reduce_sum3A_55 = vector.multi_reduction <add>, %max3A_43, %reduce_sum3A [0] : vector<2000x128xf32> to vector<128xf32>
      %broadcast_in_dim3A = vector.shape_cast %reduce_sum3A_55 : vector<128xf32> to vector<1x128xf32>
      %add3A_56 = arith.addf %get3A_54, %broadcast_in_dim3A : vector<1x128xf32>
      %swap3A_57 = arith.constant 0 : index
      %swap3A_58 = arith.constant 0 : index
      %swap3A_59 = vector.load %arg13[%swap3A_57, %swap3A_58] : memref<1x128xf32, #tpu.memory_space<vmem>>, vector<1x128xf32>
      tpu.vector_store %arg13[%swap3A_57, %swap3A_58], %add3A_56 {strides = array<i32>} : memref<1x128xf32, #tpu.memory_space<vmem>>, vector<1x128xf32>,
      %get3A_60 = arith.constant 0 : index
      %get3A_61 = arith.constant 0 : index
      %get3A_62 = vector.load %arg14[%get3A_60, %get3A_61] : memref<1x128xf32, #tpu.memory_space<vmem>>, vector<1x128xf32>
      %mul3A_63 = arith.mulf %max3A_43, %max3A_43 : vector<2000x128xf32>
      %reduce_sum3A_64 = arith.constant dense<0.000000e+00> : vector<128xf32>
      %reduce_sum3A_65 = vector.multi_reduction <add>, %mul3A_63, %reduce_sum3A_64 [0] : vector<2000x128xf32> to vector<128xf32>
      %broadcast_in_dim3A_66 = vector.shape_cast %reduce_sum3A_65 : vector<128xf32> to vector<1x128xf32>
      %add3A_67 = arith.addf %get3A_62, %broadcast_in_dim3A_66 : vector<1x128xf32>
      %swap3A_68 = arith.constant 0 : index
      %swap3A_69 = arith.constant 0 : index
      %swap3A_70 = vector.load %arg14[%swap3A_68, %swap3A_69] : memref<1x128xf32, #tpu.memory_space<vmem>>, vector<1x128xf32>
      tpu.vector_store %arg14[%swap3A_68, %swap3A_69], %add3A_67 {strides = array<i32>} : memref<1x128xf32, #tpu.memory_space<vmem>>, vector<1x128xf32>,
    } else {
    }
    %ge3A = arith.constant 5 : i32
    %ge3A_2 = arith.cmpi sge, %arg0, %ge3A : i32
    %convert_element_type3A_3 = arith.extui %ge3A_2 : i1 to i32
    %cond3A_4 = arith.constant 0 : i32
    %cond3A_5 = arith.cmpi ne, %convert_element_type3A_3, %cond3A_4 : i32
    scf.if %cond3A_5 {
      %get3A = arith.constant 0 : index
      %get3A_6 = arith.constant 0 : index
      %get3A_7 = vector.load %arg13[%get3A, %get3A_6] : memref<1x128xf32, #tpu.memory_space<vmem>>, vector<1x128xf32>
      %mul3A = arith.constant 9.99999974E-5 : f32
      %mul3A_8 = vector.broadcast %mul3A : f32 to vector<1x128xf32>
      %mul3A_9 = arith.mulf %get3A_7, %mul3A_8 : vector<1x128xf32>
      %get3A_10 = arith.constant 0 : index
      %get3A_11 = arith.constant 0 : index
      %get3A_12 = vector.load %arg14[%get3A_10, %get3A_11] : memref<1x128xf32, #tpu.memory_space<vmem>>, vector<1x128xf32>
      %mul3A_13 = arith.constant 9.99999974E-5 : f32
      %mul3A_14 = vector.broadcast %mul3A_13 : f32 to vector<1x128xf32>
      %mul3A_15 = arith.mulf %get3A_12, %mul3A_14 : vector<1x128xf32>
      %mul3A_16 = arith.mulf %mul3A_9, %mul3A_9 : vector<1x128xf32>
      %sub3A = arith.subf %mul3A_15, %mul3A_16 : vector<1x128xf32>
      %get3A_17 = arith.constant 0 : index
      %get3A_18 = arith.constant 0 : index
      %get3A_19 = vector.load %arg9[%get3A_17, %get3A_18] : memref<1x128xf32, #tpu.memory_space<vmem>>, vector<1x128xf32>
      %add3A = arith.constant 9.99999974E-6 : f32
      %add3A_20 = vector.broadcast %add3A : f32 to vector<1x128xf32>
      %add3A_21 = arith.addf %sub3A, %add3A_20 : vector<1x128xf32>
      %rsqrt3A = math.rsqrt %add3A_21 : vector<1x128xf32>
      %mul3A_22 = arith.mulf %get3A_19, %rsqrt3A : vector<1x128xf32>
      %sub3A_23 = arith.constant 5 : i32
      %sub3A_24 = arith.subi %arg0, %sub3A_23 : i32
      %mul3A_25 = arith.constant 2000 : i32
      %mul3A_26 = arith.muli %sub3A_24, %mul3A_25 : i32
      %get3A_27 = arith.index_cast %mul3A_26 : i32 to index
      %get3A_28 = arith.constant 0 : index
      %get3A_29 = vector.load %arg12[%get3A_27, %get3A_28] : memref<10000x128xf32, #tpu.memory_space<vmem>>, vector<2000x128xf32>
      %mul3A_30 = vector.broadcast %mul3A_22 : vector<1x128xf32> to vector<2000x128xf32>
      %mul3A_31 = arith.mulf %get3A_29, %mul3A_30 : vector<2000x128xf32>
      %get3A_32 = arith.constant 0 : index
      %get3A_33 = arith.constant 0 : index
      %get3A_34 = vector.load %arg10[%get3A_32, %get3A_33] : memref<1x128xf32, #tpu.memory_space<vmem>>, vector<1x128xf32>
      %mul3A_35 = arith.mulf %mul3A_9, %mul3A_22 : vector<1x128xf32>
      %sub3A_36 = arith.subf %get3A_34, %mul3A_35 : vector<1x128xf32>
      %add3A_37 = vector.broadcast %sub3A_36 : vector<1x128xf32> to vector<2000x128xf32>
      %add3A_38 = arith.addf %mul3A_31, %add3A_37 : vector<2000x128xf32>
      %swap3A = arith.constant 0 : index
      %swap3A_39 = arith.constant 0 : index
      %swap3A_40 = vector.load %arg11[%swap3A, %swap3A_39] : memref<2000x128xf32, #tpu.memory_space<vmem>>, vector<2000x128xf32>
      tpu.vector_store %arg11[%swap3A, %swap3A_39], %add3A_38 {strides = array<i32>} : memref<2000x128xf32, #tpu.memory_space<vmem>>, vector<2000x128xf32>,
    } else {
    }
    return
  }
  func.func @transform_0(%arg0: i32) -> i32 {
    %c0_i32 = arith.constant 0 : i32
    %c0_i32_0 = arith.constant 0 : i32
    return %c0_i32 : i32
  }
  func.func @transform_1(%arg0: i32) -> (i32, i32) {
    %min3A = arith.constant 4 : i32
    %min3A_0 = arith.minsi %arg0, %min3A : i32
    %c0_i32 = arith.constant 0 : i32
    %c0_i32_1 = arith.constant 0 : i32
    return %min3A_0, %c0_i32 : i32, i32
  }
  func.func @transform_2(%arg0: i32) -> (i32, i32) {
    %min3A = arith.constant 4 : i32
    %min3A_0 = arith.minsi %arg0, %min3A : i32
    %c0_i32 = arith.constant 0 : i32
    %c0_i32_1 = arith.constant 0 : i32
    return %min3A_0, %c0_i32 : i32, i32
  }
  func.func @transform_3(%arg0: i32) -> (i32, i32) {
    %min3A = arith.constant 4 : i32
    %min3A_0 = arith.minsi %arg0, %min3A : i32
    %c0_i32 = arith.constant 0 : i32
    %c0_i32_1 = arith.constant 0 : i32
    return %min3A_0, %c0_i32 : i32, i32
  }
  func.func @transform_4(%arg0: i32) -> (i32, i32) {
    %c0_i32 = arith.constant 0 : i32
    %c0_i32_0 = arith.constant 0 : i32
    %c0_i32_1 = arith.constant 0 : i32
    return %c0_i32, %c0_i32_0 : i32, i32
  }
  func.func @transform_5(%arg0: i32) -> (i32, i32) {
    %c0_i32 = arith.constant 0 : i32
    %c0_i32_0 = arith.constant 0 : i32
    %c0_i32_1 = arith.constant 0 : i32
    return %c0_i32, %c0_i32_0 : i32, i32
  }
  func.func @transform_6(%arg0: i32) -> (i32, i32) {
    %c0_i32 = arith.constant 0 : i32
    %c0_i32_0 = arith.constant 0 : i32
    %c0_i32_1 = arith.constant 0 : i32
    return %c0_i32, %c0_i32_0 : i32, i32
  }
  func.func @transform_7(%arg0: i32) -> (i32, i32) {
    %c0_i32 = arith.constant 0 : i32
    %c0_i32_0 = arith.constant 0 : i32
    %c0_i32_1 = arith.constant 0 : i32
    return %c0_i32, %c0_i32_0 : i32, i32
  }
  func.func @transform_8(%arg0: i32) -> (i32, i32) {
    %c0_i32 = arith.constant 0 : i32
    %c0_i32_0 = arith.constant 0 : i32
    %c0_i32_1 = arith.constant 0 : i32
    return %c0_i32, %c0_i32_0 : i32, i32
  }
  func.func @transform_9(%arg0: i32) -> (i32, i32) {
    %c0_i32 = arith.constant 0 : i32
    %c0_i32_0 = arith.constant 0 : i32
    %c0_i32_1 = arith.constant 0 : i32
    return %c0_i32, %c0_i32_0 : i32, i32
  }
  func.func @transform_10(%arg0: i32) -> (i32, i32) {
    %sub3A = arith.constant 5 : i32
    %sub3A_0 = arith.subi %arg0, %sub3A : i32
    %max3A = arith.constant 0 : i32
    %max3A_1 = arith.maxsi %sub3A_0, %max3A : i32
    %c0_i32 = arith.constant 0 : i32
    %c0_i32_2 = arith.constant 0 : i32
    return %max3A_1, %c0_i32 : i32, i32
  }
}

module attributes {stable_mosaic.version = 14 : i64} {
  func.func @_gin2_head_body(%arg0: i32, %arg1: memref<1xf32, #tpu.memory_space<smem>>, %arg2: memref<2000x128xf32, #tpu.memory_space<vmem>>, %arg3: memref<2000x128xf32, #tpu.memory_space<vmem>>, %arg4: memref<2000x128xf32, #tpu.memory_space<vmem>>, %arg5: memref<128x128xf32, #tpu.memory_space<vmem>>, %arg6: memref<1x128xf32, #tpu.memory_space<vmem>>, %arg7: memref<128x128xf32, #tpu.memory_space<vmem>>, %arg8: memref<1x128xf32, #tpu.memory_space<vmem>>, %arg9: memref<1x128xf32, #tpu.memory_space<vmem>>, %arg10: memref<1x128xf32, #tpu.memory_space<vmem>>, %arg11: memref<128x128xf32, #tpu.memory_space<vmem>>, %arg12: memref<1x128xf32, #tpu.memory_space<vmem>>, %arg13: memref<128x10xf32, #tpu.memory_space<vmem>>, %arg14: memref<1x10xf32, #tpu.memory_space<vmem>>, %arg15: memref<1x10xf32, #tpu.memory_space<vmem>>, %arg16: memref<1x128xf32, #tpu.memory_space<vmem>>, %arg17: memref<1x128xf32, #tpu.memory_space<vmem>>) attributes {dimension_semantics = [#tpu.dimension_semantics<arbitrary>], iteration_bounds = array<i64: 5>, scalar_prefetch = 0 : i64, scratch_operands = 2 : i64, tpu.core_type = #tpu.core_type<tc>, window_params = [{transform_indices = @transform_0, window_bounds = array<i64: 1>}, {transform_indices = @transform_1, window_bounds = array<i64: 2000, 128>}, {transform_indices = @transform_2, window_bounds = array<i64: 2000, 128>}, {transform_indices = @transform_3, window_bounds = array<i64: 2000, 128>}, {pipeline_mode = #tpu.pipeline_mode<synchronous>, transform_indices = @transform_4, window_bounds = array<i64: 128, 128>}, {pipeline_mode = #tpu.pipeline_mode<synchronous>, transform_indices = @transform_5, window_bounds = array<i64: 1, 128>}, {pipeline_mode = #tpu.pipeline_mode<synchronous>, transform_indices = @transform_6, window_bounds = array<i64: 128, 128>}, {pipeline_mode = #tpu.pipeline_mode<synchronous>, transform_indices = @transform_7, window_bounds = array<i64: 1, 128>}, {pipeline_mode = #tpu.pipeline_mode<synchronous>, transform_indices = @transform_8, window_bounds = array<i64: 1, 128>}, {pipeline_mode = #tpu.pipeline_mode<synchronous>, transform_indices = @transform_9, window_bounds = array<i64: 1, 128>}, {pipeline_mode = #tpu.pipeline_mode<synchronous>, transform_indices = @transform_10, window_bounds = array<i64: 128, 128>}, {pipeline_mode = #tpu.pipeline_mode<synchronous>, transform_indices = @transform_11, window_bounds = array<i64: 1, 128>}, {pipeline_mode = #tpu.pipeline_mode<synchronous>, transform_indices = @transform_12, window_bounds = array<i64: 128, 10>}, {pipeline_mode = #tpu.pipeline_mode<synchronous>, transform_indices = @transform_13, window_bounds = array<i64: 1, 10>}, {pipeline_mode = #tpu.pipeline_mode<synchronous>, transform_indices = @transform_14, window_bounds = array<i64: 1, 10>}]} {
    %get3A = arith.constant 0 : index
    %get3A_0 = memref.load %arg1[%get3A] : memref<1xf32, #tpu.memory_space<smem>>
    %add3A = arith.constant 1.000000e+00 : f32
    %add3A_1 = arith.addf %add3A, %get3A_0 : f32
    %get3A_2 = arith.constant 0 : index
    %get3A_3 = arith.constant 0 : index
    %get3A_4 = vector.load %arg2[%get3A_2, %get3A_3] : memref<2000x128xf32, #tpu.memory_space<vmem>>, vector<2000x128xf32>
    %mul3A = vector.broadcast %add3A_1 : f32 to vector<2000x128xf32>
    %mul3A_5 = arith.mulf %mul3A, %get3A_4 : vector<2000x128xf32>
    %get3A_6 = arith.constant 0 : index
    %get3A_7 = arith.constant 0 : index
    %get3A_8 = vector.load %arg3[%get3A_6, %get3A_7] : memref<2000x128xf32, #tpu.memory_space<vmem>>, vector<2000x128xf32>
    %add3A_9 = arith.addf %mul3A_5, %get3A_8 : vector<2000x128xf32>
    %get3A_10 = arith.constant 0 : index
    %get3A_11 = arith.constant 0 : index
    %get3A_12 = vector.load %arg4[%get3A_10, %get3A_11] : memref<2000x128xf32, #tpu.memory_space<vmem>>, vector<2000x128xf32>
    %add3A_13 = arith.addf %add3A_9, %get3A_12 : vector<2000x128xf32>
    %get3A_14 = arith.constant 0 : index
    %get3A_15 = arith.constant 0 : index
    %get3A_16 = vector.load %arg5[%get3A_14, %get3A_15] : memref<128x128xf32, #tpu.memory_space<vmem>>, vector<128x128xf32>
    %dot_general3A = arith.constant dense<0.000000e+00> : vector<2000x128xf32>
    %dot_general3A_17 = tpu.matmul %add3A_13, %get3A_16, %dot_general3A {dimension_numbers = #tpu.dot_dimension_numbers<[1], [0], [0], [1], [0, 0, 1, 1], [], []>, transpose_lhs_hint = false} : vector<2000x128xf32>, vector<128x128xf32>, vector<2000x128xf32> -> vector<2000x128xf32>
    %get3A_18 = arith.constant 0 : index
    %get3A_19 = arith.constant 0 : index
    %get3A_20 = vector.load %arg6[%get3A_18, %get3A_19] : memref<1x128xf32, #tpu.memory_space<vmem>>, vector<1x128xf32>
    %add3A_21 = vector.broadcast %get3A_20 : vector<1x128xf32> to vector<2000x128xf32>
    %add3A_22 = arith.addf %dot_general3A_17, %add3A_21 : vector<2000x128xf32>
    %max3A = arith.constant 0.000000e+00 : f32
    %max3A_23 = vector.broadcast %max3A : f32 to vector<2000x128xf32>
    %max3A_24 = arith.maximumf %add3A_22, %max3A_23 : vector<2000x128xf32>
    %get3A_25 = arith.constant 0 : index
    %get3A_26 = arith.constant 0 : index
    %get3A_27 = vector.load %arg7[%get3A_25, %get3A_26] : memref<128x128xf32, #tpu.memory_space<vmem>>, vector<128x128xf32>
    %dot_general3A_28 = arith.constant dense<0.000000e+00> : vector<2000x128xf32>
    %dot_general3A_29 = tpu.matmul %max3A_24, %get3A_27, %dot_general3A_28 {dimension_numbers = #tpu.dot_dimension_numbers<[1], [0], [0], [1], [0, 0, 1, 1], [], []>, transpose_lhs_hint = false} : vector<2000x128xf32>, vector<128x128xf32>, vector<2000x128xf32> -> vector<2000x128xf32>
    %get3A_30 = arith.constant 0 : index
    %get3A_31 = arith.constant 0 : index
    %get3A_32 = vector.load %arg8[%get3A_30, %get3A_31] : memref<1x128xf32, #tpu.memory_space<vmem>>, vector<1x128xf32>
    %add3A_33 = vector.broadcast %get3A_32 : vector<1x128xf32> to vector<2000x128xf32>
    %add3A_34 = arith.addf %dot_general3A_29, %add3A_33 : vector<2000x128xf32>
    %max3A_35 = arith.constant 0.000000e+00 : f32
    %max3A_36 = vector.broadcast %max3A_35 : f32 to vector<2000x128xf32>
    %max3A_37 = arith.maximumf %add3A_34, %max3A_36 : vector<2000x128xf32>
    %eq3A = arith.constant 0 : i32
    %eq3A_38 = arith.cmpi eq, %arg0, %eq3A : i32
    %convert_element_type3A = arith.extui %eq3A_38 : i1 to i32
    %cond3A = arith.constant 0 : i32
    %cond3A_39 = arith.cmpi ne, %convert_element_type3A, %cond3A : i32
    scf.if %cond3A_39 {
      %broadcast_in_dim3A_63 = arith.constant 0.000000e+00 : f32
      %broadcast_in_dim3A_64 = vector.broadcast %broadcast_in_dim3A_63 : f32 to vector<1x128xf32>
      %swap3A_65 = arith.constant 0 : index
      %swap3A_66 = arith.constant 0 : index
      %swap3A_67 = vector.load %arg16[%swap3A_65, %swap3A_66] : memref<1x128xf32, #tpu.memory_space<vmem>>, vector<1x128xf32>
      tpu.vector_store %arg16[%swap3A_65, %swap3A_66], %broadcast_in_dim3A_64 {strides = array<i32>} : memref<1x128xf32, #tpu.memory_space<vmem>>, vector<1x128xf32>,
      %broadcast_in_dim3A_68 = arith.constant 0.000000e+00 : f32
      %broadcast_in_dim3A_69 = vector.broadcast %broadcast_in_dim3A_68 : f32 to vector<1x128xf32>
      %swap3A_70 = arith.constant 0 : index
      %swap3A_71 = arith.constant 0 : index
      %swap3A_72 = vector.load %arg17[%swap3A_70, %swap3A_71] : memref<1x128xf32, #tpu.memory_space<vmem>>, vector<1x128xf32>
      tpu.vector_store %arg17[%swap3A_70, %swap3A_71], %broadcast_in_dim3A_69 {strides = array<i32>} : memref<1x128xf32, #tpu.memory_space<vmem>>, vector<1x128xf32>,
    } else {
    }
    %get3A_40 = arith.constant 0 : index
    %get3A_41 = arith.constant 0 : index
    %get3A_42 = vector.load %arg16[%get3A_40, %get3A_41] : memref<1x128xf32, #tpu.memory_space<vmem>>, vector<1x128xf32>
    %reduce_sum3A = arith.constant dense<0.000000e+00> : vector<128xf32>
    %reduce_sum3A_43 = vector.multi_reduction <add>, %max3A_37, %reduce_sum3A [0] : vector<2000x128xf32> to vector<128xf32>
    %broadcast_in_dim3A = vector.shape_cast %reduce_sum3A_43 : vector<128xf32> to vector<1x128xf32>
    %add3A_44 = arith.addf %get3A_42, %broadcast_in_dim3A : vector<1x128xf32>
    %swap3A = arith.constant 0 : index
    %swap3A_45 = arith.constant 0 : index
    %swap3A_46 = vector.load %arg16[%swap3A, %swap3A_45] : memref<1x128xf32, #tpu.memory_space<vmem>>, vector<1x128xf32>
    tpu.vector_store %arg16[%swap3A, %swap3A_45], %add3A_44 {strides = array<i32>} : memref<1x128xf32, #tpu.memory_space<vmem>>, vector<1x128xf32>,
    %get3A_47 = arith.constant 0 : index
    %get3A_48 = arith.constant 0 : index
    %get3A_49 = vector.load %arg17[%get3A_47, %get3A_48] : memref<1x128xf32, #tpu.memory_space<vmem>>, vector<1x128xf32>
    %mul3A_50 = arith.mulf %max3A_37, %max3A_37 : vector<2000x128xf32>
    %reduce_sum3A_51 = arith.constant dense<0.000000e+00> : vector<128xf32>
    %reduce_sum3A_52 = vector.multi_reduction <add>, %mul3A_50, %reduce_sum3A_51 [0] : vector<2000x128xf32> to vector<128xf32>
    %broadcast_in_dim3A_53 = vector.shape_cast %reduce_sum3A_52 : vector<128xf32> to vector<1x128xf32>
    %add3A_54 = arith.addf %get3A_49, %broadcast_in_dim3A_53 : vector<1x128xf32>
    %swap3A_55 = arith.constant 0 : index
    %swap3A_56 = arith.constant 0 : index
    %swap3A_57 = vector.load %arg17[%swap3A_55, %swap3A_56] : memref<1x128xf32, #tpu.memory_space<vmem>>, vector<1x128xf32>
    tpu.vector_store %arg17[%swap3A_55, %swap3A_56], %add3A_54 {strides = array<i32>} : memref<1x128xf32, #tpu.memory_space<vmem>>, vector<1x128xf32>,
    %eq3A_58 = arith.constant 4 : i32
    %eq3A_59 = arith.cmpi eq, %arg0, %eq3A_58 : i32
    %convert_element_type3A_60 = arith.extui %eq3A_59 : i1 to i32
    %cond3A_61 = arith.constant 0 : i32
    %cond3A_62 = arith.cmpi ne, %convert_element_type3A_60, %cond3A_61 : i32
    scf.if %cond3A_62 {
      %get3A_63 = arith.constant 0 : index
      %get3A_64 = arith.constant 0 : index
      %get3A_65 = vector.load %arg16[%get3A_63, %get3A_64] : memref<1x128xf32, #tpu.memory_space<vmem>>, vector<1x128xf32>
      %mul3A_66 = arith.constant 9.99999974E-5 : f32
      %mul3A_67 = vector.broadcast %mul3A_66 : f32 to vector<1x128xf32>
      %mul3A_68 = arith.mulf %get3A_65, %mul3A_67 : vector<1x128xf32>
      %get3A_69 = arith.constant 0 : index
      %get3A_70 = arith.constant 0 : index
      %get3A_71 = vector.load %arg17[%get3A_69, %get3A_70] : memref<1x128xf32, #tpu.memory_space<vmem>>, vector<1x128xf32>
      %mul3A_72 = arith.constant 9.99999974E-5 : f32
      %mul3A_73 = vector.broadcast %mul3A_72 : f32 to vector<1x128xf32>
      %mul3A_74 = arith.mulf %get3A_71, %mul3A_73 : vector<1x128xf32>
      %mul3A_75 = arith.mulf %mul3A_68, %mul3A_68 : vector<1x128xf32>
      %sub3A = arith.subf %mul3A_74, %mul3A_75 : vector<1x128xf32>
      %get3A_76 = arith.constant 0 : index
      %get3A_77 = arith.constant 0 : index
      %get3A_78 = vector.load %arg9[%get3A_76, %get3A_77] : memref<1x128xf32, #tpu.memory_space<vmem>>, vector<1x128xf32>
      %add3A_79 = arith.constant 9.99999974E-6 : f32
      %add3A_80 = vector.broadcast %add3A_79 : f32 to vector<1x128xf32>
      %add3A_81 = arith.addf %sub3A, %add3A_80 : vector<1x128xf32>
      %rsqrt3A = math.rsqrt %add3A_81 : vector<1x128xf32>
      %mul3A_82 = arith.mulf %get3A_78, %rsqrt3A : vector<1x128xf32>
      %mul3A_83 = arith.mulf %mul3A_68, %mul3A_82 : vector<1x128xf32>
      %get3A_84 = arith.constant 0 : index
      %get3A_85 = arith.constant 0 : index
      %get3A_86 = vector.load %arg10[%get3A_84, %get3A_85] : memref<1x128xf32, #tpu.memory_space<vmem>>, vector<1x128xf32>
      %mul3A_87 = arith.mulf %mul3A_68, %mul3A_82 : vector<1x128xf32>
      %sub3A_88 = arith.subf %get3A_86, %mul3A_87 : vector<1x128xf32>
      %add3A_89 = arith.addf %mul3A_83, %sub3A_88 : vector<1x128xf32>
      %get3A_90 = arith.constant 0 : index
      %get3A_91 = arith.constant 0 : index
      %get3A_92 = vector.load %arg11[%get3A_90, %get3A_91] : memref<128x128xf32, #tpu.memory_space<vmem>>, vector<128x128xf32>
      %dot_general3A_93 = arith.constant dense<0.000000e+00> : vector<1x128xf32>
      %dot_general3A_94 = tpu.matmul %add3A_89, %get3A_92, %dot_general3A_93 {dimension_numbers = #tpu.dot_dimension_numbers<[1], [0], [0], [1], [0, 0, 1, 1], [], []>, transpose_lhs_hint = false} : vector<1x128xf32>, vector<128x128xf32>, vector<1x128xf32> -> vector<1x128xf32>
      %get3A_95 = arith.constant 0 : index
      %get3A_96 = arith.constant 0 : index
      %get3A_97 = vector.load %arg12[%get3A_95, %get3A_96] : memref<1x128xf32, #tpu.memory_space<vmem>>, vector<1x128xf32>
      %add3A_98 = arith.addf %dot_general3A_94, %get3A_97 : vector<1x128xf32>
      %max3A_99 = arith.constant 0.000000e+00 : f32
      %max3A_100 = vector.broadcast %max3A_99 : f32 to vector<1x128xf32>
      %max3A_101 = arith.maximumf %add3A_98, %max3A_100 : vector<1x128xf32>
      %get3A_102 = arith.constant 0 : index
      %get3A_103 = arith.constant 0 : index
      %get3A_104 = vector.load %arg13[%get3A_102, %get3A_103] : memref<128x10xf32, #tpu.memory_space<vmem>>, vector<128x10xf32>
      %dot_general3A_105 = arith.constant dense<0.000000e+00> : vector<1x10xf32>
      %dot_general3A_106 = tpu.matmul %max3A_101, %get3A_104, %dot_general3A_105 {dimension_numbers = #tpu.dot_dimension_numbers<[1], [0], [0], [1], [0, 0, 1, 1], [], []>, transpose_lhs_hint = false} : vector<1x128xf32>, vector<128x10xf32>, vector<1x10xf32> -> vector<1x10xf32>
      %get3A_107 = arith.constant 0 : index
      %get3A_108 = arith.constant 0 : index
      %get3A_109 = vector.load %arg14[%get3A_107, %get3A_108] : memref<1x10xf32, #tpu.memory_space<vmem>>, vector<1x10xf32>
      %add3A_110 = arith.addf %dot_general3A_106, %get3A_109 : vector<1x10xf32>
      %reduce_max3A = arith.constant dense<0xFF800000> : vector<1xf32>
      %reduce_max3A_111 = vector.multi_reduction <maximumf>, %add3A_110, %reduce_max3A [1] : vector<1x10xf32> to vector<1xf32>
      %broadcast_in_dim3A_112 = vector.shape_cast %reduce_max3A_111 : vector<1xf32> to vector<1x1xf32>
      %sub3A_113 = vector.broadcast %broadcast_in_dim3A_112 : vector<1x1xf32> to vector<1x10xf32>
      %sub3A_114 = arith.subf %add3A_110, %sub3A_113 : vector<1x10xf32>
      %exp3A = math.exp %sub3A_114 : vector<1x10xf32>
      %reduce_sum3A_115 = arith.constant dense<0.000000e+00> : vector<1xf32>
      %reduce_sum3A_116 = vector.multi_reduction <add>, %exp3A, %reduce_sum3A_115 [1] : vector<1x10xf32> to vector<1xf32>
      %broadcast_in_dim3A_117 = vector.shape_cast %reduce_sum3A_116 : vector<1xf32> to vector<1x1xf32>
      %log3A = math.log %broadcast_in_dim3A_117 : vector<1x1xf32>
      %sub3A_118 = vector.broadcast %log3A : vector<1x1xf32> to vector<1x10xf32>
      %sub3A_119 = arith.subf %sub3A_114, %sub3A_118 : vector<1x10xf32>
      %swap3A_120 = arith.constant 0 : index
      %swap3A_121 = arith.constant 0 : index
      %swap3A_122 = vector.load %arg15[%swap3A_120, %swap3A_121] : memref<1x10xf32, #tpu.memory_space<vmem>>, vector<1x10xf32>
      tpu.vector_store %arg15[%swap3A_120, %swap3A_121], %sub3A_119 {strides = array<i32>} : memref<1x10xf32, #tpu.memory_space<vmem>>, vector<1x10xf32>,
    } else {
    }
    return
  }
  func.func @transform_0(%arg0: i32) -> i32 {
    %c0_i32 = arith.constant 0 : i32
    %c0_i32_0 = arith.constant 0 : i32
    return %c0_i32 : i32
  }
  func.func @transform_1(%arg0: i32) -> (i32, i32) {
    %c0_i32 = arith.constant 0 : i32
    %c0_i32_0 = arith.constant 0 : i32
    return %arg0, %c0_i32 : i32, i32
  }
  func.func @transform_2(%arg0: i32) -> (i32, i32) {
    %c0_i32 = arith.constant 0 : i32
    %c0_i32_0 = arith.constant 0 : i32
    return %arg0, %c0_i32 : i32, i32
  }
  func.func @transform_3(%arg0: i32) -> (i32, i32) {
    %c0_i32 = arith.constant 0 : i32
    %c0_i32_0 = arith.constant 0 : i32
    return %arg0, %c0_i32 : i32, i32
  }
  func.func @transform_4(%arg0: i32) -> (i32, i32) {
    %c0_i32 = arith.constant 0 : i32
    %c0_i32_0 = arith.constant 0 : i32
    %c0_i32_1 = arith.constant 0 : i32
    return %c0_i32, %c0_i32_0 : i32, i32
  }
  func.func @transform_5(%arg0: i32) -> (i32, i32) {
    %c0_i32 = arith.constant 0 : i32
    %c0_i32_0 = arith.constant 0 : i32
    %c0_i32_1 = arith.constant 0 : i32
    return %c0_i32, %c0_i32_0 : i32, i32
  }
  func.func @transform_6(%arg0: i32) -> (i32, i32) {
    %c0_i32 = arith.constant 0 : i32
    %c0_i32_0 = arith.constant 0 : i32
    %c0_i32_1 = arith.constant 0 : i32
    return %c0_i32, %c0_i32_0 : i32, i32
  }
  func.func @transform_7(%arg0: i32) -> (i32, i32) {
    %c0_i32 = arith.constant 0 : i32
    %c0_i32_0 = arith.constant 0 : i32
    %c0_i32_1 = arith.constant 0 : i32
    return %c0_i32, %c0_i32_0 : i32, i32
  }
  func.func @transform_8(%arg0: i32) -> (i32, i32) {
    %c0_i32 = arith.constant 0 : i32
    %c0_i32_0 = arith.constant 0 : i32
    %c0_i32_1 = arith.constant 0 : i32
    return %c0_i32, %c0_i32_0 : i32, i32
  }
  func.func @transform_9(%arg0: i32) -> (i32, i32) {
    %c0_i32 = arith.constant 0 : i32
    %c0_i32_0 = arith.constant 0 : i32
    %c0_i32_1 = arith.constant 0 : i32
    return %c0_i32, %c0_i32_0 : i32, i32
  }
  func.func @transform_10(%arg0: i32) -> (i32, i32) {
    %c0_i32 = arith.constant 0 : i32
    %c0_i32_0 = arith.constant 0 : i32
    %c0_i32_1 = arith.constant 0 : i32
    return %c0_i32, %c0_i32_0 : i32, i32
  }
  func.func @transform_11(%arg0: i32) -> (i32, i32) {
    %c0_i32 = arith.constant 0 : i32
    %c0_i32_0 = arith.constant 0 : i32
    %c0_i32_1 = arith.constant 0 : i32
    return %c0_i32, %c0_i32_0 : i32, i32
  }
  func.func @transform_12(%arg0: i32) -> (i32, i32) {
    %c0_i32 = arith.constant 0 : i32
    %c0_i32_0 = arith.constant 0 : i32
    %c0_i32_1 = arith.constant 0 : i32
    return %c0_i32, %c0_i32_0 : i32, i32
  }
  func.func @transform_13(%arg0: i32) -> (i32, i32) {
    %c0_i32 = arith.constant 0 : i32
    %c0_i32_0 = arith.constant 0 : i32
    %c0_i32_1 = arith.constant 0 : i32
    return %c0_i32, %c0_i32_0 : i32, i32
  }
  func.func @transform_14(%arg0: i32) -> (i32, i32) {
    %c0_i32 = arith.constant 0 : i32
    %c0_i32_0 = arith.constant 0 : i32
    %c0_i32_1 = arith.constant 0 : i32
    return %c0_i32, %c0_i32_0 : i32, i32
  }
}

</mosaic_0001>

<sc_bundles>
// kernel: kernel.6.cloned.1.call-start
scs
__scs_entry_jumppad:
0x0: {  	(pc) =	sbr.rel $0x88, $3  }
0x1: {  	(tag) =	ssettag $0x0;
	lr =	simm.s32 $0x1  }
0x2: {  	[smem:$0x3F8D] =	sst lr;
	_ =	strace $0xD0000000  }
0x3: {  	_ = 	snop  }
0x4: {  	_ = 	snop  }
0x5: {  	_ = 	snop  }
0x6: {  	_ = 	snop  }
0x7: {  	_ = 	snop  }
__scs_overlays_trampoline_lowered:
0x8: {  	[smem:$0x3F9C] =	sst s0  }
0x9: {  	[smem:$0x3F9D] =	sst s1  }
0xa: {  	[smem:$0x3F9E] =	sst s2  }
0xb: {  	[smem:$0x3F9F] =	sst s3  }
0xc: {  	[smem:$0x3FA0] =	sst s4  }
0xd: {  	[smem:$0x3FA1] =	sst s5  }
0xe: {  	[smem:$0x3FA2] =	sst s6  }
0xf: {  	[smem:$0x3FA3] =	sst s7  }
0x10: {  	[smem:$0x3FA4] =	sst s8  }
0x11: {  	[smem:$0x3FA5] =	sst s9;
	s0 =	simm.s32 @!p0 $0x0  }
0x12: {  	s1 =	sld [smem:$0x3F8B];
	s0 =	simm.s32 @p0 $0x1  }
0x13: {  	[smem:$0x3FA6] =	sst s0;
	s0 =	simm.s32 @!p1 $0x0  }
0x14: {  	s2 =	sld [smem:$0x3F8A];
	s0 =	simm.s32 @p1 $0x1  }
0x15: {  	[smem:$0x3FA7] =	sst s0;
	s0 =	simm.s32 @!p2 $0x0  }
0x16: {  	s3 =	sld [smem:$0x3FDB];
	s0 =	simm.s32 @p2 $0x1  }
0x17: {  	s4 =	simm.s32 $0x1BF5;
	[smem:$0x3FA9] =	sst s0  }
0x18: {  	s0 =	sld [smem:$0x3F8C];
	_ =	swait.ge [sflag:s4], $0x0  }
0x19: {  	s7 =	sld [smem:$0x3F8D]  }
0x1a: {  	s8 =	sadd.s32 $0xFFFFE003, lr  }
0x1b: {  	s9 =	sadd.s32 $0xFFFFFEF7, lr;
	s5 =	simm.s32 $0xFFFFFFFF;
	p2 =	slt.u32 s8, $0xFFFFF086  }
0x1c: {  	p1 =	slt.u32 s9, $0xF7A;
	s5 =	simm.s32 @!p2 $0x0  }
0x1d: {  	s5 =	simm.s32 @p1 $0x1;
	p0 =	seq.s32 s7, s2  }
0x1e: {  	s7 =	smul.u32 @!p0 $0xF7A, s2;
	p2 =	seq.s32 @!p0 s5, $0x0  }
0x1f: {  	s9 =	smul.u32 $0xF7A, s1;
	s8 =	simm.s32 @!p0 $0x1BF5;
	p2 =	por !p2, p0  }
0x20: {  	[sflag:s8] =	ssyncset.s32 @!p0 $0xFFFFF086;
	s6 =	sadd.s32 @!p0 s3, s7;
	s7 =	simm.s32 @!p0 $0x108  }
0x21: {  	s3 =	sadd.s32 s3, s9;
	s6 =	sadd.s32 @!p0 $0x88, s6;
	s7 =	simm.s32 @p2 $0x1082  }
0x22: {  	[simem:s7], [sflag:s8] =	dma.local @!p0 [hbm:s6], $0xF7A  }
0x23: {  	s9 =	sor.u32 $0xD0000000, s2;
	s6 =	simm.s32 $0x108;
	_ =	swait.ge @!p0 [sflag:s8], $0x0  }
0x24: {  	s3 =	sadd.s32 $0x88, s3;
	s6 =	simm.s32 @!p1 $0x1082;
	[sflag:s4] =	ssyncset.s32 $0xFFFFF086  }
0x25: {  	[simem:s6], [sflag:s4] =	dma.local [hbm:s3], $0xF7A  }
0x26: {  	[smem:$0x3F8D] =	sst s1;
	(tag) =	ssettag s2;
	_ =	strace s9  }
0x27: {  	s1 =	sld [smem:$0x3F9D]  }
0x28: {  	s2 =	sld [smem:$0x3F9E]  }
0x29: {  	s4 =	sld [smem:$0x3FA0]  }
0x2a: {  	p0 =	seq.s32 s5, $0x0;
	s5 =	sld [smem:$0x3FA1]  }
0x2b: {  	s6 =	sld [smem:$0x3FA2]  }
0x2c: {  	s7 =	sld [smem:$0x3FA3]  }
0x2d: {  	s3 =	simm.s32 $0x108;
	s8 =	sld [smem:$0x3FA4]  }
0x2e: {  	s3 =	simm.s32 @!p0 $0x1082;
	s9 =	sld [smem:$0x3FA5]  }
0x2f: {  	lr =	sadd.s32 s0, s3;
	s0 =	sld [smem:$0x3F9C]  }
0x30: {  	s3 =	sld [smem:$0x3F9F]  }
0x31: {  	[smem:$0x3FA8] =	sst s10  }
0x32: {  	s10 =	sld [smem:$0x3FA6];
	_ =	sdelay $0x3  }
0x33: {  	p0 =	seq.s32 s10, $0x1;
	s10 =	sld [smem:$0x3FA8];
	_ =	sdelay $0x3  }
0x34: {  	[smem:$0x3FA8] =	sst s10  }
0x35: {  	s10 =	sld [smem:$0x3FA7];
	_ =	sdelay $0x3  }
0x36: {  	p1 =	seq.s32 s10, $0x1;
	s10 =	sld [smem:$0x3FA8];
	_ =	sdelay $0x3  }
0x37: {  	[smem:$0x3FA8] =	sst s10  }
0x38: {  	s10 =	sld [smem:$0x3FA9]  }
0x39: {  	_ = 	snop;
	(pc) =	sbr.ind lr, $3  }
0x3a: {  	_ = 	snop  }
0x3b: {  	_ = 	snop  }
0x3c: {  	p2 =	seq.s32 s10, $0x1;
	s10 =	sld [smem:$0x3FA8]  }
0x3d: {  	_ =	shalt  }
0x3e: {  	_ =	shalt  }
0x3f: {  	_ =	shalt  }
0x40: {  	_ =	shalt  }
0x41: {  	_ =	shalt  }
0x42: {  	_ =	shalt  }
0x43: {  	_ =	shalt  }
0x44: {  	_ =	shalt  }
0x45: {  	_ =	shalt  }
0x46: {  	_ =	shalt  }
0x47: {  	_ =	shalt  }
0x48: {  	_ =	shalt  }
0x49: {  	_ =	shalt  }
0x4a: {  	_ =	shalt  }
0x4b: {  	_ =	shalt  }
0x4c: {  	_ =	shalt  }
0x4d: {  	_ =	shalt  }
0x4e: {  	_ =	shalt  }
0x4f: {  	_ =	shalt  }
0x50: {  	_ =	shalt  }
0x51: {  	_ =	shalt  }
0x52: {  	_ =	shalt  }
0x53: {  	_ =	shalt  }
0x54: {  	_ =	shalt  }
0x55: {  	_ =	shalt  }
0x56: {  	_ =	shalt  }
0x57: {  	_ =	shalt  }
0x58: {  	_ =	shalt  }
0x59: {  	_ =	shalt  }
0x5a: {  	_ =	shalt  }
0x5b: {  	_ =	shalt  }
0x5c: {  	_ =	shalt  }
0x5d: {  	_ =	shalt  }
0x5e: {  	_ =	shalt  }
0x5f: {  	_ =	shalt  }
0x60: {  	_ =	shalt  }
0x61: {  	_ =	shalt  }
0x62: {  	_ =	shalt  }
0x63: {  	_ =	shalt  }
0x64: {  	_ =	shalt  }
0x65: {  	_ =	shalt  }
0x66: {  	_ =	shalt  }
0x67: {  	_ =	shalt  }
0x68: {  	_ =	shalt  }
0x69: {  	_ =	shalt  }
0x6a: {  	_ =	shalt  }
0x6b: {  	_ =	shalt  }
0x6c: {  	_ =	shalt  }
0x6d: {  	_ =	shalt  }
0x6e: {  	_ =	shalt  }
0x6f: {  	_ =	shalt  }
0x70: {  	_ =	shalt  }
0x71: {  	_ =	shalt  }
0x72: {  	_ =	shalt  }
0x73: {  	_ =	shalt  }
0x74: {  	_ =	shalt  }
0x75: {  	_ =	shalt  }
0x76: {  	_ =	shalt  }
0x77: {  	_ =	shalt  }
0x78: {  	_ =	shalt  }
0x79: {  	_ =	shalt  }
0x7a: {  	_ =	shalt  }
0x7b: {  	_ =	shalt  }
0x7c: {  	_ =	shalt  }
0x7d: {  	_ =	shalt  }
0x7e: {  	_ =	shalt  }
0x7f: {  	_ =	shalt  }
0x80: {  	_ =	shalt  }
0x81: {  	_ =	shalt  }
0x82: {  	_ =	shalt  }
0x83: {  	_ =	shalt  }
0x84: {  	_ =	shalt  }
0x85: {  	_ =	shalt  }
0x86: {  	_ =	shalt  }
0x87: {  	_ =	shalt  }
.Lfunc_end0:
.L_simem_size_0:
called_computation_lowered:
.L_overlay_start_0:
0x88: {  	s2 =	sld [smem:$0x3FD9]  }
0x89: {  	s3 =	sld [smem:$0x3FFE];
	_ =	sdelay $0x1  }
0x8a: {  	s1 =	srdreg.scid  }
0x8b: {  	s0 =	sand.u32 $0x1, s1  }
0x8c: {  	s17 =	sshll.u32 s0, $0xA;
	s2 =	sadd.s32 s3, s2  }
0x8d: {  	s2 =	sadd.s32 s2, s17  }
0x8e: {  	[smem:$0x3FB4] =	sst s2  }
0x8f: {  	_ = 	snop  }
0x90: {  	s2 =	sld [smem:$0x3FC9];
	(tm) =	ssettm $0x1  }
0x91: {  	s18 =	sld [smem:$0x3FFB];
	_ =	sdelay $0x3  }
0x92: {  	_ =	strace s18  }
0x93: {  	s3 =	sld [smem:$0x3FFC];
	_ =	sdelay $0x3  }
0x94: {  	_ =	strace s3  }
0x95: {  	s3 =	sld [smem:$0x3FFD];
	_ =	sdelay $0x3  }
0x96: {  	_ =	strace s3  }
0x97: {  	_ =	strace $0x8FFFFFFF  }
0x98: {  	s19 =	sld [smem:$0x3FDB];
	_ =	sdelay $0x1  }
0x99: {  	s4 =	simm.s32 $_scs_section_size  }
0x9a: {  	s5 =	simm.s32 $_size__tile_overlayer_lowered;
	s6 =	simm.s32 $_tile_overlayer_lowered  }
0x9b: {  	s22 =	simm.s32 $0x1BFF;
	s21 =	sshll.u32 s6, $0x1;
	s3 =	sadd.s32 s4, s19  }
0x9c: {  	s7 =	simm.s32 $0x0;
	s20 =	sshll.u32 s5, $0x1;
	s5 =	sadd.s32 s21, s3  }
0x9d: {  	[timem:s7], [sflag:s22] =	dma.local [hbm:s5], s20  }
0x9e: {  	_ =	swait.ge [sflag:s22], s20  }
0x9f: {  	s4 =	ssub.s32 $0x0, s20;
	[sflag:s22] =	ssyncset.done $0x0  }
0xa0: {  	[sflag:s22] =	ssyncadd.s32 s4;
	_ =	sdelay $0x1  }
0xa1: {  	s23 =	simm.s32 $0x1B8B  }
0xa2: {  	_ =	swait.ge [sflag:s23], $0x1  }
0xa3: {  	[sflag:s23] =	ssyncset.done $0x0  }
0xa4: {  	s25 =	simm.s32 $0x1B8E;
	s24 =	sld [smem:$0x3FFE];
	[sflag:s23] =	ssyncadd.s32 $0xFFFFFFFF  }
0xa5: {  	s26 =	simm.s32 $execute0_lowered;
	[smem:$0x3FD2] =	sst s25  }
0xa6: {  	s5 =	sshll.u32 s26, $0x1;
	_ =	strace $0x80000046;
	[dreg:$0x1] =	wrdreg $0xFFFFFFFF  }
0xa7: {  	s28 =	simm.s32 $_size_execute0_lowered;
	s3 =	sadd.s32 s3, s5;
	[dreg:$0x0] =	wrdreg $0x0  }
0xa8: {  	s5 =	sshll.u32 s28, $0x1;
	[dreg:$0x2] =	wrdreg s3  }
0xa9: {  	[dreg:$0x3] =	wrdreg s5  }
0xaa: {  	[dreg:$0x4] =	wrdreg $0xC0  }
0xab: {  	_ =	task [dreg:s7], $0x5FFFF  }
0xac: {  	[dreg:$0x1] =	wrdreg $0xFFFFFFFF  }
0xad: {  	[dreg:$0x0] =	wrdreg $0x60  }
0xae: {  	[dreg:$0x2] =	wrdreg s2  }
0xaf: {  	[dreg:$0x3] =	wrdreg s24  }
0xb0: {  	[dreg:$0x4] =	wrdreg $0xA4000  }
0xb1: {  	[dreg:$0x5] =	wrdreg $0x9  }
0xb2: {  	_ =	task.clear_ibuf [dreg:s7], $0x6FFFF;
	_ =	strace $0x90000046  }
0xb3: {  	s29 =	simm.s32 $0x9;
	_ =	strace $0x80000048  }
0xb4: {  	_ =	swait.ge [sflag:s29], $0x1  }
0xb5: {  	[sflag:s29] =	ssyncadd.s32 $0xFFFFFFFF  }
0xb6: {  	_ =	strace $0x90000048  }
0xb7: {  	_ =	sfence  }
0xb8: {  	s30 =	sld [smem:$0x0];
	_ =	sdelay $0x2  }
0xb9: {  	s31 =	sshll.u32 s1, $0xD;
	s1 =	sshrl.u32 s1, $0x2  }
0xba: {  	s3 =	sand.u32 $0x4000, s31;
	s1 =	sadd.s32 s1, s30  }
0xbb: {  	s0 =	sor.u32 s3, s0;
	s1 =	sshll.u32 s1, $0x11  }
0xbc: {  	s0 =	sor.u32 s1, s0  }
0xbd: {  	s0 =	sadd.s32 $0x8F2B, s0  }
0xbe: {  	[sflag:s0] =	ssyncadd.remote.s32 $0x1  }
0xbf: {  	_ =	sfence.sel $0xFFFF  }
0xc0: {  	[dreg:$0x0] =	wrdreg $0xFFFFFFFF;
	(pc) =	sbr.abs _section_cstart, $3  }
0xc1: {  	[dreg:$0x1] =	wrdreg $0xFFFFFFFF  }
0xc2: {  	_ =	task.clear_ibuf [dreg:s7], $0x2FFFF;
	_ =	strace $0x9FFFFFFF  }
0xc3: {  	(tm) =	ssettm $0x7FFFFFFF  }
tec
execute0_lowered:
.L_overlay_start_1:
0x0: {  	(tag) =	ssettag $0x1  }
0x1: {  	s1 =	rddreg [dreg:$0x0]  }
0x2: {  	s0 =	rddreg [dreg:$0x1]  }
0x3: {  	s2 =	rddreg [dreg:$0x2];
	s13 =	stileid.u32  }
0x4: {  	s3 =	srdreg.scid;
	s7 =	smul.u32 $0x13C00, s13  }
0x5: {  	s4 =	simm.s32 $0x0;
	s28 =	simm.s32 $0x2;
	s11 =	smul.u32 $0x4F000, s13  }
0x6: {  	s3 =	sand.u32 $0x1, s3;
	[smem:$0x7FF] =	sst s4;
	s26 =	smul.u32 $0x2710, s13  }
0x7: {  	s6 =	smul.u32 $0x13C000, s3;
	s5 =	sshll.u32 s3, $0x4;
	_ =	strace $0x80000047  }
0x8: {  	s9 =	ssub.s32 $0x2, s3;
	s3 =	smul.u32 $0x27100, s3;
	s8 =	sor.u32 s13, s5  }
0x9: {  	s5 =	sadd.s32 $0xD400, s0;
	s21 =	sshrl.u32 s9, $0x1;
	s30 =	sshrl.u32 s11, $0x2  }
0xa: {  	s7 =	sadd.s32 s7, s6;
	s8 =	smul.u32 $0x2710, s8;
	s15 =	sadd.s32 s30, s2  }
0xb: {  	s3 =	sadd.s32 s26, s3;
	s11 =	sadd.s32 $0x2800, s15;
	[dreg:$0xc] =	wrdreg s15  }
0xc: {  	s6 =	sadd.s32 $0x3600, s0;
	s17 =	sadd.s32 $0x140, s3;
	[dreg:$0xd] =	wrdreg s11  }
0xd: {  	s7 =	sshrl.u32 s7, $0x3;
	s18 =	sadd.s32 $0x5000, s15;
	[dreg:$0x10] =	wrdreg s17  }
0xe: {  	s13 =	sadd.s32 $0x1E0, s3;
	s26 =	sadd.s32 $0xA000, s15;
	[dreg:$0x11] =	wrdreg s18  }
0xf: {  	s30 =	sadd.s32 $0xF000, s15;
	s0 =	sadd.s32 s7, s0;
	[dreg:$0x13] =	wrdreg s26  }
0x10: {  	s8 =	sshrl.u32 s8, $0x3;
	s7 =	ssub.s32 s9, s21;
	[dreg:$0x15] =	wrdreg s30  }
0x11: {  	s22 =	sadd.s32 s5, s8;
	s23 =	sadd.s32 $0xA, s8;
	s24 =	sadd.s32 $0x14, s8  }
0x12: {  	s25 =	sadd.s32 $0x1E, s8;
	s8 =	sadd.s32 s6, s8;
	[dreg:$0x4] =	wrdreg s22  }
0x13: {  	s11 =	simm.s32 $0x300;
	s0 =	sadd.s32 $0x17200, s0;
	[dreg:$0x8] =	wrdreg s8  }
0x14: {  	s17 =	simm.s32 $0x2C00;
	s7 =	smax.u32 s7, $0x1;
	[dreg:$0xe] =	wrdreg s0  }
0x15: {  	s18 =	simm.s32 $0x5400;
	s10 =	sadd.s32 s5, s23;
	[dreg:$0xf] =	wrdreg s7  }
0x16: {  	s26 =	simm.s32 $0x7C00;
	s12 =	sadd.s32 s5, s24;
	[dreg:$0x5] =	wrdreg s10  }
0x17: {  	s14 =	sadd.s32 s5, s25;
	s9 =	sadd.s32 s6, s23;
	[dreg:$0x6] =	wrdreg s12  }
0x18: {  	s29 =	sadd.s32 s6, s24;
	s31 =	sadd.s32 s6, s25;
	[dreg:$0x7] =	wrdreg s14  }
0x19: {  	s7 =	sshrl.u32 s13, $0x3;
	s25 =	sadd.s32 $0x7800, s15;
	[dreg:$0x9] =	wrdreg s9  }
0x1a: {  	s13 =	simm.s32 $0x3;
	s8 =	simm.s32 $0x100;
	[dreg:$0xa] =	wrdreg s29  }
0x1b: {  	[dreg:$0xb] =	wrdreg s31;
	s12 =	sadd.s32 $0x190, s3;
	s14 =	sadd.s32 $0x230, s3  }
0x1c: {  	s21 =	sadd.s32 s7, s6;
	s22 =	sadd.s32 s7, s5;
	[dreg:$0x12] =	wrdreg s25  }
0x1d: {  	s29 =	sadd.s32 $0xC800, s15;
	s31 =	sadd.s32 $0x11800, s15;
	s9 =	simm.s32 $0x200  }
.Ltmp0:
0x1e: {  	s10 =	simm.s32 $0x280;
	s25 =	simm.s32 $0x1;
	(pc) =	sbr.rel .LBB2_1-.Ltmp0, $4  }
0x1f: {  	s7 =	simm.s32 $0x0;
	s0 =	sshrl.u32 s12, $0x3;
	[dreg:$0x14] =	wrdreg s29  }
0x20: {  	s16 =	sshrl.u32 s14, $0x3;
	[dreg:$0x16] =	wrdreg s31;
	s12 =	simm.s32 $0x380  }
0x21: {  	s14 =	simm.s32 $0x50;
	s19 =	sadd.s32 s0, s6;
	s20 =	sadd.s32 s0, s5  }
0x22: {  	v0 =	vimm.f32 $0.0e+00;
	s23 =	sadd.s32 s16, s6;
	s24 =	sadd.s32 s16, s5;
	s16 =	simm.s32 $0x400  }
.LBB2_6:
0x23: {  	_ =	swait.ge [sflag:s28], $0x2800  }
0x24: {  	[sflag:s28] =	ssyncset.done $0x0  }
0x25: {  	[sflag:s28] =	ssyncadd.s32 $0xFFFFD800  }
0x26: {  	_ =	swait.ge [sflag:s28], $0x2800  }
0x27: {  	[sflag:s28] =	ssyncset.done $0x0  }
0x28: {  	[sflag:s28] =	ssyncadd.s32 $0xFFFFD800  }
0x29: {  	_ =	swait.ge [sflag:s13], $0x50  }
0x2a: {  	[sflag:s13] =	ssyncset.done $0x0  }
0x2b: {  	[sflag:s13] =	ssyncadd.s32 $0xFFFFFFB0  }
0x2c: {  	_ =	swait.ge [sflag:s25], $0x2800  }
0x2d: {  	[sflag:s25] =	ssyncset.done $0x0  }
0x2e: {  	[sflag:s25] =	ssyncadd.s32 $0xFFFFD800  }
0x2f: {  	[spmem:s2] =	stream.indirect.scatter.add.f32 [tilespmem:s16], [sflag:$0x2], $0x80, s9, s14, $0xb8;
	[tilespmem:$0x1E000] =	vst v63  }
0x30: {  	_ =	swait.ge [sflag:s28], $0x2800  }
0x31: {  	[sflag:s28] =	ssyncset.done $0x0  }
0x32: {  	[sflag:s28] =	ssyncadd.s32 $0xFFFFD800  }
0x33: {  	s0 =	stileid.u32;
	[bflag:$0x0] =	sbarrier.arrive $0xFFFF  }
0x34: {  	s30 =	simm.s32 $0x4;
	s0 =	sshll.u32 s0, $0x6;
	s15 =	rddreg [dreg:$0xc]  }
0x35: {  	s0 =	sor.u32 $0x1C04, s0;
	s29 =	rddreg [dreg:$0xe];
	s3 =	sshrl.u32 s15, $0x3  }
0x36: {  	[hbm:s29], [sflag:s0] =	dma.local [spmem:s3], $0x2780  }
0x37: {  	_ =	swait.ge [sflag:s30], $0x2780  }
0x38: {  	s7 =	rddreg [dreg:$0x17]  }
0x39: {  	s31 =	rddreg [dreg:$0xf];
	s7 =	sadd.s32 $0x1, s7  }
0x3a: {  	p0 =	sne.s32 s7, s31  }
.Ltmp1:
0x3b: {  	_ = 	snop;
	(pc) =	sbr.rel @!p0 .LBB2_7-.Ltmp1, $3  }
0x3c: {  	_ =	sdelay $0x1  }
0x3d: {  	[sflag:s30] =	ssyncset.done $0x0  }
0x3e: {  	[sflag:s30] =	ssyncadd.s32 $0xFFFFD880  }
.LBB2_1:
0x3f: {  	[dreg:$0x17] =	wrdreg s7  }
0x40: {  	s0 =	rddreg [dreg:$0x4]  }
0x41: {  	[tilespmem:s4], [sflag:$0x3] =	stream.linear.gather [hbm4b:s0+s4], $0x50, $0x38;
	[tilespmem:$0x1E000] =	vst v63  }
0x42: {  	s29 =	rddreg [dreg:$0x5];
	s3 =	simm.s32 $0x80  }
0x43: {  	[tilespmem:s3], [sflag:$0x3] =	stream.linear.gather [hbm4b:s29+s4], $0x50, $0x38;
	[tilespmem:$0x1E000] =	vst v63  }
0x44: {  	s30 =	rddreg [dreg:$0x6];
	s29 =	simm.s32 $0x100  }
0x45: {  	[tilespmem:s29], [sflag:$0x3] =	stream.linear.gather [hbm4b:s30+s4], $0x50, $0x38;
	[tilespmem:$0x1E000] =	vst v63  }
0x46: {  	s7 =	rddreg [dreg:$0x7];
	s30 =	simm.s32 $0x180  }
0x47: {  	[tilespmem:s30], [sflag:$0x3] =	stream.linear.gather [hbm4b:s7+s4], $0x50, $0x38;
	[tilespmem:$0x1E000] =	vst v63  }
0x48: {  	s7 =	rddreg [dreg:$0x8]  }
0x49: {  	[tilespmem:s9], [sflag:$0x3] =	stream.linear.gather [hbm4b:s7+s4], $0x50, $0x38;
	[tilespmem:$0x1E000] =	vst v63  }
0x4a: {  	s30 =	rddreg [dreg:$0x9]  }
0x4b: {  	[tilespmem:s10], [sflag:$0x3] =	stream.linear.gather [hbm4b:s30+s4], $0x50, $0x38;
	[tilespmem:$0x1E000] =	vst v63  }
0x4c: {  	s7 =	rddreg [dreg:$0xa]  }
0x4d: {  	[tilespmem:s11], [sflag:$0x3] =	stream.linear.gather [hbm4b:s7+s4], $0x50, $0x38;
	[tilespmem:$0x1E000] =	vst v63  }
0x4e: {  	s30 =	rddreg [dreg:$0xb]  }
0x4f: {  	[tilespmem:s12], [sflag:$0x3] =	stream.linear.gather [hbm4b:s30+s4], $0x50, $0x38;
	[tilespmem:$0x1E000] =	vst v63  }
0x50: {  	_ =	swait.ge [sflag:s13], $0x50  }
0x51: {  	[sflag:s13] =	ssyncset.done $0x0  }
0x52: {  	[sflag:s13] =	ssyncadd.s32 $0xFFFFFFB0  }
0x53: {  	[tilespmem:s16], [sflag:$0x1] =	stream.indirect.gather [hbm4b:s1+s14], $0x80, s4, s14, $0xb8;
	[tilespmem:$0x1E000] =	vst v63  }
0x54: {  	_ =	swait.ge [sflag:s13], $0x50  }
0x55: {  	[sflag:s13] =	ssyncset.done $0x0  }
0x56: {  	[sflag:s13] =	ssyncadd.s32 $0xFFFFFFB0  }
0x57: {  	[tilespmem:s17], [sflag:$0x1] =	stream.indirect.gather [hbm4b:s1+s14], $0x80, s3, s14, $0xb8;
	[tilespmem:$0x1E000] =	vst v63  }
0x58: {  	_ =	swait.ge [sflag:s13], $0x50  }
0x59: {  	s31 =	simm.s32 $0x200;
	[sflag:s13] =	ssyncset.done $0x0  }
0x5a: {  	s0 =	simm.s32 $0x0;
	s7 =	simm.s32 $0x80;
	[sflag:s13] =	ssyncadd.s32 $0xFFFFFFB0  }
0x5b: {  	[tilespmem:s18], [sflag:$0x1] =	stream.indirect.gather [hbm4b:s1+s14], $0x80, s29, s14, $0xb8;
	[tilespmem:$0x1E000] =	vst v63  }
.LBB2_2:
0x5c: {  	p0 =	sne.s32 s31, $0x9E00;
	[tilespmem:s0+$0x7C70] =	vst v0  }
0x5d: {  	[tilespmem:s0+$0x7C00] =	vst v0  }
0x5e: {  	[tilespmem:s0+$0x7C10] =	vst v0  }
.Ltmp2:
0x5f: {  	[tilespmem:s0+$0x7C20] =	vst v0;
	(pc) =	sbr.rel @p0 .LBB2_2-.Ltmp2, $4  }
0x60: {  	[tilespmem:s0+$0x7C30] =	vst v0  }
0x61: {  	[tilespmem:s0+$0x7C40] =	vst v0  }
0x62: {  	[tilespmem:s0+$0x7C50] =	vst v0  }
0x63: {  	[tilespmem:s0+$0x7C60] =	vst v0;
	s0 =	sshra.s32 s31, $0x2;
	s31 =	sadd.s32 $0x200, s31  }
0x64: {  	[tilespmem:s0+$0x7C70] =	vst v0  }
0x65: {  	[tilespmem:s0+$0x7C00] =	vst v0  }
0x66: {  	[tilespmem:s0+$0x7C10] =	vst v0  }
0x67: {  	[tilespmem:s0+$0x7C20] =	vst v0  }
0x68: {  	[tilespmem:s0+$0x7C30] =	vst v0  }
0x69: {  	[tilespmem:s0+$0x7C40] =	vst v0  }
0x6a: {  	[tilespmem:s0+$0x7C50] =	vst v0  }
0x6b: {  	[tilespmem:s0+$0x7C60] =	vst v0  }
0x6c: {  	[spmem:s15] =	stream.linear.scatter [tilespmem:s26], [sflag:$0x2], $0x2800, $0x38;
	[tilespmem:$0x1E000] =	vst v63  }
0x6d: {  	s3 =	rddreg [dreg:$0xd]  }
0x6e: {  	[spmem:s3] =	stream.linear.scatter [tilespmem:s26], [sflag:$0x2], $0x2800, $0x38;
	[tilespmem:$0x1E000] =	vst v63  }
0x6f: {  	s15 =	rddreg [dreg:$0x11]  }
0x70: {  	[spmem:s15] =	stream.linear.scatter [tilespmem:s26], [sflag:$0x2], $0x2800, $0x38;
	[tilespmem:$0x1E000] =	vst v63  }
0x71: {  	s29 =	rddreg [dreg:$0x12]  }
0x72: {  	[spmem:s29] =	stream.linear.scatter [tilespmem:s26], [sflag:$0x2], $0x2800, $0x38;
	[tilespmem:$0x1E000] =	vst v63  }
0x73: {  	s30 =	rddreg [dreg:$0x13]  }
0x74: {  	[spmem:s30] =	stream.linear.scatter [tilespmem:s26], [sflag:$0x2], $0x2800, $0x38;
	[tilespmem:$0x1E000] =	vst v63  }
0x75: {  	s3 =	rddreg [dreg:$0x14]  }
0x76: {  	[spmem:s3] =	stream.linear.scatter [tilespmem:s26], [sflag:$0x2], $0x2800, $0x38;
	[tilespmem:$0x1E000] =	vst v63  }
0x77: {  	s15 =	rddreg [dreg:$0x15]  }
0x78: {  	[spmem:s15] =	stream.linear.scatter [tilespmem:s26], [sflag:$0x2], $0x2800, $0x38;
	[tilespmem:$0x1E000] =	vst v63  }
0x79: {  	s29 =	rddreg [dreg:$0x16]  }
0x7a: {  	[spmem:s29] =	stream.linear.scatter [tilespmem:s26], [sflag:$0x2], $0x2400, $0x38;
	[tilespmem:$0x1E000] =	vst v63  }
0x7b: {  	_ =	swait.ge [sflag:s28], $0x2800  }
0x7c: {  	[sflag:s28] =	ssyncset.done $0x0  }
0x7d: {  	[sflag:s28] =	ssyncadd.s32 $0xFFFFD800  }
0x7e: {  	_ =	swait.ge [sflag:s28], $0x2800  }
0x7f: {  	[sflag:s28] =	ssyncset.done $0x0  }
0x80: {  	[sflag:s28] =	ssyncadd.s32 $0xFFFFD800  }
0x81: {  	_ =	swait.ge [sflag:s28], $0x2800  }
0x82: {  	[sflag:s28] =	ssyncset.done $0x0  }
0x83: {  	[sflag:s28] =	ssyncadd.s32 $0xFFFFD800  }
0x84: {  	_ =	swait.ge [sflag:s28], $0x2800  }
0x85: {  	[sflag:s28] =	ssyncset.done $0x0  }
0x86: {  	[sflag:s28] =	ssyncadd.s32 $0xFFFFD800  }
0x87: {  	_ =	swait.ge [sflag:s28], $0x2800  }
0x88: {  	[sflag:s28] =	ssyncset.done $0x0  }
0x89: {  	[sflag:s28] =	ssyncadd.s32 $0xFFFFD800  }
0x8a: {  	_ =	swait.ge [sflag:s28], $0x2800  }
0x8b: {  	[sflag:s28] =	ssyncset.done $0x0  }
0x8c: {  	[sflag:s28] =	ssyncadd.s32 $0xFFFFD800  }
0x8d: {  	_ =	swait.ge [sflag:s28], $0x2800  }
0x8e: {  	[sflag:s28] =	ssyncset.done $0x0  }
0x8f: {  	[sflag:s28] =	ssyncadd.s32 $0xFFFFD800  }
0x90: {  	_ =	swait.ge [sflag:s28], $0x2400  }
0x91: {  	[sflag:s28] =	ssyncset.done $0x0  }
0x92: {  	[sflag:s28] =	ssyncadd.s32 $0xFFFFDC00  }
0x93: {  	[bflag:$0x0] =	sbarrier.arrive $0xFFFF  }
0x94: {  	_ =	swait.ge [sflag:s13], $0x50  }
0x95: {  	s31 =	simm.s32 $0x0;
	[sflag:s13] =	ssyncset.done $0x0  }
0x96: {  	s30 =	simm.s32 $0x180;
	s0 =	rddreg [dreg:$0x10];
	[sflag:s13] =	ssyncadd.s32 $0xFFFFFFB0  }
0x97: {  	[tilespmem:s26], [sflag:$0x1] =	stream.indirect.gather [hbm4b:s1+s14], $0x80, s30, s14, $0xb8;
	[tilespmem:$0x1E000] =	vst v63  }
.LBB2_4:
0x98: {  	_ =	swait.ge [sflag:s13], $0x50  }
0x99: {  	[sflag:s13] =	ssyncset.done $0x0  }
0x9a: {  	[sflag:s13] =	ssyncadd.s32 $0xFFFFFFB0  }
0x9b: {  	_ =	swait.ge [sflag:s25], $0x2800  }
0x9c: {  	[sflag:s25] =	ssyncset.done $0x0  }
0x9d: {  	s29 =	sshrl.u32 s0, $0x3;
	[sflag:s25] =	ssyncadd.s32 $0xFFFFD800  }
0x9e: {  	[spmem:s2] =	stream.indirect.scatter.add.f32 [tilespmem:s16], [sflag:$0x2], $0x80, s9, s14, $0xb8;
	[tilespmem:$0x1E000] =	vst v63  }
0x9f: {  	s15 =	sadd.s32 s5, s29  }
0xa0: {  	[tilespmem:s4], [sflag:$0x3] =	stream.linear.gather [hbm4b:s15+s4], $0x50, $0x38;
	[tilespmem:$0x1E000] =	vst v63  }
0xa1: {  	_ =	swait.ge [sflag:s13], $0x50  }
0xa2: {  	[sflag:s13] =	ssyncset.done $0x0  }
0xa3: {  	[sflag:s13] =	ssyncadd.s32 $0xFFFFFFB0  }
0xa4: {  	_ =	swait.ge [sflag:s25], $0x2800  }
0xa5: {  	[sflag:s25] =	ssyncset.done $0x0  }
0xa6: {  	p0 =	seq.s32 s31, $0x4B0;
	[sflag:s25] =	ssyncadd.s32 $0xFFFFD800  }
0xa7: {  	[spmem:s2] =	stream.indirect.scatter.add.f32 [tilespmem:s17], [sflag:$0x2], $0x80, s10, s14, $0xb8;
	[tilespmem:$0x1E000] =	vst v63  }
0xa8: {  	s30 =	simm.s32 @!p0 $0x0;
	s3 =	simm.s32 @!p0 $0x80;
	s15 =	sadd.s32 @!p0 s31, s20  }
0xa9: {  	[tilespmem:s3], [sflag:$0x3] =	stream.linear.gather @!p0 [hbm4b:s15+s30], $0x50, $0x38;
	[tilespmem:$0x1E000] =	vst v63  }
0xaa: {  	_ =	swait.ge [sflag:s13], $0x50  }
0xab: {  	[sflag:s13] =	ssyncset.done $0x0  }
0xac: {  	[sflag:s13] =	ssyncadd.s32 $0xFFFFFFB0  }
0xad: {  	_ =	swait.ge [sflag:s25], $0x2800  }
0xae: {  	[sflag:s25] =	ssyncset.done $0x0  }
0xaf: {  	[sflag:s25] =	ssyncadd.s32 $0xFFFFD800  }
0xb0: {  	[spmem:s2] =	stream.indirect.scatter.add.f32 [tilespmem:s18], [sflag:$0x2], $0x80, s11, s14, $0xb8;
	[tilespmem:$0x1E000] =	vst v63  }
0xb1: {  	s3 =	sadd.s32 @!p0 s31, s22;
	s15 =	simm.s32 @!p0 $0x100  }
0xb2: {  	[tilespmem:s15], [sflag:$0x3] =	stream.linear.gather @!p0 [hbm4b:s3+s30], $0x50, $0x38;
	[tilespmem:$0x1E000] =	vst v63  }
0xb3: {  	_ =	swait.ge [sflag:s13], $0x50  }
0xb4: {  	[sflag:s13] =	ssyncset.done $0x0  }
0xb5: {  	[sflag:s13] =	ssyncadd.s32 $0xFFFFFFB0  }
0xb6: {  	_ =	swait.ge [sflag:s25], $0x2800  }
0xb7: {  	[sflag:s25] =	ssyncset.done $0x0  }
0xb8: {  	[sflag:s25] =	ssyncadd.s32 $0xFFFFD800  }
0xb9: {  	[spmem:s2] =	stream.indirect.scatter.add.f32 [tilespmem:s26], [sflag:$0x2], $0x80, s12, s14, $0xb8;
	[tilespmem:$0x1E000] =	vst v63  }
0xba: {  	s3 =	sadd.s32 @!p0 s31, s24;
	s15 =	simm.s32 @!p0 $0x180  }
0xbb: {  	[tilespmem:s15], [sflag:$0x3] =	stream.linear.gather @!p0 [hbm4b:s3+s30], $0x50, $0x38;
	[tilespmem:$0x1E000] =	vst v63  }
0xbc: {  	_ =	swait.ge [sflag:s28], $0x2800  }
0xbd: {  	[sflag:s28] =	ssyncset.done $0x0  }
0xbe: {  	s30 =	sadd.s32 s6, s29;
	[sflag:s28] =	ssyncadd.s32 $0xFFFFD800  }
0xbf: {  	[tilespmem:s9], [sflag:$0x3] =	stream.linear.gather [hbm4b:s30+s4], $0x50, $0x38;
	[tilespmem:$0x1E000] =	vst v63  }
0xc0: {  	_ =	swait.ge [sflag:s13], $0x50  }
0xc1: {  	[sflag:s13] =	ssyncset.done $0x0  }
.Ltmp3:
0xc2: {  	[sflag:s13] =	ssyncadd.s32 $0xFFFFFFB0;
	(pc) =	sbr.rel @p0 .LBB2_6-.Ltmp3, $4  }
0xc3: {  	[tilespmem:s16], [sflag:$0x1] =	stream.indirect.gather [hbm4b:s1+s14], $0x80, s4, s14, $0xb8;
	[tilespmem:$0x1E000] =	vst v63  }
0xc4: {  	_ =	swait.ge [sflag:s28], $0x2800  }
0xc5: {  	[sflag:s28] =	ssyncset.done $0x0  }
0xc6: {  	[sflag:s28] =	ssyncadd.s32 $0xFFFFD800  }
0xc7: {  	s3 =	sadd.s32 s31, s19  }
0xc8: {  	[tilespmem:s10], [sflag:$0x3] =	stream.linear.gather [hbm4b:s3+s4], $0x50, $0x38;
	[tilespmem:$0x1E000] =	vst v63  }
0xc9: {  	_ =	swait.ge [sflag:s13], $0x50  }
0xca: {  	[sflag:s13] =	ssyncset.done $0x0  }
0xcb: {  	[sflag:s13] =	ssyncadd.s32 $0xFFFFFFB0  }
0xcc: {  	[tilespmem:s17], [sflag:$0x1] =	stream.indirect.gather [hbm4b:s1+s14], $0x80, s7, s14, $0xb8;
	[tilespmem:$0x1E000] =	vst v63  }
0xcd: {  	_ =	swait.ge [sflag:s28], $0x2800  }
0xce: {  	[sflag:s28] =	ssyncset.done $0x0  }
0xcf: {  	s15 =	sadd.s32 s31, s21;
	[sflag:s28] =	ssyncadd.s32 $0xFFFFD800  }
0xd0: {  	[tilespmem:s11], [sflag:$0x3] =	stream.linear.gather [hbm4b:s15+s4], $0x50, $0x38;
	[tilespmem:$0x1E000] =	vst v63  }
0xd1: {  	_ =	swait.ge [sflag:s13], $0x50  }
0xd2: {  	[sflag:s13] =	ssyncset.done $0x0  }
0xd3: {  	[sflag:s13] =	ssyncadd.s32 $0xFFFFFFB0  }
0xd4: {  	[tilespmem:s18], [sflag:$0x1] =	stream.indirect.gather [hbm4b:s1+s14], $0x80, s8, s14, $0xb8;
	[tilespmem:$0x1E000] =	vst v63  }
0xd5: {  	_ =	swait.ge [sflag:s28], $0x2800  }
0xd6: {  	[sflag:s28] =	ssyncset.done $0x0  }
0xd7: {  	s29 =	sadd.s32 s31, s23;
	[sflag:s28] =	ssyncadd.s32 $0xFFFFD800  }
0xd8: {  	[tilespmem:s12], [sflag:$0x3] =	stream.linear.gather [hbm4b:s29+s4], $0x50, $0x38;
	[tilespmem:$0x1E000] =	vst v63  }
.Ltmp4:
0xd9: {  	_ = 	snop;
	(pc) =	sbr.rel .LBB2_4-.Ltmp4, $4  }
0xda: {  	_ =	swait.ge [sflag:s13], $0x50  }
0xdb: {  	s30 =	simm.s32 $0x180;
	[sflag:s13] =	ssyncset.done $0x0  }
0xdc: {  	s31 =	sadd.s32 $0x28, s31;
	s0 =	sadd.s32 $0x140, s0;
	[sflag:s13] =	ssyncadd.s32 $0xFFFFFFB0  }
0xdd: {  	[tilespmem:s26], [sflag:$0x1] =	stream.indirect.gather [hbm4b:s1+s14], $0x80, s30, s14, $0xb8;
	[tilespmem:$0x1E000] =	vst v63  }
.LBB2_7:
0xde: {  	_ =	sfence.sel $0x180000  }
0xdf: {  	[bflag:$0x0] =	sbarrier.arrive $0xFFFF  }
0xe0: {  	_ =	strace $0x90000047  }
0xe1: {  	s0 =	stileid.u32;
	[bflag:$0x2] =	sbarrier.arrive $0xFFFF  }
0xe2: {  	p0 =	sne.s32 s0, $0x0;
	s0 =	rddreg [dreg:$0x3]  }
0xe3: {  	s0 =	sadd.s32 @!p0 $0x100000, s0  }
0xe4: {  	[sflag:s0] =	ssyncadd.tile.s32 @!p0 $0x1;
	_ =	shalt  }
.Lfunc_end2:
_tile_overlayer_lowered:
.L_overlay_start_2:
0xe5: {  	(tag) =	ssettag $0x2  }
0xe6: {  	s0 =	rddreg [dreg:$0x0];
	s2 =	stileid.u32  }
0xe7: {  	s1 =	rddreg [dreg:$0x1];
	p0 =	sne.s32 s2, $0x0  }
0xe8: {  	s3 =	rddreg [dreg:$0x2];
	[bflag:$0x3] =	sbarrier.arrive $0xFFFF;
	s2 =	simm.s32 @!p0 $0x1C04  }
0xe9: {  	[timem:s3], [sflag:s2] =	dma.local @!p0 [hbm:s0], s1  }
0xea: {  	s0 =	simm.s32 @!p0 $0x4  }
0xeb: {  	_ =	swait.ge @!p0 [sflag:s0], s1  }
0xec: {  	s1 =	ssub.s32 @!p0 $0x0, s1;
	[sflag:s0] =	ssyncset.done @!p0 $0x0  }
0xed: {  	[sflag:s0] =	ssyncadd.s32 @!p0 s1  }
0xee: {  	[bflag:$0x3] =	sbarrier.arrive $0xFFFF  }
0xef: {  	_ =	shalt  }

// kernel: kernel.9.cloned.1.call-start
scs
__scs_entry_jumppad:
0x0: {  	(pc) =	sbr.rel $0x88, $3  }
0x1: {  	(tag) =	ssettag $0x0;
	lr =	simm.s32 $0x1  }
0x2: {  	[smem:$0x3F8D] =	sst lr;
	_ =	strace $0xD0000000  }
0x3: {  	_ = 	snop  }
0x4: {  	_ = 	snop  }
0x5: {  	_ = 	snop  }
0x6: {  	_ = 	snop  }
0x7: {  	_ = 	snop  }
__scs_overlays_trampoline_lowered:
0x8: {  	[smem:$0x3F9C] =	sst s0  }
0x9: {  	[smem:$0x3F9D] =	sst s1  }
0xa: {  	[smem:$0x3F9E] =	sst s2  }
0xb: {  	[smem:$0x3F9F] =	sst s3  }
0xc: {  	[smem:$0x3FA0] =	sst s4  }
0xd: {  	[smem:$0x3FA1] =	sst s5  }
0xe: {  	[smem:$0x3FA2] =	sst s6  }
0xf: {  	[smem:$0x3FA3] =	sst s7  }
0x10: {  	[smem:$0x3FA4] =	sst s8  }
0x11: {  	[smem:$0x3FA5] =	sst s9;
	s0 =	simm.s32 @!p0 $0x0  }
0x12: {  	s1 =	sld [smem:$0x3F8B];
	s0 =	simm.s32 @p0 $0x1  }
0x13: {  	[smem:$0x3FA6] =	sst s0;
	s0 =	simm.s32 @!p1 $0x0  }
0x14: {  	s2 =	sld [smem:$0x3F8A];
	s0 =	simm.s32 @p1 $0x1  }
0x15: {  	[smem:$0x3FA7] =	sst s0;
	s0 =	simm.s32 @!p2 $0x0  }
0x16: {  	s3 =	sld [smem:$0x3FDB];
	s0 =	simm.s32 @p2 $0x1  }
0x17: {  	s4 =	simm.s32 $0x1BF5;
	[smem:$0x3FA9] =	sst s0  }
0x18: {  	s0 =	sld [smem:$0x3F8C];
	_ =	swait.ge [sflag:s4], $0x0  }
0x19: {  	s7 =	sld [smem:$0x3F8D]  }
0x1a: {  	s8 =	sadd.s32 $0xFFFFE003, lr  }
0x1b: {  	s9 =	sadd.s32 $0xFFFFFEF7, lr;
	s5 =	simm.s32 $0xFFFFFFFF;
	p2 =	slt.u32 s8, $0xFFFFF086  }
0x1c: {  	p1 =	slt.u32 s9, $0xF7A;
	s5 =	simm.s32 @!p2 $0x0  }
0x1d: {  	s5 =	simm.s32 @p1 $0x1;
	p0 =	seq.s32 s7, s2  }
0x1e: {  	s7 =	smul.u32 @!p0 $0xF7A, s2;
	p2 =	seq.s32 @!p0 s5, $0x0  }
0x1f: {  	s9 =	smul.u32 $0xF7A, s1;
	s8 =	simm.s32 @!p0 $0x1BF5;
	p2 =	por !p2, p0  }
0x20: {  	[sflag:s8] =	ssyncset.s32 @!p0 $0xFFFFF086;
	s6 =	sadd.s32 @!p0 s3, s7;
	s7 =	simm.s32 @!p0 $0x108  }
0x21: {  	s3 =	sadd.s32 s3, s9;
	s6 =	sadd.s32 @!p0 $0x88, s6;
	s7 =	simm.s32 @p2 $0x1082  }
0x22: {  	[simem:s7], [sflag:s8] =	dma.local @!p0 [hbm:s6], $0xF7A  }
0x23: {  	s9 =	sor.u32 $0xD0000000, s2;
	s6 =	simm.s32 $0x108;
	_ =	swait.ge @!p0 [sflag:s8], $0x0  }
0x24: {  	s3 =	sadd.s32 $0x88, s3;
	s6 =	simm.s32 @!p1 $0x1082;
	[sflag:s4] =	ssyncset.s32 $0xFFFFF086  }
0x25: {  	[simem:s6], [sflag:s4] =	dma.local [hbm:s3], $0xF7A  }
0x26: {  	[smem:$0x3F8D] =	sst s1;
	(tag) =	ssettag s2;
	_ =	strace s9  }
0x27: {  	s1 =	sld [smem:$0x3F9D]  }
0x28: {  	s2 =	sld [smem:$0x3F9E]  }
0x29: {  	s4 =	sld [smem:$0x3FA0]  }
0x2a: {  	p0 =	seq.s32 s5, $0x0;
	s5 =	sld [smem:$0x3FA1]  }
0x2b: {  	s6 =	sld [smem:$0x3FA2]  }
0x2c: {  	s7 =	sld [smem:$0x3FA3]  }
0x2d: {  	s3 =	simm.s32 $0x108;
	s8 =	sld [smem:$0x3FA4]  }
0x2e: {  	s3 =	simm.s32 @!p0 $0x1082;
	s9 =	sld [smem:$0x3FA5]  }
0x2f: {  	lr =	sadd.s32 s0, s3;
	s0 =	sld [smem:$0x3F9C]  }
0x30: {  	s3 =	sld [smem:$0x3F9F]  }
0x31: {  	[smem:$0x3FA8] =	sst s10  }
0x32: {  	s10 =	sld [smem:$0x3FA6];
	_ =	sdelay $0x3  }
0x33: {  	p0 =	seq.s32 s10, $0x1;
	s10 =	sld [smem:$0x3FA8];
	_ =	sdelay $0x3  }
0x34: {  	[smem:$0x3FA8] =	sst s10  }
0x35: {  	s10 =	sld [smem:$0x3FA7];
	_ =	sdelay $0x3  }
0x36: {  	p1 =	seq.s32 s10, $0x1;
	s10 =	sld [smem:$0x3FA8];
	_ =	sdelay $0x3  }
0x37: {  	[smem:$0x3FA8] =	sst s10  }
0x38: {  	s10 =	sld [smem:$0x3FA9]  }
0x39: {  	_ = 	snop;
	(pc) =	sbr.ind lr, $3  }
0x3a: {  	_ = 	snop  }
0x3b: {  	_ = 	snop  }
0x3c: {  	p2 =	seq.s32 s10, $0x1;
	s10 =	sld [smem:$0x3FA8]  }
0x3d: {  	_ =	shalt  }
0x3e: {  	_ =	shalt  }
0x3f: {  	_ =	shalt  }
0x40: {  	_ =	shalt  }
0x41: {  	_ =	shalt  }
0x42: {  	_ =	shalt  }
0x43: {  	_ =	shalt  }
0x44: {  	_ =	shalt  }
0x45: {  	_ =	shalt  }
0x46: {  	_ =	shalt  }
0x47: {  	_ =	shalt  }
0x48: {  	_ =	shalt  }
0x49: {  	_ =	shalt  }
0x4a: {  	_ =	shalt  }
0x4b: {  	_ =	shalt  }
0x4c: {  	_ =	shalt  }
0x4d: {  	_ =	shalt  }
0x4e: {  	_ =	shalt  }
0x4f: {  	_ =	shalt  }
0x50: {  	_ =	shalt  }
0x51: {  	_ =	shalt  }
0x52: {  	_ =	shalt  }
0x53: {  	_ =	shalt  }
0x54: {  	_ =	shalt  }
0x55: {  	_ =	shalt  }
0x56: {  	_ =	shalt  }
0x57: {  	_ =	shalt  }
0x58: {  	_ =	shalt  }
0x59: {  	_ =	shalt  }
0x5a: {  	_ =	shalt  }
0x5b: {  	_ =	shalt  }
0x5c: {  	_ =	shalt  }
0x5d: {  	_ =	shalt  }
0x5e: {  	_ =	shalt  }
0x5f: {  	_ =	shalt  }
0x60: {  	_ =	shalt  }
0x61: {  	_ =	shalt  }
0x62: {  	_ =	shalt  }
0x63: {  	_ =	shalt  }
0x64: {  	_ =	shalt  }
0x65: {  	_ =	shalt  }
0x66: {  	_ =	shalt  }
0x67: {  	_ =	shalt  }
0x68: {  	_ =	shalt  }
0x69: {  	_ =	shalt  }
0x6a: {  	_ =	shalt  }
0x6b: {  	_ =	shalt  }
0x6c: {  	_ =	shalt  }
0x6d: {  	_ =	shalt  }
0x6e: {  	_ =	shalt  }
0x6f: {  	_ =	shalt  }
0x70: {  	_ =	shalt  }
0x71: {  	_ =	shalt  }
0x72: {  	_ =	shalt  }
0x73: {  	_ =	shalt  }
0x74: {  	_ =	shalt  }
0x75: {  	_ =	shalt  }
0x76: {  	_ =	shalt  }
0x77: {  	_ =	shalt  }
0x78: {  	_ =	shalt  }
0x79: {  	_ =	shalt  }
0x7a: {  	_ =	shalt  }
0x7b: {  	_ =	shalt  }
0x7c: {  	_ =	shalt  }
0x7d: {  	_ =	shalt  }
0x7e: {  	_ =	shalt  }
0x7f: {  	_ =	shalt  }
0x80: {  	_ =	shalt  }
0x81: {  	_ =	shalt  }
0x82: {  	_ =	shalt  }
0x83: {  	_ =	shalt  }
0x84: {  	_ =	shalt  }
0x85: {  	_ =	shalt  }
0x86: {  	_ =	shalt  }
0x87: {  	_ =	shalt  }
.Lfunc_end0:
.L_simem_size_0:
called_computation.1_lowered:
.L_overlay_start_0:
0x88: {  	s2 =	sld [smem:$0x3FD9]  }
0x89: {  	s3 =	sld [smem:$0x3FFE];
	_ =	sdelay $0x1  }
0x8a: {  	s1 =	srdreg.scid  }
0x8b: {  	s0 =	sand.u32 $0x1, s1  }
0x8c: {  	s16 =	sshll.u32 s0, $0xA;
	s2 =	sadd.s32 s3, s2  }
0x8d: {  	s2 =	sadd.s32 s2, s16  }
0x8e: {  	[smem:$0x3FB4] =	sst s2  }
0x8f: {  	_ = 	snop  }
0x90: {  	(tm) =	ssettm $0x1  }
0x91: {  	s17 =	sld [smem:$0x3FFB];
	_ =	sdelay $0x3  }
0x92: {  	_ =	strace s17  }
0x93: {  	s2 =	sld [smem:$0x3FFC];
	_ =	sdelay $0x3  }
0x94: {  	_ =	strace s2  }
0x95: {  	s2 =	sld [smem:$0x3FFD];
	_ =	sdelay $0x3  }
0x96: {  	_ =	strace s2  }
0x97: {  	_ =	strace $0x8FFFFFFF  }
0x98: {  	s18 =	sld [smem:$0x3FDB];
	_ =	sdelay $0x1  }
0x99: {  	s19 =	simm.s32 $_scs_section_size  }
0x9a: {  	s4 =	simm.s32 $_size__tile_overlayer_lowered;
	s5 =	simm.s32 $_tile_overlayer_lowered  }
0x9b: {  	s22 =	simm.s32 $0x1BFF;
	s21 =	sshll.u32 s5, $0x1;
	s2 =	sadd.s32 s19, s18  }
0x9c: {  	s6 =	simm.s32 $0x0;
	s20 =	sshll.u32 s4, $0x1;
	s4 =	sadd.s32 s21, s2  }
0x9d: {  	[timem:s6], [sflag:s22] =	dma.local [hbm:s4], s20  }
0x9e: {  	_ =	swait.ge [sflag:s22], s20  }
0x9f: {  	s3 =	ssub.s32 $0x0, s20;
	[sflag:s22] =	ssyncset.done $0x0  }
0xa0: {  	[sflag:s22] =	ssyncadd.s32 s3;
	_ =	sdelay $0x1  }
0xa1: {  	s23 =	simm.s32 $0x1B8B  }
0xa2: {  	_ =	swait.ge [sflag:s23], $0x1  }
0xa3: {  	[sflag:s23] =	ssyncset.done $0x0  }
0xa4: {  	s25 =	simm.s32 $0x1B8E;
	s24 =	sld [smem:$0x3FFE];
	[sflag:s23] =	ssyncadd.s32 $0xFFFFFFFF  }
0xa5: {  	s26 =	simm.s32 $execute0_lowered;
	[smem:$0x3FD2] =	sst s25  }
0xa6: {  	s4 =	sshll.u32 s26, $0x1;
	_ =	strace $0x80000049;
	[dreg:$0x1] =	wrdreg $0xFFFFFFFF  }
0xa7: {  	s28 =	simm.s32 $_size_execute0_lowered;
	s2 =	sadd.s32 s2, s4;
	[dreg:$0x0] =	wrdreg $0x0  }
0xa8: {  	s4 =	sshll.u32 s28, $0x1;
	[dreg:$0x2] =	wrdreg s2  }
0xa9: {  	[dreg:$0x3] =	wrdreg s4  }
0xaa: {  	[dreg:$0x4] =	wrdreg $0xC0  }
0xab: {  	_ =	task [dreg:s6], $0x5FFFF  }
0xac: {  	[dreg:$0x1] =	wrdreg $0xFFFFFFFF  }
0xad: {  	[dreg:$0x0] =	wrdreg $0x60  }
0xae: {  	[dreg:$0x2] =	wrdreg s24  }
0xaf: {  	[dreg:$0x3] =	wrdreg $0xA4000  }
0xb0: {  	[dreg:$0x4] =	wrdreg $0x9  }
0xb1: {  	_ =	task.clear_ibuf [dreg:s6], $0x5FFFF;
	_ =	strace $0x90000049  }
0xb2: {  	s29 =	simm.s32 $0x9;
	_ =	strace $0x8000004B  }
0xb3: {  	_ =	swait.ge [sflag:s29], $0x1  }
0xb4: {  	[sflag:s29] =	ssyncadd.s32 $0xFFFFFFFF  }
0xb5: {  	_ =	strace $0x9000004B  }
0xb6: {  	_ =	sfence  }
0xb7: {  	s30 =	sld [smem:$0x0];
	_ =	sdelay $0x2  }
0xb8: {  	s31 =	sshll.u32 s1, $0xD;
	s1 =	sshrl.u32 s1, $0x2  }
0xb9: {  	s3 =	sand.u32 $0x4000, s31;
	s1 =	sadd.s32 s1, s30  }
0xba: {  	s0 =	sor.u32 s3, s0;
	s1 =	sshll.u32 s1, $0x11  }
0xbb: {  	s0 =	sor.u32 s1, s0  }
0xbc: {  	s0 =	sadd.s32 $0x8F2B, s0  }
0xbd: {  	[sflag:s0] =	ssyncadd.remote.s32 $0x1  }
0xbe: {  	_ =	sfence.sel $0xFFFF  }
0xbf: {  	[dreg:$0x0] =	wrdreg $0xFFFFFFFF;
	(pc) =	sbr.abs _section_cstart, $3  }
0xc0: {  	[dreg:$0x1] =	wrdreg $0xFFFFFFFF  }
0xc1: {  	_ =	task.clear_ibuf [dreg:s6], $0x2FFFF;
	_ =	strace $0x9FFFFFFF  }
0xc2: {  	(tm) =	ssettm $0x7FFFFFFF  }
0xc3: {  	_ =	shalt  }
tec
execute0_lowered:
.L_overlay_start_1:
0x0: {  	(tag) =	ssettag $0x1  }
0x1: {  	s0 =	rddreg [dreg:$0x0]  }
0x2: {  	s1 =	rddreg [dreg:$0x1];
	s13 =	stileid.u32  }
0x3: {  	s2 =	srdreg.scid;
	s3 =	simm.s32 $0x0;
	s7 =	smul.u32 $0x13C00, s13  }
0x4: {  	s28 =	simm.s32 $0x2;
	s2 =	sand.u32 $0x1, s2;
	s11 =	smul.u32 $0x4F000, s13  }
0x5: {  	[smem:$0x7FF] =	sst s3;
	s4 =	sadd.s32 $0x17200, s0;
	s26 =	smul.u32 $0x2710, s13  }
0x6: {  	s6 =	smul.u32 $0x13C000, s2;
	s5 =	sshll.u32 s2, $0x4;
	_ =	strace $0x8000004A  }
0x7: {  	s9 =	ssub.s32 $0x2, s2;
	s2 =	smul.u32 $0x27100, s2;
	s8 =	sor.u32 s13, s5  }
0x8: {  	s5 =	sadd.s32 $0xD400, s0;
	s21 =	sshrl.u32 s9, $0x1;
	s30 =	sshrl.u32 s11, $0x2  }
0x9: {  	s7 =	sadd.s32 s7, s6;
	s8 =	smul.u32 $0x2710, s8;
	s15 =	sadd.s32 s30, s1  }
0xa: {  	s2 =	sadd.s32 s26, s2;
	s11 =	sadd.s32 $0x2800, s15;
	[dreg:$0xb] =	wrdreg s15  }
0xb: {  	s6 =	sadd.s32 $0x3600, s0;
	s17 =	sadd.s32 $0x140, s2;
	[dreg:$0xc] =	wrdreg s11  }
0xc: {  	s7 =	sshrl.u32 s7, $0x3;
	s18 =	sadd.s32 $0x5000, s15;
	[dreg:$0xf] =	wrdreg s17  }
0xd: {  	s13 =	sadd.s32 $0x1E0, s2;
	s26 =	sadd.s32 $0xA000, s15;
	[dreg:$0x10] =	wrdreg s18  }
0xe: {  	s30 =	sadd.s32 $0xF000, s15;
	s0 =	sadd.s32 s7, s0;
	[dreg:$0x12] =	wrdreg s26  }
0xf: {  	s8 =	sshrl.u32 s8, $0x3;
	s7 =	ssub.s32 s9, s21;
	[dreg:$0x14] =	wrdreg s30  }
0x10: {  	s22 =	sadd.s32 s5, s8;
	s23 =	sadd.s32 $0xA, s8;
	s24 =	sadd.s32 $0x14, s8  }
0x11: {  	s25 =	sadd.s32 $0x1E, s8;
	s8 =	sadd.s32 s6, s8;
	[dreg:$0x3] =	wrdreg s22  }
0x12: {  	s11 =	simm.s32 $0x300;
	s0 =	sadd.s32 $0x3E400, s0;
	[dreg:$0x7] =	wrdreg s8  }
0x13: {  	s17 =	simm.s32 $0x2C00;
	s7 =	smax.u32 s7, $0x1;
	[dreg:$0xd] =	wrdreg s0  }
0x14: {  	s18 =	simm.s32 $0x5400;
	s10 =	sadd.s32 s5, s23;
	[dreg:$0xe] =	wrdreg s7  }
0x15: {  	s26 =	simm.s32 $0x7C00;
	s12 =	sadd.s32 s5, s24;
	[dreg:$0x4] =	wrdreg s10  }
0x16: {  	s14 =	sadd.s32 s5, s25;
	s9 =	sadd.s32 s6, s23;
	[dreg:$0x5] =	wrdreg s12  }
0x17: {  	s29 =	sadd.s32 s6, s24;
	s31 =	sadd.s32 s6, s25;
	[dreg:$0x6] =	wrdreg s14  }
0x18: {  	s7 =	sshrl.u32 s13, $0x3;
	s25 =	sadd.s32 $0x7800, s15;
	[dreg:$0x8] =	wrdreg s9  }
0x19: {  	s13 =	simm.s32 $0x3;
	s8 =	simm.s32 $0x100;
	[dreg:$0x9] =	wrdreg s29  }
0x1a: {  	[dreg:$0xa] =	wrdreg s31;
	s12 =	sadd.s32 $0x190, s2;
	s14 =	sadd.s32 $0x230, s2  }
0x1b: {  	s21 =	sadd.s32 s7, s6;
	s22 =	sadd.s32 s7, s5;
	[dreg:$0x11] =	wrdreg s25  }
0x1c: {  	s29 =	sadd.s32 $0xC800, s15;
	s31 =	sadd.s32 $0x11800, s15;
	s9 =	simm.s32 $0x200  }
.Ltmp0:
0x1d: {  	s10 =	simm.s32 $0x280;
	s25 =	simm.s32 $0x1;
	(pc) =	sbr.rel .LBB2_1-.Ltmp0, $4  }
0x1e: {  	s7 =	simm.s32 $0x0;
	s0 =	sshrl.u32 s12, $0x3;
	[dreg:$0x13] =	wrdreg s29  }
0x1f: {  	s16 =	sshrl.u32 s14, $0x3;
	[dreg:$0x15] =	wrdreg s31;
	s12 =	simm.s32 $0x380  }
0x20: {  	s14 =	simm.s32 $0x50;
	s19 =	sadd.s32 s0, s6;
	s20 =	sadd.s32 s0, s5  }
0x21: {  	v0 =	vimm.f32 $0.0e+00;
	s23 =	sadd.s32 s16, s6;
	s24 =	sadd.s32 s16, s5;
	s16 =	simm.s32 $0x400  }
.LBB2_6:
0x22: {  	_ =	swait.ge [sflag:s28], $0x2800  }
0x23: {  	[sflag:s28] =	ssyncset.done $0x0  }
0x24: {  	[sflag:s28] =	ssyncadd.s32 $0xFFFFD800  }
0x25: {  	_ =	swait.ge [sflag:s28], $0x2800  }
0x26: {  	[sflag:s28] =	ssyncset.done $0x0  }
0x27: {  	[sflag:s28] =	ssyncadd.s32 $0xFFFFD800  }
0x28: {  	_ =	swait.ge [sflag:s13], $0x50  }
0x29: {  	[sflag:s13] =	ssyncset.done $0x0  }
0x2a: {  	[sflag:s13] =	ssyncadd.s32 $0xFFFFFFB0  }
0x2b: {  	_ =	swait.ge [sflag:s25], $0x2800  }
0x2c: {  	[sflag:s25] =	ssyncset.done $0x0  }
0x2d: {  	[sflag:s25] =	ssyncadd.s32 $0xFFFFD800  }
0x2e: {  	[spmem:s1] =	stream.indirect.scatter.add.f32 [tilespmem:s16], [sflag:$0x2], $0x80, s9, s14, $0xb8;
	[tilespmem:$0x1E000] =	vst v63  }
0x2f: {  	_ =	swait.ge [sflag:s28], $0x2800  }
0x30: {  	[sflag:s28] =	ssyncset.done $0x0  }
0x31: {  	[sflag:s28] =	ssyncadd.s32 $0xFFFFD800  }
0x32: {  	s0 =	stileid.u32;
	[bflag:$0x0] =	sbarrier.arrive $0xFFFF  }
0x33: {  	s30 =	simm.s32 $0x4;
	s0 =	sshll.u32 s0, $0x6;
	s15 =	rddreg [dreg:$0xb]  }
0x34: {  	s0 =	sor.u32 $0x1C04, s0;
	s29 =	rddreg [dreg:$0xd];
	s2 =	sshrl.u32 s15, $0x3  }
0x35: {  	[hbm:s29], [sflag:s0] =	dma.local [spmem:s2], $0x2780  }
0x36: {  	_ =	swait.ge [sflag:s30], $0x2780  }
0x37: {  	s7 =	rddreg [dreg:$0x16]  }
0x38: {  	s31 =	rddreg [dreg:$0xe];
	s7 =	sadd.s32 $0x1, s7  }
0x39: {  	p0 =	sne.s32 s7, s31  }
.Ltmp1:
0x3a: {  	_ = 	snop;
	(pc) =	sbr.rel @!p0 .LBB2_7-.Ltmp1, $3  }
0x3b: {  	_ =	sdelay $0x1  }
0x3c: {  	[sflag:s30] =	ssyncset.done $0x0  }
0x3d: {  	[sflag:s30] =	ssyncadd.s32 $0xFFFFD880  }
.LBB2_1:
0x3e: {  	[dreg:$0x16] =	wrdreg s7  }
0x3f: {  	s0 =	rddreg [dreg:$0x3]  }
0x40: {  	[tilespmem:s3], [sflag:$0x3] =	stream.linear.gather [hbm4b:s0+s3], $0x50, $0x38;
	[tilespmem:$0x1E000] =	vst v63  }
0x41: {  	s29 =	rddreg [dreg:$0x4];
	s2 =	simm.s32 $0x80  }
0x42: {  	[tilespmem:s2], [sflag:$0x3] =	stream.linear.gather [hbm4b:s29+s3], $0x50, $0x38;
	[tilespmem:$0x1E000] =	vst v63  }
0x43: {  	s30 =	rddreg [dreg:$0x5];
	s29 =	simm.s32 $0x100  }
0x44: {  	[tilespmem:s29], [sflag:$0x3] =	stream.linear.gather [hbm4b:s30+s3], $0x50, $0x38;
	[tilespmem:$0x1E000] =	vst v63  }
0x45: {  	s7 =	rddreg [dreg:$0x6];
	s30 =	simm.s32 $0x180  }
0x46: {  	[tilespmem:s30], [sflag:$0x3] =	stream.linear.gather [hbm4b:s7+s3], $0x50, $0x38;
	[tilespmem:$0x1E000] =	vst v63  }
0x47: {  	s7 =	rddreg [dreg:$0x7]  }
0x48: {  	[tilespmem:s9], [sflag:$0x3] =	stream.linear.gather [hbm4b:s7+s3], $0x50, $0x38;
	[tilespmem:$0x1E000] =	vst v63  }
0x49: {  	s30 =	rddreg [dreg:$0x8]  }
0x4a: {  	[tilespmem:s10], [sflag:$0x3] =	stream.linear.gather [hbm4b:s30+s3], $0x50, $0x38;
	[tilespmem:$0x1E000] =	vst v63  }
0x4b: {  	s7 =	rddreg [dreg:$0x9]  }
0x4c: {  	[tilespmem:s11], [sflag:$0x3] =	stream.linear.gather [hbm4b:s7+s3], $0x50, $0x38;
	[tilespmem:$0x1E000] =	vst v63  }
0x4d: {  	s30 =	rddreg [dreg:$0xa]  }
0x4e: {  	[tilespmem:s12], [sflag:$0x3] =	stream.linear.gather [hbm4b:s30+s3], $0x50, $0x38;
	[tilespmem:$0x1E000] =	vst v63  }
0x4f: {  	_ =	swait.ge [sflag:s13], $0x50  }
0x50: {  	[sflag:s13] =	ssyncset.done $0x0  }
0x51: {  	[sflag:s13] =	ssyncadd.s32 $0xFFFFFFB0  }
0x52: {  	[tilespmem:s16], [sflag:$0x1] =	stream.indirect.gather [hbm4b:s4+s14], $0x80, s3, s14, $0xb8;
	[tilespmem:$0x1E000] =	vst v63  }
0x53: {  	_ =	swait.ge [sflag:s13], $0x50  }
0x54: {  	[sflag:s13] =	ssyncset.done $0x0  }
0x55: {  	[sflag:s13] =	ssyncadd.s32 $0xFFFFFFB0  }
0x56: {  	[tilespmem:s17], [sflag:$0x1] =	stream.indirect.gather [hbm4b:s4+s14], $0x80, s2, s14, $0xb8;
	[tilespmem:$0x1E000] =	vst v63  }
0x57: {  	_ =	swait.ge [sflag:s13], $0x50  }
0x58: {  	s31 =	simm.s32 $0x200;
	[sflag:s13] =	ssyncset.done $0x0  }
0x59: {  	s0 =	simm.s32 $0x0;
	s7 =	simm.s32 $0x80;
	[sflag:s13] =	ssyncadd.s32 $0xFFFFFFB0  }
0x5a: {  	[tilespmem:s18], [sflag:$0x1] =	stream.indirect.gather [hbm4b:s4+s14], $0x80, s29, s14, $0xb8;
	[tilespmem:$0x1E000] =	vst v63  }
.LBB2_2:
0x5b: {  	p0 =	sne.s32 s31, $0x9E00;
	[tilespmem:s0+$0x7C70] =	vst v0  }
0x5c: {  	[tilespmem:s0+$0x7C00] =	vst v0  }
0x5d: {  	[tilespmem:s0+$0x7C10] =	vst v0  }
.Ltmp2:
0x5e: {  	[tilespmem:s0+$0x7C20] =	vst v0;
	(pc) =	sbr.rel @p0 .LBB2_2-.Ltmp2, $4  }
0x5f: {  	[tilespmem:s0+$0x7C30] =	vst v0  }
0x60: {  	[tilespmem:s0+$0x7C40] =	vst v0  }
0x61: {  	[tilespmem:s0+$0x7C50] =	vst v0  }
0x62: {  	[tilespmem:s0+$0x7C60] =	vst v0;
	s0 =	sshra.s32 s31, $0x2;
	s31 =	sadd.s32 $0x200, s31  }
0x63: {  	[tilespmem:s0+$0x7C70] =	vst v0  }
0x64: {  	[tilespmem:s0+$0x7C00] =	vst v0  }
0x65: {  	[tilespmem:s0+$0x7C10] =	vst v0  }
0x66: {  	[tilespmem:s0+$0x7C20] =	vst v0  }
0x67: {  	[tilespmem:s0+$0x7C30] =	vst v0  }
0x68: {  	[tilespmem:s0+$0x7C40] =	vst v0  }
0x69: {  	[tilespmem:s0+$0x7C50] =	vst v0  }
0x6a: {  	[tilespmem:s0+$0x7C60] =	vst v0  }
0x6b: {  	[spmem:s15] =	stream.linear.scatter [tilespmem:s26], [sflag:$0x2], $0x2800, $0x38;
	[tilespmem:$0x1E000] =	vst v63  }
0x6c: {  	s2 =	rddreg [dreg:$0xc]  }
0x6d: {  	[spmem:s2] =	stream.linear.scatter [tilespmem:s26], [sflag:$0x2], $0x2800, $0x38;
	[tilespmem:$0x1E000] =	vst v63  }
0x6e: {  	s15 =	rddreg [dreg:$0x10]  }
0x6f: {  	[spmem:s15] =	stream.linear.scatter [tilespmem:s26], [sflag:$0x2], $0x2800, $0x38;
	[tilespmem:$0x1E000] =	vst v63  }
0x70: {  	s29 =	rddreg [dreg:$0x11]  }
0x71: {  	[spmem:s29] =	stream.linear.scatter [tilespmem:s26], [sflag:$0x2], $0x2800, $0x38;
	[tilespmem:$0x1E000] =	vst v63  }
0x72: {  	s30 =	rddreg [dreg:$0x12]  }
0x73: {  	[spmem:s30] =	stream.linear.scatter [tilespmem:s26], [sflag:$0x2], $0x2800, $0x38;
	[tilespmem:$0x1E000] =	vst v63  }
0x74: {  	s2 =	rddreg [dreg:$0x13]  }
0x75: {  	[spmem:s2] =	stream.linear.scatter [tilespmem:s26], [sflag:$0x2], $0x2800, $0x38;
	[tilespmem:$0x1E000] =	vst v63  }
0x76: {  	s15 =	rddreg [dreg:$0x14]  }
0x77: {  	[spmem:s15] =	stream.linear.scatter [tilespmem:s26], [sflag:$0x2], $0x2800, $0x38;
	[tilespmem:$0x1E000] =	vst v63  }
0x78: {  	s29 =	rddreg [dreg:$0x15]  }
0x79: {  	[spmem:s29] =	stream.linear.scatter [tilespmem:s26], [sflag:$0x2], $0x2400, $0x38;
	[tilespmem:$0x1E000] =	vst v63  }
0x7a: {  	_ =	swait.ge [sflag:s28], $0x2800  }
0x7b: {  	[sflag:s28] =	ssyncset.done $0x0  }
0x7c: {  	[sflag:s28] =	ssyncadd.s32 $0xFFFFD800  }
0x7d: {  	_ =	swait.ge [sflag:s28], $0x2800  }
0x7e: {  	[sflag:s28] =	ssyncset.done $0x0  }
0x7f: {  	[sflag:s28] =	ssyncadd.s32 $0xFFFFD800  }
0x80: {  	_ =	swait.ge [sflag:s28], $0x2800  }
0x81: {  	[sflag:s28] =	ssyncset.done $0x0  }
0x82: {  	[sflag:s28] =	ssyncadd.s32 $0xFFFFD800  }
0x83: {  	_ =	swait.ge [sflag:s28], $0x2800  }
0x84: {  	[sflag:s28] =	ssyncset.done $0x0  }
0x85: {  	[sflag:s28] =	ssyncadd.s32 $0xFFFFD800  }
0x86: {  	_ =	swait.ge [sflag:s28], $0x2800  }
0x87: {  	[sflag:s28] =	ssyncset.done $0x0  }
0x88: {  	[sflag:s28] =	ssyncadd.s32 $0xFFFFD800  }
0x89: {  	_ =	swait.ge [sflag:s28], $0x2800  }
0x8a: {  	[sflag:s28] =	ssyncset.done $0x0  }
0x8b: {  	[sflag:s28] =	ssyncadd.s32 $0xFFFFD800  }
0x8c: {  	_ =	swait.ge [sflag:s28], $0x2800  }
0x8d: {  	[sflag:s28] =	ssyncset.done $0x0  }
0x8e: {  	[sflag:s28] =	ssyncadd.s32 $0xFFFFD800  }
0x8f: {  	_ =	swait.ge [sflag:s28], $0x2400  }
0x90: {  	[sflag:s28] =	ssyncset.done $0x0  }
0x91: {  	[sflag:s28] =	ssyncadd.s32 $0xFFFFDC00  }
0x92: {  	[bflag:$0x0] =	sbarrier.arrive $0xFFFF  }
0x93: {  	_ =	swait.ge [sflag:s13], $0x50  }
0x94: {  	s31 =	simm.s32 $0x0;
	[sflag:s13] =	ssyncset.done $0x0  }
0x95: {  	s30 =	simm.s32 $0x180;
	s0 =	rddreg [dreg:$0xf];
	[sflag:s13] =	ssyncadd.s32 $0xFFFFFFB0  }
0x96: {  	[tilespmem:s26], [sflag:$0x1] =	stream.indirect.gather [hbm4b:s4+s14], $0x80, s30, s14, $0xb8;
	[tilespmem:$0x1E000] =	vst v63  }
.LBB2_4:
0x97: {  	_ =	swait.ge [sflag:s13], $0x50  }
0x98: {  	[sflag:s13] =	ssyncset.done $0x0  }
0x99: {  	[sflag:s13] =	ssyncadd.s32 $0xFFFFFFB0  }
0x9a: {  	_ =	swait.ge [sflag:s25], $0x2800  }
0x9b: {  	[sflag:s25] =	ssyncset.done $0x0  }
0x9c: {  	s29 =	sshrl.u32 s0, $0x3;
	[sflag:s25] =	ssyncadd.s32 $0xFFFFD800  }
0x9d: {  	[spmem:s1] =	stream.indirect.scatter.add.f32 [tilespmem:s16], [sflag:$0x2], $0x80, s9, s14, $0xb8;
	[tilespmem:$0x1E000] =	vst v63  }
0x9e: {  	s15 =	sadd.s32 s5, s29  }
0x9f: {  	[tilespmem:s3], [sflag:$0x3] =	stream.linear.gather [hbm4b:s15+s3], $0x50, $0x38;
	[tilespmem:$0x1E000] =	vst v63  }
0xa0: {  	_ =	swait.ge [sflag:s13], $0x50  }
0xa1: {  	[sflag:s13] =	ssyncset.done $0x0  }
0xa2: {  	[sflag:s13] =	ssyncadd.s32 $0xFFFFFFB0  }
0xa3: {  	_ =	swait.ge [sflag:s25], $0x2800  }
0xa4: {  	[sflag:s25] =	ssyncset.done $0x0  }
0xa5: {  	p0 =	seq.s32 s31, $0x4B0;
	[sflag:s25] =	ssyncadd.s32 $0xFFFFD800  }
0xa6: {  	[spmem:s1] =	stream.indirect.scatter.add.f32 [tilespmem:s17], [sflag:$0x2], $0x80, s10, s14, $0xb8;
	[tilespmem:$0x1E000] =	vst v63  }
0xa7: {  	s30 =	simm.s32 @!p0 $0x0;
	s2 =	simm.s32 @!p0 $0x80;
	s15 =	sadd.s32 @!p0 s31, s20  }
0xa8: {  	[tilespmem:s2], [sflag:$0x3] =	stream.linear.gather @!p0 [hbm4b:s15+s30], $0x50, $0x38;
	[tilespmem:$0x1E000] =	vst v63  }
0xa9: {  	_ =	swait.ge [sflag:s13], $0x50  }
0xaa: {  	[sflag:s13] =	ssyncset.done $0x0  }
0xab: {  	[sflag:s13] =	ssyncadd.s32 $0xFFFFFFB0  }
0xac: {  	_ =	swait.ge [sflag:s25], $0x2800  }
0xad: {  	[sflag:s25] =	ssyncset.done $0x0  }
0xae: {  	[sflag:s25] =	ssyncadd.s32 $0xFFFFD800  }
0xaf: {  	[spmem:s1] =	stream.indirect.scatter.add.f32 [tilespmem:s18], [sflag:$0x2], $0x80, s11, s14, $0xb8;
	[tilespmem:$0x1E000] =	vst v63  }
0xb0: {  	s2 =	sadd.s32 @!p0 s31, s22;
	s15 =	simm.s32 @!p0 $0x100  }
0xb1: {  	[tilespmem:s15], [sflag:$0x3] =	stream.linear.gather @!p0 [hbm4b:s2+s30], $0x50, $0x38;
	[tilespmem:$0x1E000] =	vst v63  }
0xb2: {  	_ =	swait.ge [sflag:s13], $0x50  }
0xb3: {  	[sflag:s13] =	ssyncset.done $0x0  }
0xb4: {  	[sflag:s13] =	ssyncadd.s32 $0xFFFFFFB0  }
0xb5: {  	_ =	swait.ge [sflag:s25], $0x2800  }
0xb6: {  	[sflag:s25] =	ssyncset.done $0x0  }
0xb7: {  	[sflag:s25] =	ssyncadd.s32 $0xFFFFD800  }
0xb8: {  	[spmem:s1] =	stream.indirect.scatter.add.f32 [tilespmem:s26], [sflag:$0x2], $0x80, s12, s14, $0xb8;
	[tilespmem:$0x1E000] =	vst v63  }
0xb9: {  	s2 =	sadd.s32 @!p0 s31, s24;
	s15 =	simm.s32 @!p0 $0x180  }
0xba: {  	[tilespmem:s15], [sflag:$0x3] =	stream.linear.gather @!p0 [hbm4b:s2+s30], $0x50, $0x38;
	[tilespmem:$0x1E000] =	vst v63  }
0xbb: {  	_ =	swait.ge [sflag:s28], $0x2800  }
0xbc: {  	[sflag:s28] =	ssyncset.done $0x0  }
0xbd: {  	s30 =	sadd.s32 s6, s29;
	[sflag:s28] =	ssyncadd.s32 $0xFFFFD800  }
0xbe: {  	[tilespmem:s9], [sflag:$0x3] =	stream.linear.gather [hbm4b:s30+s3], $0x50, $0x38;
	[tilespmem:$0x1E000] =	vst v63  }
0xbf: {  	_ =	swait.ge [sflag:s13], $0x50  }
0xc0: {  	[sflag:s13] =	ssyncset.done $0x0  }
.Ltmp3:
0xc1: {  	[sflag:s13] =	ssyncadd.s32 $0xFFFFFFB0;
	(pc) =	sbr.rel @p0 .LBB2_6-.Ltmp3, $4  }
0xc2: {  	[tilespmem:s16], [sflag:$0x1] =	stream.indirect.gather [hbm4b:s4+s14], $0x80, s3, s14, $0xb8;
	[tilespmem:$0x1E000] =	vst v63  }
0xc3: {  	_ =	swait.ge [sflag:s28], $0x2800  }
0xc4: {  	[sflag:s28] =	ssyncset.done $0x0  }
0xc5: {  	[sflag:s28] =	ssyncadd.s32 $0xFFFFD800  }
0xc6: {  	s2 =	sadd.s32 s31, s19  }
0xc7: {  	[tilespmem:s10], [sflag:$0x3] =	stream.linear.gather [hbm4b:s2+s3], $0x50, $0x38;
	[tilespmem:$0x1E000] =	vst v63  }
0xc8: {  	_ =	swait.ge [sflag:s13], $0x50  }
0xc9: {  	[sflag:s13] =	ssyncset.done $0x0  }
0xca: {  	[sflag:s13] =	ssyncadd.s32 $0xFFFFFFB0  }
0xcb: {  	[tilespmem:s17], [sflag:$0x1] =	stream.indirect.gather [hbm4b:s4+s14], $0x80, s7, s14, $0xb8;
	[tilespmem:$0x1E000] =	vst v63  }
0xcc: {  	_ =	swait.ge [sflag:s28], $0x2800  }
0xcd: {  	[sflag:s28] =	ssyncset.done $0x0  }
0xce: {  	s15 =	sadd.s32 s31, s21;
	[sflag:s28] =	ssyncadd.s32 $0xFFFFD800  }
0xcf: {  	[tilespmem:s11], [sflag:$0x3] =	stream.linear.gather [hbm4b:s15+s3], $0x50, $0x38;
	[tilespmem:$0x1E000] =	vst v63  }
0xd0: {  	_ =	swait.ge [sflag:s13], $0x50  }
0xd1: {  	[sflag:s13] =	ssyncset.done $0x0  }
0xd2: {  	[sflag:s13] =	ssyncadd.s32 $0xFFFFFFB0  }
0xd3: {  	[tilespmem:s18], [sflag:$0x1] =	stream.indirect.gather [hbm4b:s4+s14], $0x80, s8, s14, $0xb8;
	[tilespmem:$0x1E000] =	vst v63  }
0xd4: {  	_ =	swait.ge [sflag:s28], $0x2800  }
0xd5: {  	[sflag:s28] =	ssyncset.done $0x0  }
0xd6: {  	s29 =	sadd.s32 s31, s23;
	[sflag:s28] =	ssyncadd.s32 $0xFFFFD800  }
0xd7: {  	[tilespmem:s12], [sflag:$0x3] =	stream.linear.gather [hbm4b:s29+s3], $0x50, $0x38;
	[tilespmem:$0x1E000] =	vst v63  }
.Ltmp4:
0xd8: {  	_ = 	snop;
	(pc) =	sbr.rel .LBB2_4-.Ltmp4, $4  }
0xd9: {  	_ =	swait.ge [sflag:s13], $0x50  }
0xda: {  	s30 =	simm.s32 $0x180;
	[sflag:s13] =	ssyncset.done $0x0  }
0xdb: {  	s31 =	sadd.s32 $0x28, s31;
	s0 =	sadd.s32 $0x140, s0;
	[sflag:s13] =	ssyncadd.s32 $0xFFFFFFB0  }
0xdc: {  	[tilespmem:s26], [sflag:$0x1] =	stream.indirect.gather [hbm4b:s4+s14], $0x80, s30, s14, $0xb8;
	[tilespmem:$0x1E000] =	vst v63  }
.LBB2_7:
0xdd: {  	_ =	sfence.sel $0x180000  }
0xde: {  	[bflag:$0x0] =	sbarrier.arrive $0xFFFF  }
0xdf: {  	_ =	strace $0x9000004A  }
0xe0: {  	s0 =	stileid.u32;
	[bflag:$0x2] =	sbarrier.arrive $0xFFFF  }
0xe1: {  	p0 =	sne.s32 s0, $0x0;
	s0 =	rddreg [dreg:$0x2]  }
0xe2: {  	s0 =	sadd.s32 @!p0 $0x100000, s0  }
0xe3: {  	[sflag:s0] =	ssyncadd.tile.s32 @!p0 $0x1;
	_ =	shalt  }
.Lfunc_end2:
_tile_overlayer_lowered:
.L_overlay_start_2:
0xe4: {  	(tag) =	ssettag $0x2  }
0xe5: {  	s0 =	rddreg [dreg:$0x0];
	s2 =	stileid.u32  }
0xe6: {  	s1 =	rddreg [dreg:$0x1];
	p0 =	sne.s32 s2, $0x0  }
0xe7: {  	s3 =	rddreg [dreg:$0x2];
	[bflag:$0x3] =	sbarrier.arrive $0xFFFF;
	s2 =	simm.s32 @!p0 $0x1C04  }
0xe8: {  	[timem:s3], [sflag:s2] =	dma.local @!p0 [hbm:s0], s1  }
0xe9: {  	s0 =	simm.s32 @!p0 $0x4  }
0xea: {  	_ =	swait.ge @!p0 [sflag:s0], s1  }
0xeb: {  	s1 =	ssub.s32 @!p0 $0x0, s1;
	[sflag:s0] =	ssyncset.done @!p0 $0x0  }
0xec: {  	[sflag:s0] =	ssyncadd.s32 @!p0 s1  }
0xed: {  	[bflag:$0x3] =	sbarrier.arrive $0xFFFF  }
0xee: {  	_ =	shalt  }

</sc_bundles>
